<compile_context>
chip_gen: v7x
topology: tpu7x:2x2x1
jax: 0.10.2.dev20260603
libtpu: 0.0.44.dev20260713+nightly
codegen_flags: <defaults>
</compile_context>

<pallas_src>
import jax
import jax.numpy as jnp
from jax import lax
from jax.experimental import pallas as pl
from jax.experimental.pallas import tpu as pltpu
from jax.experimental.pallas import tpu_sc as plsc

BATCH = 4096
N_TOKENS = 200
D_MODEL = 64
NC, NS, L = 2, 16, 16
NW = NC * NS
BB = 256
KPT = BATCH // BB
UNITS = N_TOKENS * KPT
UPW = UNITS // NW
IPW = UPW * BB
BBP = BB + 1


def _body(tok_hbm, table_hbm, pos_hbm, out_hbm,
          idx_v, gbuf, outv, posv, sem_g0, sem_g1, sem_w0, sem_w1):
    wid = lax.axis_index("s") * NC + lax.axis_index("c")
    u0 = wid * UPW
    u_last = u0 + UPW - 1
    sems_g = (sem_g0, sem_g1)
    sems_w = (sem_w0, sem_w1)

    d_iota = [jnp.arange(16, dtype=jnp.int32) + 16 * j for j in range(4)]

    pltpu.sync_copy(tok_hbm.at[pl.ds(wid * IPW, IPW)], idx_v)
    pltpu.sync_copy(pos_hbm, posv)

    def fire_gather(u, bank):
        i = (u - u0) * BB
        for j in range(2):
            pltpu.async_copy(table_hbm.at[idx_v.at[pl.ds(i + j * 128, 128)]],
                             gbuf.at[bank, pl.ds(j * 128, 128)], sems_g[bank])

    def drain_gather(bank):
        for j in range(2):
            pltpu.make_async_copy(table_hbm.at[idx_v.at[pl.ds(0, 128)]],
                                  gbuf.at[bank, pl.ds(j * 128, 128)],
                                  sems_g[bank]).wait()

    def compute(u, bank):
        t = u // KPT
        pv = [posv[t, pl.ds(j * L, L)] for j in range(4)]

        @plsc.parallel_loop(0, BB, unroll=8)
        def row(i):
            sp = jnp.broadcast_to(i, (16,))
            for j in range(4):
                x = gbuf[bank, i, pl.ds(j * L, L)] + pv[j]
                plsc.store_scatter(outv.at[bank], [d_iota[j], sp], x)

    def fire_writeback(u, bank):
        t = u // KPT
        k = u % KPT
        pltpu.async_copy(outv.at[bank, :, pl.ds(0, BB)],
                         out_hbm.at[t, :, pl.ds(k * BB, BB)], sems_w[bank])

    def drain_writeback(bank):
        pltpu.make_async_copy(outv.at[bank, :, pl.ds(0, BB)],
                              out_hbm.at[0, :, pl.ds(0, BB)],
                              sems_w[bank]).wait()

    fire_gather(u0, 0)
    fire_gather(u0 + 1, 1)
    drain_gather(0)
    compute(u0, 0)
    fire_writeback(u0, 0)
    fire_gather(u0 + 2, 0)
    drain_gather(1)
    compute(u0 + 1, 1)
    fire_writeback(u0 + 1, 1)

    def pair(gp, _):
        for step in range(2):
            u = u0 + 2 + 2 * gp + step
            bank = step
            other = 1 - bank
            fire_gather(jnp.minimum(u + 1, u_last), other)
            drain_gather(bank)
            drain_writeback(bank)
            compute(u, bank)
            fire_writeback(u, bank)
        return 0

    lax.fori_loop(0, (UPW - 2) // 2, pair, 0)

    drain_gather(0)
    drain_writeback(0)
    drain_writeback(1)


def kernel(tokens, token_embedding, position_embedding):
    tok_flat = tokens.T.reshape(BATCH * N_TOKENS)
    mesh = plsc.VectorSubcoreMesh(core_axis_name="c", subcore_axis_name="s",
                                  num_cores=NC, num_subcores=NS)
    run = pl.kernel(
        _body,
        out_type=jax.ShapeDtypeStruct((N_TOKENS, D_MODEL, BATCH),
                                      jnp.float32),
        mesh=mesh,
        compiler_params=pltpu.CompilerParams(use_tc_tiling_on_sc=False,
                                             needs_layout_passes=False),
        scratch_types=[
            pltpu.VMEM((IPW,), jnp.int32),
            pltpu.VMEM((2, BB, D_MODEL), jnp.float32),
            pltpu.VMEM((2, D_MODEL, BBP), jnp.float32),
            pltpu.VMEM((N_TOKENS, D_MODEL), jnp.float32),
            pltpu.SemaphoreType.DMA,
            pltpu.SemaphoreType.DMA,
            pltpu.SemaphoreType.DMA,
            pltpu.SemaphoreType.DMA,
        ],
    )
    out_p = run(tok_flat, token_embedding, position_embedding)
    return out_p.transpose(2, 0, 1)

# --- scband reference (transcript-rebuilt; emitter-appended) ---
"""Pipeline reference for scband-clipembedding-2757369004244 (READ-ONLY COPY).

The authoritative reference and input builder live on the scoring server;
editing this copy changes nothing except your own understanding.
"""

import jax, jax.numpy as jnp
import numpy as np

VOCAB = 1000000
D_MODEL = 64
N_TOKENS = 200
BATCH = 4096

def setup_inputs(seed: int = 0) -> dict:
    key = jax.random.key(seed)
    k1, k2, k3 = jax.random.split(key, 3)
    tokens = jax.random.randint(k1, (BATCH, N_TOKENS), 0, VOCAB, dtype=jnp.int64 if jax.config.read('jax_enable_x64') else jnp.int32)
    token_embedding = jax.random.normal(k2, (VOCAB, D_MODEL), dtype=jnp.float32) * 0.02
    # nn.Parameter initialized to zeros in the original; use zeros to stay faithful
    position_embedding = jnp.zeros((N_TOKENS, D_MODEL), dtype=jnp.float32)
    return {"tokens": tokens, "token_embedding": token_embedding, "position_embedding": position_embedding}

def reference(tokens, token_embedding, position_embedding):
    # x = self.token_embedding(tokens)
    x = jnp.take(token_embedding, tokens, axis=0)
    # x += self.position_embedding (broadcast over batch)
    x = x + position_embedding
    return x

if __name__ == "__main__":
    import jax
    _d = setup_inputs()
    print(jax.jit(kernel)(*tuple(_d.values())))

</pallas_src>

<mosaic_0001>
#map = affine_map<(d0, d1) -> (0)>
#map1 = affine_map<(d0, d1) -> (0, 0)>
#map2 = affine_map<(d0, d1) -> (0, 0, 0)>
module attributes {stable_mosaic.version = 14 : i64} {
  func.func @_body(%arg0: i32, %arg1: i32, %arg2: memref<819200xi32, #tpu.memory_space<hbm>>, %arg3: memref<1000000x64xf32, #tpu.memory_space<hbm>>, %arg4: memref<200x64xf32, #tpu.memory_space<hbm>>, %arg5: memref<200x64x4096xf32, #tpu.memory_space<hbm>>, %arg6: memref<25600xi32, #tpu.memory_space<vmem>>, %arg7: memref<2x256x64xf32, #tpu.memory_space<vmem>>, %arg8: memref<2x64x257xf32, #tpu.memory_space<vmem>>, %arg9: memref<200x64xf32, #tpu.memory_space<vmem>>, %arg10: memref<!tpu.dma_semaphore, #tpu.memory_space<semaphore_mem>>, %arg11: memref<!tpu.dma_semaphore, #tpu.memory_space<semaphore_mem>>, %arg12: memref<!tpu.dma_semaphore, #tpu.memory_space<semaphore_mem>>, %arg13: memref<!tpu.dma_semaphore, #tpu.memory_space<semaphore_mem>>) attributes {dimension_semantics = [#tpu.dimension_semantics<core_parallel>, #tpu.dimension_semantics<subcore_parallel>], iteration_bounds = array<i64: 2, 16>, scalar_prefetch = 0 : i64, scratch_operands = 8 : i64, tpu.core_type = #tpu.core_type<sc_vector_subcore>, window_params = [{transform_indices = #map}, {transform_indices = #map1}, {transform_indices = #map1}, {transform_indices = #map2}]} {
    %mul3A = arith.constant 2 : i32
    %mul3A_0 = arith.muli %arg1, %mul3A : i32
    %add3A = arith.addi %mul3A_0, %arg0 : i32
    %mul3A_1 = arith.constant 100 : i32
    %mul3A_2 = arith.muli %add3A, %mul3A_1 : i32
    %add3A_3 = arith.constant 100 : i32
    %add3A_4 = arith.addi %mul3A_2, %add3A_3 : i32
    %sub3A = arith.constant 1 : i32
    %sub3A_5 = arith.subi %add3A_4, %sub3A : i32
    %iota3A = tpu.iota {dimensions = array<i32: 0>} : vector<16xi32>
    %add3A_6 = arith.constant 0 : i32
    %add3A_7 = vector.broadcast %add3A_6 : i32 to vector<16xi32>
    %add3A_8 = arith.addi %iota3A, %add3A_7 : vector<16xi32>
    %iota3A_9 = tpu.iota {dimensions = array<i32: 0>} : vector<16xi32>
    %add3A_10 = arith.constant 16 : i32
    %add3A_11 = vector.broadcast %add3A_10 : i32 to vector<16xi32>
    %add3A_12 = arith.addi %iota3A_9, %add3A_11 : vector<16xi32>
    %iota3A_13 = tpu.iota {dimensions = array<i32: 0>} : vector<16xi32>
    %add3A_14 = arith.constant 32 : i32
    %add3A_15 = vector.broadcast %add3A_14 : i32 to vector<16xi32>
    %add3A_16 = arith.addi %iota3A_13, %add3A_15 : vector<16xi32>
    %iota3A_17 = tpu.iota {dimensions = array<i32: 0>} : vector<16xi32>
    %add3A_18 = arith.constant 48 : i32
    %add3A_19 = vector.broadcast %add3A_18 : i32 to vector<16xi32>
    %add3A_20 = arith.addi %iota3A_17, %add3A_19 : vector<16xi32>
    %mul3A_21 = arith.constant 25600 : i32
    %mul3A_22 = arith.muli %add3A, %mul3A_21 : i32
    "tpu.region"() ({
      %run_scoped3A = tpu.sem_alloc : memref<!tpu.dma_semaphore, #tpu.memory_space<semaphore_mem>>
      %dma_start3A_387 = tpu.memref_slice %arg2[%mul3A_22] : memref<819200xi32, #tpu.memory_space<hbm>> -> memref<25600xi32, #tpu.memory_space<hbm>>
      %dma_start3A_388 = tpu.memref_slice %arg2[%mul3A_22] : memref<819200xi32, #tpu.memory_space<hbm>> -> memref<25600xi32, #tpu.memory_space<hbm>>
      tpu.enqueue_dma source(%dma_start3A_388 : memref<25600xi32, #tpu.memory_space<hbm>>) target(%arg6 : memref<25600xi32, #tpu.memory_space<vmem>>) target_semaphore(%run_scoped3A : memref<!tpu.dma_semaphore, #tpu.memory_space<semaphore_mem>>)
      %dma_wait3A_389 = tpu.memref_slice %arg2[%mul3A_22] : memref<819200xi32, #tpu.memory_space<hbm>> -> memref<25600xi32, #tpu.memory_space<hbm>>
      %dma_wait3A_390 = tpu.memref_slice %arg2[%mul3A_22] : memref<819200xi32, #tpu.memory_space<hbm>> -> memref<25600xi32, #tpu.memory_space<hbm>>
      tpu.wait_dma2 semaphore(%run_scoped3A : memref<!tpu.dma_semaphore, #tpu.memory_space<semaphore_mem>>) src(%dma_wait3A_390 : memref<25600xi32, #tpu.memory_space<hbm>>) dst(%arg6 : memref<25600xi32, #tpu.memory_space<vmem>>)
      tpu.yield
    }) : () -> ()
    "tpu.region"() ({
      %run_scoped3A = tpu.sem_alloc : memref<!tpu.dma_semaphore, #tpu.memory_space<semaphore_mem>>
      tpu.enqueue_dma source(%arg4 : memref<200x64xf32, #tpu.memory_space<hbm>>) target(%arg9 : memref<200x64xf32, #tpu.memory_space<vmem>>) target_semaphore(%run_scoped3A : memref<!tpu.dma_semaphore, #tpu.memory_space<semaphore_mem>>)
      tpu.wait_dma2 semaphore(%run_scoped3A : memref<!tpu.dma_semaphore, #tpu.memory_space<semaphore_mem>>) src(%arg4 : memref<200x64xf32, #tpu.memory_space<hbm>>) dst(%arg9 : memref<200x64xf32, #tpu.memory_space<vmem>>)
      tpu.yield
    }) : () -> ()
    %sub3A_23 = arith.subi %mul3A_2, %mul3A_2 : i32
    %mul3A_24 = arith.constant 256 : i32
    %mul3A_25 = arith.muli %sub3A_23, %mul3A_24 : i32
    %add3A_26 = arith.constant 0 : i32
    %add3A_27 = arith.addi %mul3A_25, %add3A_26 : i32
    %dma_start3A = arith.constant 0 : i32
    %dma_start3A_28 = arith.constant 0 : i32
    %dma_start3A_29 = arith.constant 0 : i32
    %dma_start3A_30 = tpu.memref_slice %arg7[%dma_start3A, %dma_start3A_28, %dma_start3A_29] : memref<2x256x64xf32, #tpu.memory_space<vmem>> -> memref<1x128x64xf32, #tpu.memory_space<vmem>>
    %dma_start3A_31 = tpu.memref_squeeze %dma_start3A_30 : memref<1x128x64xf32, #tpu.memory_space<vmem>> -> memref<128x64xf32, #tpu.memory_space<vmem>>
    %dma_start3A_32 = tpu.memref_slice %arg6[%add3A_27] : memref<25600xi32, #tpu.memory_space<vmem>> -> memref<128xi32, #tpu.memory_space<vmem>>
    %dma_start3A_33 = arith.constant 0 : i32
    %dma_start3A_34 = arith.constant 0 : i32
    %dma_start3A_35 = tpu.memref_slice %arg3[%dma_start3A_33, %dma_start3A_34] : memref<1000000x64xf32, #tpu.memory_space<hbm>> -> memref<1000000x64xf32, #tpu.memory_space<hbm>>
    tpu.enqueue_indirect_dma source(%dma_start3A_35 : memref<1000000x64xf32, #tpu.memory_space<hbm>>) target(%dma_start3A_31 : memref<128x64xf32, #tpu.memory_space<vmem>>) offsets(%dma_start3A_32 : memref<128xi32, #tpu.memory_space<vmem>>) semaphore(%arg10 : memref<!tpu.dma_semaphore, #tpu.memory_space<semaphore_mem>>)
    %add3A_36 = arith.constant 128 : i32
    %add3A_37 = arith.addi %mul3A_25, %add3A_36 : i32
    %dma_start3A_38 = arith.constant 0 : i32
    %dma_start3A_39 = arith.constant 128 : i32
    %dma_start3A_40 = arith.constant 0 : i32
    %dma_start3A_41 = tpu.memref_slice %arg7[%dma_start3A_38, %dma_start3A_39, %dma_start3A_40] : memref<2x256x64xf32, #tpu.memory_space<vmem>> -> memref<1x128x64xf32, #tpu.memory_space<vmem>>
    %dma_start3A_42 = tpu.memref_squeeze %dma_start3A_41 : memref<1x128x64xf32, #tpu.memory_space<vmem>> -> memref<128x64xf32, #tpu.memory_space<vmem>>
    %dma_start3A_43 = tpu.memref_slice %arg6[%add3A_37] : memref<25600xi32, #tpu.memory_space<vmem>> -> memref<128xi32, #tpu.memory_space<vmem>>
    %dma_start3A_44 = arith.constant 0 : i32
    %dma_start3A_45 = arith.constant 0 : i32
    %dma_start3A_46 = tpu.memref_slice %arg3[%dma_start3A_44, %dma_start3A_45] : memref<1000000x64xf32, #tpu.memory_space<hbm>> -> memref<1000000x64xf32, #tpu.memory_space<hbm>>
    tpu.enqueue_indirect_dma source(%dma_start3A_46 : memref<1000000x64xf32, #tpu.memory_space<hbm>>) target(%dma_start3A_42 : memref<128x64xf32, #tpu.memory_space<vmem>>) offsets(%dma_start3A_43 : memref<128xi32, #tpu.memory_space<vmem>>) semaphore(%arg10 : memref<!tpu.dma_semaphore, #tpu.memory_space<semaphore_mem>>)
    %add3A_47 = arith.constant 1 : i32
    %add3A_48 = arith.addi %mul3A_2, %add3A_47 : i32
    %sub3A_49 = arith.subi %add3A_48, %mul3A_2 : i32
    %mul3A_50 = arith.constant 256 : i32
    %mul3A_51 = arith.muli %sub3A_49, %mul3A_50 : i32
    %add3A_52 = arith.constant 0 : i32
    %add3A_53 = arith.addi %mul3A_51, %add3A_52 : i32
    %dma_start3A_54 = arith.constant 1 : i32
    %dma_start3A_55 = arith.constant 0 : i32
    %dma_start3A_56 = arith.constant 0 : i32
    %dma_start3A_57 = tpu.memref_slice %arg7[%dma_start3A_54, %dma_start3A_55, %dma_start3A_56] : memref<2x256x64xf32, #tpu.memory_space<vmem>> -> memref<1x128x64xf32, #tpu.memory_space<vmem>>
    %dma_start3A_58 = tpu.memref_squeeze %dma_start3A_57 : memref<1x128x64xf32, #tpu.memory_space<vmem>> -> memref<128x64xf32, #tpu.memory_space<vmem>>
    %dma_start3A_59 = tpu.memref_slice %arg6[%add3A_53] : memref<25600xi32, #tpu.memory_space<vmem>> -> memref<128xi32, #tpu.memory_space<vmem>>
    %dma_start3A_60 = arith.constant 0 : i32
    %dma_start3A_61 = arith.constant 0 : i32
    %dma_start3A_62 = tpu.memref_slice %arg3[%dma_start3A_60, %dma_start3A_61] : memref<1000000x64xf32, #tpu.memory_space<hbm>> -> memref<1000000x64xf32, #tpu.memory_space<hbm>>
    tpu.enqueue_indirect_dma source(%dma_start3A_62 : memref<1000000x64xf32, #tpu.memory_space<hbm>>) target(%dma_start3A_58 : memref<128x64xf32, #tpu.memory_space<vmem>>) offsets(%dma_start3A_59 : memref<128xi32, #tpu.memory_space<vmem>>) semaphore(%arg11 : memref<!tpu.dma_semaphore, #tpu.memory_space<semaphore_mem>>)
    %add3A_63 = arith.constant 128 : i32
    %add3A_64 = arith.addi %mul3A_51, %add3A_63 : i32
    %dma_start3A_65 = arith.constant 1 : i32
    %dma_start3A_66 = arith.constant 128 : i32
    %dma_start3A_67 = arith.constant 0 : i32
    %dma_start3A_68 = tpu.memref_slice %arg7[%dma_start3A_65, %dma_start3A_66, %dma_start3A_67] : memref<2x256x64xf32, #tpu.memory_space<vmem>> -> memref<1x128x64xf32, #tpu.memory_space<vmem>>
    %dma_start3A_69 = tpu.memref_squeeze %dma_start3A_68 : memref<1x128x64xf32, #tpu.memory_space<vmem>> -> memref<128x64xf32, #tpu.memory_space<vmem>>
    %dma_start3A_70 = tpu.memref_slice %arg6[%add3A_64] : memref<25600xi32, #tpu.memory_space<vmem>> -> memref<128xi32, #tpu.memory_space<vmem>>
    %dma_start3A_71 = arith.constant 0 : i32
    %dma_start3A_72 = arith.constant 0 : i32
    %dma_start3A_73 = tpu.memref_slice %arg3[%dma_start3A_71, %dma_start3A_72] : memref<1000000x64xf32, #tpu.memory_space<hbm>> -> memref<1000000x64xf32, #tpu.memory_space<hbm>>
    tpu.enqueue_indirect_dma source(%dma_start3A_73 : memref<1000000x64xf32, #tpu.memory_space<hbm>>) target(%dma_start3A_69 : memref<128x64xf32, #tpu.memory_space<vmem>>) offsets(%dma_start3A_70 : memref<128xi32, #tpu.memory_space<vmem>>) semaphore(%arg11 : memref<!tpu.dma_semaphore, #tpu.memory_space<semaphore_mem>>)
    %dma_wait3A = arith.constant 0 : i32
    %dma_wait3A_74 = arith.constant 0 : i32
    %dma_wait3A_75 = arith.constant 0 : i32
    %dma_wait3A_76 = tpu.memref_slice %arg7[%dma_wait3A, %dma_wait3A_74, %dma_wait3A_75] : memref<2x256x64xf32, #tpu.memory_space<vmem>> -> memref<1x128x64xf32, #tpu.memory_space<vmem>>
    %dma_wait3A_77 = tpu.memref_squeeze %dma_wait3A_76 : memref<1x128x64xf32, #tpu.memory_space<vmem>> -> memref<128x64xf32, #tpu.memory_space<vmem>>
    %dma_wait3A_78 = arith.constant 0 : i32
    %dma_wait3A_79 = tpu.memref_slice %arg6[%dma_wait3A_78] : memref<25600xi32, #tpu.memory_space<vmem>> -> memref<128xi32, #tpu.memory_space<vmem>>
    %dma_wait3A_80 = arith.constant 0 : i32
    %dma_wait3A_81 = arith.constant 0 : i32
    %dma_wait3A_82 = tpu.memref_slice %arg3[%dma_wait3A_80, %dma_wait3A_81] : memref<1000000x64xf32, #tpu.memory_space<hbm>> -> memref<1000000x64xf32, #tpu.memory_space<hbm>>
    tpu.wait_indirect_dma semaphore(%arg10 : memref<!tpu.dma_semaphore, #tpu.memory_space<semaphore_mem>>) src(%dma_wait3A_82 : memref<1000000x64xf32, #tpu.memory_space<hbm>>) dst(%dma_wait3A_77 : memref<128x64xf32, #tpu.memory_space<vmem>>)
    %dma_wait3A_83 = arith.constant 0 : i32
    %dma_wait3A_84 = arith.constant 128 : i32
    %dma_wait3A_85 = arith.constant 0 : i32
    %dma_wait3A_86 = tpu.memref_slice %arg7[%dma_wait3A_83, %dma_wait3A_84, %dma_wait3A_85] : memref<2x256x64xf32, #tpu.memory_space<vmem>> -> memref<1x128x64xf32, #tpu.memory_space<vmem>>
    %dma_wait3A_87 = tpu.memref_squeeze %dma_wait3A_86 : memref<1x128x64xf32, #tpu.memory_space<vmem>> -> memref<128x64xf32, #tpu.memory_space<vmem>>
    %dma_wait3A_88 = arith.constant 0 : i32
    %dma_wait3A_89 = tpu.memref_slice %arg6[%dma_wait3A_88] : memref<25600xi32, #tpu.memory_space<vmem>> -> memref<128xi32, #tpu.memory_space<vmem>>
    %dma_wait3A_90 = arith.constant 0 : i32
    %dma_wait3A_91 = arith.constant 0 : i32
    %dma_wait3A_92 = tpu.memref_slice %arg3[%dma_wait3A_90, %dma_wait3A_91] : memref<1000000x64xf32, #tpu.memory_space<hbm>> -> memref<1000000x64xf32, #tpu.memory_space<hbm>>
    tpu.wait_indirect_dma semaphore(%arg10 : memref<!tpu.dma_semaphore, #tpu.memory_space<semaphore_mem>>) src(%dma_wait3A_92 : memref<1000000x64xf32, #tpu.memory_space<hbm>>) dst(%dma_wait3A_87 : memref<128x64xf32, #tpu.memory_space<vmem>>)
    %jit3A = arith.constant 16 : i32
    %div3A = arith.divsi %mul3A_2, %jit3A : i32
    %sign3A = arith.constant 0 : i32
    %sign3A_93 = arith.cmpi sgt, %mul3A_2, %sign3A : i32
    %sign3A_94 = arith.extui %sign3A_93 : i1 to i32
    %sign3A_95 = arith.constant 0 : i32
    %sign3A_96 = arith.cmpi slt, %mul3A_2, %sign3A_95 : i32
    %sign3A_97 = arith.extui %sign3A_96 : i1 to i32
    %sign3A_98 = arith.subi %sign3A_94, %sign3A_97 : i32
    %sign3A_99 = arith.constant 0 : i32
    %sign3A_100 = arith.cmpi sgt, %jit3A, %sign3A_99 : i32
    %sign3A_101 = arith.extui %sign3A_100 : i1 to i32
    %sign3A_102 = arith.constant 0 : i32
    %sign3A_103 = arith.cmpi slt, %jit3A, %sign3A_102 : i32
    %sign3A_104 = arith.extui %sign3A_103 : i1 to i32
    %sign3A_105 = arith.subi %sign3A_101, %sign3A_104 : i32
    %ne3A = arith.cmpi ne, %sign3A_98, %sign3A_105 : i32
    %rem3A = arith.remsi %mul3A_2, %jit3A : i32
    %ne3A_106 = arith.constant 0 : i32
    %ne3A_107 = arith.cmpi ne, %rem3A, %ne3A_106 : i32
    %and3A = arith.andi %ne3A, %ne3A_107 : i1
    %sub3A_108 = arith.constant 1 : i32
    %sub3A_109 = arith.subi %div3A, %sub3A_108 : i32
    %select_n3A = arith.select %and3A, %sub3A_109, %div3A : i32
    %get3A = arith.index_cast %select_n3A : i32 to index
    %get3A_110 = arith.constant 0 : index
    %get3A_111 = tpu.vector_load %arg9[%get3A, %get3A_110] {strides = array<i32>} : memref<200x64xf32, #tpu.memory_space<vmem>>, vector<16xf32>,
    %get3A_112 = arith.index_cast %select_n3A : i32 to index
    %get3A_113 = arith.constant 16 : index
    %get3A_114 = tpu.vector_load %arg9[%get3A_112, %get3A_113] {strides = array<i32>} : memref<200x64xf32, #tpu.memory_space<vmem>>, vector<16xf32>,
    %get3A_115 = arith.index_cast %select_n3A : i32 to index
    %get3A_116 = arith.constant 32 : index
    %get3A_117 = tpu.vector_load %arg9[%get3A_115, %get3A_116] {strides = array<i32>} : memref<200x64xf32, #tpu.memory_space<vmem>>, vector<16xf32>,
    %get3A_118 = arith.index_cast %select_n3A : i32 to index
    %get3A_119 = arith.constant 48 : index
    %get3A_120 = tpu.vector_load %arg9[%get3A_118, %get3A_119] {strides = array<i32>} : memref<200x64xf32, #tpu.memory_space<vmem>>, vector<16xf32>,
    %parallel_loop3A = arith.constant 0 : i32
    %parallel_loop3A_121 = arith.constant 256 : i32
    %parallel_loop3A_122 = arith.constant 1 : i32
    scf.for %parallel_loop3A_387 = %parallel_loop3A to %parallel_loop3A_121 step %parallel_loop3A_122  : i32 {
      %parallel_loop3A_388 = vector.broadcast %parallel_loop3A_387 : i32 to vector<16xi32>
      %parallel_loop3A_389 = arith.constant 0 : i32
      %parallel_loop3A_390 = arith.index_cast %parallel_loop3A_389 : i32 to index
      %parallel_loop3A_391 = arith.index_cast %parallel_loop3A_387 : i32 to index
      %parallel_loop3A_392 = arith.constant 0 : index
      %parallel_loop3A_393 = tpu.vector_load %arg7[%parallel_loop3A_390, %parallel_loop3A_391, %parallel_loop3A_392] {strides = array<i32>} : memref<2x256x64xf32, #tpu.memory_space<vmem>>, vector<16xf32>,
      %parallel_loop3A_394 = arith.addf %parallel_loop3A_393, %get3A_111 : vector<16xf32>
      %parallel_loop3A_395 = arith.constant 0 : i32
      %parallel_loop3A_396 = arith.constant 0 : i32
      %parallel_loop3A_397 = arith.constant 0 : i32
      %parallel_loop3A_398 = tpu.memref_slice %arg8[%parallel_loop3A_395, %parallel_loop3A_396, %parallel_loop3A_397] : memref<2x64x257xf32, #tpu.memory_space<vmem>> -> memref<1x64x257xf32, #tpu.memory_space<vmem>>
      %parallel_loop3A_399 = tpu.memref_squeeze %parallel_loop3A_398 : memref<1x64x257xf32, #tpu.memory_space<vmem>> -> memref<64x257xf32, #tpu.memory_space<vmem>>
      tpu.vector_store_idx %parallel_loop3A_399[%add3A_8, %parallel_loop3A_388], %parallel_loop3A_394 : memref<64x257xf32, #tpu.memory_space<vmem>>[vector<16xi32>, vector<16xi32>], vector<16xf32>,
      %parallel_loop3A_400 = arith.constant 0 : i32
      %parallel_loop3A_401 = arith.index_cast %parallel_loop3A_400 : i32 to index
      %parallel_loop3A_402 = arith.index_cast %parallel_loop3A_387 : i32 to index
      %parallel_loop3A_403 = arith.constant 16 : index
      %parallel_loop3A_404 = tpu.vector_load %arg7[%parallel_loop3A_401, %parallel_loop3A_402, %parallel_loop3A_403] {strides = array<i32>} : memref<2x256x64xf32, #tpu.memory_space<vmem>>, vector<16xf32>,
      %parallel_loop3A_405 = arith.addf %parallel_loop3A_404, %get3A_114 : vector<16xf32>
      %parallel_loop3A_406 = arith.constant 0 : i32
      %parallel_loop3A_407 = arith.constant 0 : i32
      %parallel_loop3A_408 = arith.constant 0 : i32
      %parallel_loop3A_409 = tpu.memref_slice %arg8[%parallel_loop3A_406, %parallel_loop3A_407, %parallel_loop3A_408] : memref<2x64x257xf32, #tpu.memory_space<vmem>> -> memref<1x64x257xf32, #tpu.memory_space<vmem>>
      %parallel_loop3A_410 = tpu.memref_squeeze %parallel_loop3A_409 : memref<1x64x257xf32, #tpu.memory_space<vmem>> -> memref<64x257xf32, #tpu.memory_space<vmem>>
      tpu.vector_store_idx %parallel_loop3A_410[%add3A_12, %parallel_loop3A_388], %parallel_loop3A_405 : memref<64x257xf32, #tpu.memory_space<vmem>>[vector<16xi32>, vector<16xi32>], vector<16xf32>,
      %parallel_loop3A_411 = arith.constant 0 : i32
      %parallel_loop3A_412 = arith.index_cast %parallel_loop3A_411 : i32 to index
      %parallel_loop3A_413 = arith.index_cast %parallel_loop3A_387 : i32 to index
      %parallel_loop3A_414 = arith.constant 32 : index
      %parallel_loop3A_415 = tpu.vector_load %arg7[%parallel_loop3A_412, %parallel_loop3A_413, %parallel_loop3A_414] {strides = array<i32>} : memref<2x256x64xf32, #tpu.memory_space<vmem>>, vector<16xf32>,
      %parallel_loop3A_416 = arith.addf %parallel_loop3A_415, %get3A_117 : vector<16xf32>
      %parallel_loop3A_417 = arith.constant 0 : i32
      %parallel_loop3A_418 = arith.constant 0 : i32
      %parallel_loop3A_419 = arith.constant 0 : i32
      %parallel_loop3A_420 = tpu.memref_slice %arg8[%parallel_loop3A_417, %parallel_loop3A_418, %parallel_loop3A_419] : memref<2x64x257xf32, #tpu.memory_space<vmem>> -> memref<1x64x257xf32, #tpu.memory_space<vmem>>
      %parallel_loop3A_421 = tpu.memref_squeeze %parallel_loop3A_420 : memref<1x64x257xf32, #tpu.memory_space<vmem>> -> memref<64x257xf32, #tpu.memory_space<vmem>>
      tpu.vector_store_idx %parallel_loop3A_421[%add3A_16, %parallel_loop3A_388], %parallel_loop3A_416 : memref<64x257xf32, #tpu.memory_space<vmem>>[vector<16xi32>, vector<16xi32>], vector<16xf32>,
      %parallel_loop3A_422 = arith.constant 0 : i32
      %parallel_loop3A_423 = arith.index_cast %parallel_loop3A_422 : i32 to index
      %parallel_loop3A_424 = arith.index_cast %parallel_loop3A_387 : i32 to index
      %parallel_loop3A_425 = arith.constant 48 : index
      %parallel_loop3A_426 = tpu.vector_load %arg7[%parallel_loop3A_423, %parallel_loop3A_424, %parallel_loop3A_425] {strides = array<i32>} : memref<2x256x64xf32, #tpu.memory_space<vmem>>, vector<16xf32>,
      %parallel_loop3A_427 = arith.addf %parallel_loop3A_426, %get3A_120 : vector<16xf32>
      %parallel_loop3A_428 = arith.constant 0 : i32
      %parallel_loop3A_429 = arith.constant 0 : i32
      %parallel_loop3A_430 = arith.constant 0 : i32
      %parallel_loop3A_431 = tpu.memref_slice %arg8[%parallel_loop3A_428, %parallel_loop3A_429, %parallel_loop3A_430] : memref<2x64x257xf32, #tpu.memory_space<vmem>> -> memref<1x64x257xf32, #tpu.memory_space<vmem>>
      %parallel_loop3A_432 = tpu.memref_squeeze %parallel_loop3A_431 : memref<1x64x257xf32, #tpu.memory_space<vmem>> -> memref<64x257xf32, #tpu.memory_space<vmem>>
      tpu.vector_store_idx %parallel_loop3A_432[%add3A_20, %parallel_loop3A_388], %parallel_loop3A_427 : memref<64x257xf32, #tpu.memory_space<vmem>>[vector<16xi32>, vector<16xi32>], vector<16xf32>,
    } {sc.loop_unroll_factor = 8 : i64, sc.parallel_access}
    %jit3A_123 = arith.constant 16 : i32
    %div3A_124 = arith.divsi %mul3A_2, %jit3A_123 : i32
    %sign3A_125 = arith.constant 0 : i32
    %sign3A_126 = arith.cmpi sgt, %mul3A_2, %sign3A_125 : i32
    %sign3A_127 = arith.extui %sign3A_126 : i1 to i32
    %sign3A_128 = arith.constant 0 : i32
    %sign3A_129 = arith.cmpi slt, %mul3A_2, %sign3A_128 : i32
    %sign3A_130 = arith.extui %sign3A_129 : i1 to i32
    %sign3A_131 = arith.subi %sign3A_127, %sign3A_130 : i32
    %sign3A_132 = arith.constant 0 : i32
    %sign3A_133 = arith.cmpi sgt, %jit3A_123, %sign3A_132 : i32
    %sign3A_134 = arith.extui %sign3A_133 : i1 to i32
    %sign3A_135 = arith.constant 0 : i32
    %sign3A_136 = arith.cmpi slt, %jit3A_123, %sign3A_135 : i32
    %sign3A_137 = arith.extui %sign3A_136 : i1 to i32
    %sign3A_138 = arith.subi %sign3A_134, %sign3A_137 : i32
    %ne3A_139 = arith.cmpi ne, %sign3A_131, %sign3A_138 : i32
    %rem3A_140 = arith.remsi %mul3A_2, %jit3A_123 : i32
    %ne3A_141 = arith.constant 0 : i32
    %ne3A_142 = arith.cmpi ne, %rem3A_140, %ne3A_141 : i32
    %and3A_143 = arith.andi %ne3A_139, %ne3A_142 : i1
    %sub3A_144 = arith.constant 1 : i32
    %sub3A_145 = arith.subi %div3A_124, %sub3A_144 : i32
    %select_n3A_146 = arith.select %and3A_143, %sub3A_145, %div3A_124 : i32
    %jit3A_147 = arith.constant 16 : i32
    %eq3A = arith.constant 0 : i32
    %eq3A_148 = arith.cmpi eq, %jit3A_147, %eq3A : i32
    %jit3A_149 = arith.constant 1 : i32
    %select_n3A_150 = arith.select %eq3A_148, %jit3A_149, %jit3A_147 : i32
    %rem3A_151 = arith.remsi %mul3A_2, %select_n3A_150 : i32
    %ne3A_152 = arith.constant 0 : i32
    %ne3A_153 = arith.cmpi ne, %rem3A_151, %ne3A_152 : i32
    %lt3A = arith.constant 0 : i32
    %lt3A_154 = arith.cmpi slt, %rem3A_151, %lt3A : i32
    %lt3A_155 = arith.constant 0 : i32
    %lt3A_156 = arith.cmpi slt, %select_n3A_150, %lt3A_155 : i32
    %ne3A_157 = arith.xori %lt3A_154, %lt3A_156 : i1
    %and3A_158 = arith.andi %ne3A_157, %ne3A_153 : i1
    %add3A_159 = arith.addi %rem3A_151, %select_n3A_150 : i32
    %select_n3A_160 = arith.select %and3A_158, %add3A_159, %rem3A_151 : i32
    %mul3A_161 = arith.constant 256 : i32
    %mul3A_162 = arith.muli %select_n3A_160, %mul3A_161 : i32
    %dma_start3A_163 = arith.constant 0 : i32
    %dma_start3A_164 = arith.constant 0 : i32
    %dma_start3A_165 = arith.constant 0 : i32
    %dma_start3A_166 = tpu.memref_slice %arg8[%dma_start3A_163, %dma_start3A_164, %dma_start3A_165] : memref<2x64x257xf32, #tpu.memory_space<vmem>> -> memref<1x64x256xf32, #tpu.memory_space<vmem>>
    %dma_start3A_167 = tpu.memref_squeeze %dma_start3A_166 : memref<1x64x256xf32, #tpu.memory_space<vmem>> -> memref<64x256xf32, #tpu.memory_space<vmem>>
    %dma_start3A_168 = arith.constant 0 : i32
    %dma_start3A_169 = tpu.memref_slice %arg5[%select_n3A_146, %dma_start3A_168, %mul3A_162] : memref<200x64x4096xf32, #tpu.memory_space<hbm>> -> memref<1x64x256xf32, #tpu.memory_space<hbm>>
    %dma_start3A_170 = tpu.memref_squeeze %dma_start3A_169 : memref<1x64x256xf32, #tpu.memory_space<hbm>> -> memref<64x256xf32, #tpu.memory_space<hbm>>
    %dma_start3A_171 = arith.constant 0 : i32
    %dma_start3A_172 = tpu.memref_slice %arg5[%select_n3A_146, %dma_start3A_171, %mul3A_162] : memref<200x64x4096xf32, #tpu.memory_space<hbm>> -> memref<1x64x256xf32, #tpu.memory_space<hbm>>
    %dma_start3A_173 = tpu.memref_squeeze %dma_start3A_172 : memref<1x64x256xf32, #tpu.memory_space<hbm>> -> memref<64x256xf32, #tpu.memory_space<hbm>>
    %dma_start3A_174 = arith.constant 0 : i32
    %dma_start3A_175 = arith.constant 0 : i32
    %dma_start3A_176 = tpu.memref_slice %arg8[%dma_start3A_163, %dma_start3A_174, %dma_start3A_175] : memref<2x64x257xf32, #tpu.memory_space<vmem>> -> memref<1x64x256xf32, #tpu.memory_space<vmem>>
    %dma_start3A_177 = tpu.memref_squeeze %dma_start3A_176 : memref<1x64x256xf32, #tpu.memory_space<vmem>> -> memref<64x256xf32, #tpu.memory_space<vmem>>
    tpu.enqueue_dma source(%dma_start3A_177 : memref<64x256xf32, #tpu.memory_space<vmem>>) target(%dma_start3A_173 : memref<64x256xf32, #tpu.memory_space<hbm>>) target_semaphore(%arg12 : memref<!tpu.dma_semaphore, #tpu.memory_space<semaphore_mem>>)
    %add3A_178 = arith.constant 2 : i32
    %add3A_179 = arith.addi %mul3A_2, %add3A_178 : i32
    %sub3A_180 = arith.subi %add3A_179, %mul3A_2 : i32
    %mul3A_181 = arith.constant 256 : i32
    %mul3A_182 = arith.muli %sub3A_180, %mul3A_181 : i32
    %add3A_183 = arith.constant 0 : i32
    %add3A_184 = arith.addi %mul3A_182, %add3A_183 : i32
    %dma_start3A_185 = arith.constant 0 : i32
    %dma_start3A_186 = arith.constant 0 : i32
    %dma_start3A_187 = arith.constant 0 : i32
    %dma_start3A_188 = tpu.memref_slice %arg7[%dma_start3A_185, %dma_start3A_186, %dma_start3A_187] : memref<2x256x64xf32, #tpu.memory_space<vmem>> -> memref<1x128x64xf32, #tpu.memory_space<vmem>>
    %dma_start3A_189 = tpu.memref_squeeze %dma_start3A_188 : memref<1x128x64xf32, #tpu.memory_space<vmem>> -> memref<128x64xf32, #tpu.memory_space<vmem>>
    %dma_start3A_190 = tpu.memref_slice %arg6[%add3A_184] : memref<25600xi32, #tpu.memory_space<vmem>> -> memref<128xi32, #tpu.memory_space<vmem>>
    %dma_start3A_191 = arith.constant 0 : i32
    %dma_start3A_192 = arith.constant 0 : i32
    %dma_start3A_193 = tpu.memref_slice %arg3[%dma_start3A_191, %dma_start3A_192] : memref<1000000x64xf32, #tpu.memory_space<hbm>> -> memref<1000000x64xf32, #tpu.memory_space<hbm>>
    tpu.enqueue_indirect_dma source(%dma_start3A_193 : memref<1000000x64xf32, #tpu.memory_space<hbm>>) target(%dma_start3A_189 : memref<128x64xf32, #tpu.memory_space<vmem>>) offsets(%dma_start3A_190 : memref<128xi32, #tpu.memory_space<vmem>>) semaphore(%arg10 : memref<!tpu.dma_semaphore, #tpu.memory_space<semaphore_mem>>)
    %add3A_194 = arith.constant 128 : i32
    %add3A_195 = arith.addi %mul3A_182, %add3A_194 : i32
    %dma_start3A_196 = arith.constant 0 : i32
    %dma_start3A_197 = arith.constant 128 : i32
    %dma_start3A_198 = arith.constant 0 : i32
    %dma_start3A_199 = tpu.memref_slice %arg7[%dma_start3A_196, %dma_start3A_197, %dma_start3A_198] : memref<2x256x64xf32, #tpu.memory_space<vmem>> -> memref<1x128x64xf32, #tpu.memory_space<vmem>>
    %dma_start3A_200 = tpu.memref_squeeze %dma_start3A_199 : memref<1x128x64xf32, #tpu.memory_space<vmem>> -> memref<128x64xf32, #tpu.memory_space<vmem>>
    %dma_start3A_201 = tpu.memref_slice %arg6[%add3A_195] : memref<25600xi32, #tpu.memory_space<vmem>> -> memref<128xi32, #tpu.memory_space<vmem>>
    %dma_start3A_202 = arith.constant 0 : i32
    %dma_start3A_203 = arith.constant 0 : i32
    %dma_start3A_204 = tpu.memref_slice %arg3[%dma_start3A_202, %dma_start3A_203] : memref<1000000x64xf32, #tpu.memory_space<hbm>> -> memref<1000000x64xf32, #tpu.memory_space<hbm>>
    tpu.enqueue_indirect_dma source(%dma_start3A_204 : memref<1000000x64xf32, #tpu.memory_space<hbm>>) target(%dma_start3A_200 : memref<128x64xf32, #tpu.memory_space<vmem>>) offsets(%dma_start3A_201 : memref<128xi32, #tpu.memory_space<vmem>>) semaphore(%arg10 : memref<!tpu.dma_semaphore, #tpu.memory_space<semaphore_mem>>)
    %dma_wait3A_205 = arith.constant 1 : i32
    %dma_wait3A_206 = arith.constant 0 : i32
    %dma_wait3A_207 = arith.constant 0 : i32
    %dma_wait3A_208 = tpu.memref_slice %arg7[%dma_wait3A_205, %dma_wait3A_206, %dma_wait3A_207] : memref<2x256x64xf32, #tpu.memory_space<vmem>> -> memref<1x128x64xf32, #tpu.memory_space<vmem>>
    %dma_wait3A_209 = tpu.memref_squeeze %dma_wait3A_208 : memref<1x128x64xf32, #tpu.memory_space<vmem>> -> memref<128x64xf32, #tpu.memory_space<vmem>>
    %dma_wait3A_210 = arith.constant 0 : i32
    %dma_wait3A_211 = tpu.memref_slice %arg6[%dma_wait3A_210] : memref<25600xi32, #tpu.memory_space<vmem>> -> memref<128xi32, #tpu.memory_space<vmem>>
    %dma_wait3A_212 = arith.constant 0 : i32
    %dma_wait3A_213 = arith.constant 0 : i32
    %dma_wait3A_214 = tpu.memref_slice %arg3[%dma_wait3A_212, %dma_wait3A_213] : memref<1000000x64xf32, #tpu.memory_space<hbm>> -> memref<1000000x64xf32, #tpu.memory_space<hbm>>
    tpu.wait_indirect_dma semaphore(%arg11 : memref<!tpu.dma_semaphore, #tpu.memory_space<semaphore_mem>>) src(%dma_wait3A_214 : memref<1000000x64xf32, #tpu.memory_space<hbm>>) dst(%dma_wait3A_209 : memref<128x64xf32, #tpu.memory_space<vmem>>)
    %dma_wait3A_215 = arith.constant 1 : i32
    %dma_wait3A_216 = arith.constant 128 : i32
    %dma_wait3A_217 = arith.constant 0 : i32
    %dma_wait3A_218 = tpu.memref_slice %arg7[%dma_wait3A_215, %dma_wait3A_216, %dma_wait3A_217] : memref<2x256x64xf32, #tpu.memory_space<vmem>> -> memref<1x128x64xf32, #tpu.memory_space<vmem>>
    %dma_wait3A_219 = tpu.memref_squeeze %dma_wait3A_218 : memref<1x128x64xf32, #tpu.memory_space<vmem>> -> memref<128x64xf32, #tpu.memory_space<vmem>>
    %dma_wait3A_220 = arith.constant 0 : i32
    %dma_wait3A_221 = tpu.memref_slice %arg6[%dma_wait3A_220] : memref<25600xi32, #tpu.memory_space<vmem>> -> memref<128xi32, #tpu.memory_space<vmem>>
    %dma_wait3A_222 = arith.constant 0 : i32
    %dma_wait3A_223 = arith.constant 0 : i32
    %dma_wait3A_224 = tpu.memref_slice %arg3[%dma_wait3A_222, %dma_wait3A_223] : memref<1000000x64xf32, #tpu.memory_space<hbm>> -> memref<1000000x64xf32, #tpu.memory_space<hbm>>
    tpu.wait_indirect_dma semaphore(%arg11 : memref<!tpu.dma_semaphore, #tpu.memory_space<semaphore_mem>>) src(%dma_wait3A_224 : memref<1000000x64xf32, #tpu.memory_space<hbm>>) dst(%dma_wait3A_219 : memref<128x64xf32, #tpu.memory_space<vmem>>)
    %add3A_225 = arith.constant 1 : i32
    %add3A_226 = arith.addi %mul3A_2, %add3A_225 : i32
    %jit3A_227 = arith.constant 16 : i32
    %div3A_228 = arith.divsi %add3A_226, %jit3A_227 : i32
    %sign3A_229 = arith.constant 0 : i32
    %sign3A_230 = arith.cmpi sgt, %add3A_226, %sign3A_229 : i32
    %sign3A_231 = arith.extui %sign3A_230 : i1 to i32
    %sign3A_232 = arith.constant 0 : i32
    %sign3A_233 = arith.cmpi slt, %add3A_226, %sign3A_232 : i32
    %sign3A_234 = arith.extui %sign3A_233 : i1 to i32
    %sign3A_235 = arith.subi %sign3A_231, %sign3A_234 : i32
    %sign3A_236 = arith.constant 0 : i32
    %sign3A_237 = arith.cmpi sgt, %jit3A_227, %sign3A_236 : i32
    %sign3A_238 = arith.extui %sign3A_237 : i1 to i32
    %sign3A_239 = arith.constant 0 : i32
    %sign3A_240 = arith.cmpi slt, %jit3A_227, %sign3A_239 : i32
    %sign3A_241 = arith.extui %sign3A_240 : i1 to i32
    %sign3A_242 = arith.subi %sign3A_238, %sign3A_241 : i32
    %ne3A_243 = arith.cmpi ne, %sign3A_235, %sign3A_242 : i32
    %rem3A_244 = arith.remsi %add3A_226, %jit3A_227 : i32
    %ne3A_245 = arith.constant 0 : i32
    %ne3A_246 = arith.cmpi ne, %rem3A_244, %ne3A_245 : i32
    %and3A_247 = arith.andi %ne3A_243, %ne3A_246 : i1
    %sub3A_248 = arith.constant 1 : i32
    %sub3A_249 = arith.subi %div3A_228, %sub3A_248 : i32
    %select_n3A_250 = arith.select %and3A_247, %sub3A_249, %div3A_228 : i32
    %get3A_251 = arith.index_cast %select_n3A_250 : i32 to index
    %get3A_252 = arith.constant 0 : index
    %get3A_253 = tpu.vector_load %arg9[%get3A_251, %get3A_252] {strides = array<i32>} : memref<200x64xf32, #tpu.memory_space<vmem>>, vector<16xf32>,
    %get3A_254 = arith.index_cast %select_n3A_250 : i32 to index
    %get3A_255 = arith.constant 16 : index
    %get3A_256 = tpu.vector_load %arg9[%get3A_254, %get3A_255] {strides = array<i32>} : memref<200x64xf32, #tpu.memory_space<vmem>>, vector<16xf32>,
    %get3A_257 = arith.index_cast %select_n3A_250 : i32 to index
    %get3A_258 = arith.constant 32 : index
    %get3A_259 = tpu.vector_load %arg9[%get3A_257, %get3A_258] {strides = array<i32>} : memref<200x64xf32, #tpu.memory_space<vmem>>, vector<16xf32>,
    %get3A_260 = arith.index_cast %select_n3A_250 : i32 to index
    %get3A_261 = arith.constant 48 : index
    %get3A_262 = tpu.vector_load %arg9[%get3A_260, %get3A_261] {strides = array<i32>} : memref<200x64xf32, #tpu.memory_space<vmem>>, vector<16xf32>,
    %parallel_loop3A_263 = arith.constant 0 : i32
    %parallel_loop3A_264 = arith.constant 256 : i32
    %parallel_loop3A_265 = arith.constant 1 : i32
    scf.for %parallel_loop3A_387 = %parallel_loop3A_263 to %parallel_loop3A_264 step %parallel_loop3A_265  : i32 {
      %parallel_loop3A_388 = vector.broadcast %parallel_loop3A_387 : i32 to vector<16xi32>
      %parallel_loop3A_389 = arith.constant 1 : i32
      %parallel_loop3A_390 = arith.index_cast %parallel_loop3A_389 : i32 to index
      %parallel_loop3A_391 = arith.index_cast %parallel_loop3A_387 : i32 to index
      %parallel_loop3A_392 = arith.constant 0 : index
      %parallel_loop3A_393 = tpu.vector_load %arg7[%parallel_loop3A_390, %parallel_loop3A_391, %parallel_loop3A_392] {strides = array<i32>} : memref<2x256x64xf32, #tpu.memory_space<vmem>>, vector<16xf32>,
      %parallel_loop3A_394 = arith.addf %parallel_loop3A_393, %get3A_253 : vector<16xf32>
      %parallel_loop3A_395 = arith.constant 1 : i32
      %parallel_loop3A_396 = arith.constant 0 : i32
      %parallel_loop3A_397 = arith.constant 0 : i32
      %parallel_loop3A_398 = tpu.memref_slice %arg8[%parallel_loop3A_395, %parallel_loop3A_396, %parallel_loop3A_397] : memref<2x64x257xf32, #tpu.memory_space<vmem>> -> memref<1x64x257xf32, #tpu.memory_space<vmem>>
      %parallel_loop3A_399 = tpu.memref_squeeze %parallel_loop3A_398 : memref<1x64x257xf32, #tpu.memory_space<vmem>> -> memref<64x257xf32, #tpu.memory_space<vmem>>
      tpu.vector_store_idx %parallel_loop3A_399[%add3A_8, %parallel_loop3A_388], %parallel_loop3A_394 : memref<64x257xf32, #tpu.memory_space<vmem>>[vector<16xi32>, vector<16xi32>], vector<16xf32>,
      %parallel_loop3A_400 = arith.constant 1 : i32
      %parallel_loop3A_401 = arith.index_cast %parallel_loop3A_400 : i32 to index
      %parallel_loop3A_402 = arith.index_cast %parallel_loop3A_387 : i32 to index
      %parallel_loop3A_403 = arith.constant 16 : index
      %parallel_loop3A_404 = tpu.vector_load %arg7[%parallel_loop3A_401, %parallel_loop3A_402, %parallel_loop3A_403] {strides = array<i32>} : memref<2x256x64xf32, #tpu.memory_space<vmem>>, vector<16xf32>,
      %parallel_loop3A_405 = arith.addf %parallel_loop3A_404, %get3A_256 : vector<16xf32>
      %parallel_loop3A_406 = arith.constant 1 : i32
      %parallel_loop3A_407 = arith.constant 0 : i32
      %parallel_loop3A_408 = arith.constant 0 : i32
      %parallel_loop3A_409 = tpu.memref_slice %arg8[%parallel_loop3A_406, %parallel_loop3A_407, %parallel_loop3A_408] : memref<2x64x257xf32, #tpu.memory_space<vmem>> -> memref<1x64x257xf32, #tpu.memory_space<vmem>>
      %parallel_loop3A_410 = tpu.memref_squeeze %parallel_loop3A_409 : memref<1x64x257xf32, #tpu.memory_space<vmem>> -> memref<64x257xf32, #tpu.memory_space<vmem>>
      tpu.vector_store_idx %parallel_loop3A_410[%add3A_12, %parallel_loop3A_388], %parallel_loop3A_405 : memref<64x257xf32, #tpu.memory_space<vmem>>[vector<16xi32>, vector<16xi32>], vector<16xf32>,
      %parallel_loop3A_411 = arith.constant 1 : i32
      %parallel_loop3A_412 = arith.index_cast %parallel_loop3A_411 : i32 to index
      %parallel_loop3A_413 = arith.index_cast %parallel_loop3A_387 : i32 to index
      %parallel_loop3A_414 = arith.constant 32 : index
      %parallel_loop3A_415 = tpu.vector_load %arg7[%parallel_loop3A_412, %parallel_loop3A_413, %parallel_loop3A_414] {strides = array<i32>} : memref<2x256x64xf32, #tpu.memory_space<vmem>>, vector<16xf32>,
      %parallel_loop3A_416 = arith.addf %parallel_loop3A_415, %get3A_259 : vector<16xf32>
      %parallel_loop3A_417 = arith.constant 1 : i32
      %parallel_loop3A_418 = arith.constant 0 : i32
      %parallel_loop3A_419 = arith.constant 0 : i32
      %parallel_loop3A_420 = tpu.memref_slice %arg8[%parallel_loop3A_417, %parallel_loop3A_418, %parallel_loop3A_419] : memref<2x64x257xf32, #tpu.memory_space<vmem>> -> memref<1x64x257xf32, #tpu.memory_space<vmem>>
      %parallel_loop3A_421 = tpu.memref_squeeze %parallel_loop3A_420 : memref<1x64x257xf32, #tpu.memory_space<vmem>> -> memref<64x257xf32, #tpu.memory_space<vmem>>
      tpu.vector_store_idx %parallel_loop3A_421[%add3A_16, %parallel_loop3A_388], %parallel_loop3A_416 : memref<64x257xf32, #tpu.memory_space<vmem>>[vector<16xi32>, vector<16xi32>], vector<16xf32>,
      %parallel_loop3A_422 = arith.constant 1 : i32
      %parallel_loop3A_423 = arith.index_cast %parallel_loop3A_422 : i32 to index
      %parallel_loop3A_424 = arith.index_cast %parallel_loop3A_387 : i32 to index
      %parallel_loop3A_425 = arith.constant 48 : index
      %parallel_loop3A_426 = tpu.vector_load %arg7[%parallel_loop3A_423, %parallel_loop3A_424, %parallel_loop3A_425] {strides = array<i32>} : memref<2x256x64xf32, #tpu.memory_space<vmem>>, vector<16xf32>,
      %parallel_loop3A_427 = arith.addf %parallel_loop3A_426, %get3A_262 : vector<16xf32>
      %parallel_loop3A_428 = arith.constant 1 : i32
      %parallel_loop3A_429 = arith.constant 0 : i32
      %parallel_loop3A_430 = arith.constant 0 : i32
      %parallel_loop3A_431 = tpu.memref_slice %arg8[%parallel_loop3A_428, %parallel_loop3A_429, %parallel_loop3A_430] : memref<2x64x257xf32, #tpu.memory_space<vmem>> -> memref<1x64x257xf32, #tpu.memory_space<vmem>>
      %parallel_loop3A_432 = tpu.memref_squeeze %parallel_loop3A_431 : memref<1x64x257xf32, #tpu.memory_space<vmem>> -> memref<64x257xf32, #tpu.memory_space<vmem>>
      tpu.vector_store_idx %parallel_loop3A_432[%add3A_20, %parallel_loop3A_388], %parallel_loop3A_427 : memref<64x257xf32, #tpu.memory_space<vmem>>[vector<16xi32>, vector<16xi32>], vector<16xf32>,
    } {sc.loop_unroll_factor = 8 : i64, sc.parallel_access}
    %add3A_266 = arith.constant 1 : i32
    %add3A_267 = arith.addi %mul3A_2, %add3A_266 : i32
    %jit3A_268 = arith.constant 16 : i32
    %div3A_269 = arith.divsi %add3A_267, %jit3A_268 : i32
    %sign3A_270 = arith.constant 0 : i32
    %sign3A_271 = arith.cmpi sgt, %add3A_267, %sign3A_270 : i32
    %sign3A_272 = arith.extui %sign3A_271 : i1 to i32
    %sign3A_273 = arith.constant 0 : i32
    %sign3A_274 = arith.cmpi slt, %add3A_267, %sign3A_273 : i32
    %sign3A_275 = arith.extui %sign3A_274 : i1 to i32
    %sign3A_276 = arith.subi %sign3A_272, %sign3A_275 : i32
    %sign3A_277 = arith.constant 0 : i32
    %sign3A_278 = arith.cmpi sgt, %jit3A_268, %sign3A_277 : i32
    %sign3A_279 = arith.extui %sign3A_278 : i1 to i32
    %sign3A_280 = arith.constant 0 : i32
    %sign3A_281 = arith.cmpi slt, %jit3A_268, %sign3A_280 : i32
    %sign3A_282 = arith.extui %sign3A_281 : i1 to i32
    %sign3A_283 = arith.subi %sign3A_279, %sign3A_282 : i32
    %ne3A_284 = arith.cmpi ne, %sign3A_276, %sign3A_283 : i32
    %rem3A_285 = arith.remsi %add3A_267, %jit3A_268 : i32
    %ne3A_286 = arith.constant 0 : i32
    %ne3A_287 = arith.cmpi ne, %rem3A_285, %ne3A_286 : i32
    %and3A_288 = arith.andi %ne3A_284, %ne3A_287 : i1
    %sub3A_289 = arith.constant 1 : i32
    %sub3A_290 = arith.subi %div3A_269, %sub3A_289 : i32
    %select_n3A_291 = arith.select %and3A_288, %sub3A_290, %div3A_269 : i32
    %jit3A_292 = arith.constant 16 : i32
    %eq3A_293 = arith.constant 0 : i32
    %eq3A_294 = arith.cmpi eq, %jit3A_292, %eq3A_293 : i32
    %jit3A_295 = arith.constant 1 : i32
    %select_n3A_296 = arith.select %eq3A_294, %jit3A_295, %jit3A_292 : i32
    %rem3A_297 = arith.remsi %add3A_267, %select_n3A_296 : i32
    %ne3A_298 = arith.constant 0 : i32
    %ne3A_299 = arith.cmpi ne, %rem3A_297, %ne3A_298 : i32
    %lt3A_300 = arith.constant 0 : i32
    %lt3A_301 = arith.cmpi slt, %rem3A_297, %lt3A_300 : i32
    %lt3A_302 = arith.constant 0 : i32
    %lt3A_303 = arith.cmpi slt, %select_n3A_296, %lt3A_302 : i32
    %ne3A_304 = arith.xori %lt3A_301, %lt3A_303 : i1
    %and3A_305 = arith.andi %ne3A_304, %ne3A_299 : i1
    %add3A_306 = arith.addi %rem3A_297, %select_n3A_296 : i32
    %select_n3A_307 = arith.select %and3A_305, %add3A_306, %rem3A_297 : i32
    %mul3A_308 = arith.constant 256 : i32
    %mul3A_309 = arith.muli %select_n3A_307, %mul3A_308 : i32
    %dma_start3A_310 = arith.constant 1 : i32
    %dma_start3A_311 = arith.constant 0 : i32
    %dma_start3A_312 = arith.constant 0 : i32
    %dma_start3A_313 = tpu.memref_slice %arg8[%dma_start3A_310, %dma_start3A_311, %dma_start3A_312] : memref<2x64x257xf32, #tpu.memory_space<vmem>> -> memref<1x64x256xf32, #tpu.memory_space<vmem>>
    %dma_start3A_314 = tpu.memref_squeeze %dma_start3A_313 : memref<1x64x256xf32, #tpu.memory_space<vmem>> -> memref<64x256xf32, #tpu.memory_space<vmem>>
    %dma_start3A_315 = arith.constant 0 : i32
    %dma_start3A_316 = tpu.memref_slice %arg5[%select_n3A_291, %dma_start3A_315, %mul3A_309] : memref<200x64x4096xf32, #tpu.memory_space<hbm>> -> memref<1x64x256xf32, #tpu.memory_space<hbm>>
    %dma_start3A_317 = tpu.memref_squeeze %dma_start3A_316 : memref<1x64x256xf32, #tpu.memory_space<hbm>> -> memref<64x256xf32, #tpu.memory_space<hbm>>
    %dma_start3A_318 = arith.constant 0 : i32
    %dma_start3A_319 = tpu.memref_slice %arg5[%select_n3A_291, %dma_start3A_318, %mul3A_309] : memref<200x64x4096xf32, #tpu.memory_space<hbm>> -> memref<1x64x256xf32, #tpu.memory_space<hbm>>
    %dma_start3A_320 = tpu.memref_squeeze %dma_start3A_319 : memref<1x64x256xf32, #tpu.memory_space<hbm>> -> memref<64x256xf32, #tpu.memory_space<hbm>>
    %dma_start3A_321 = arith.constant 0 : i32
    %dma_start3A_322 = arith.constant 0 : i32
    %dma_start3A_323 = tpu.memref_slice %arg8[%dma_start3A_310, %dma_start3A_321, %dma_start3A_322] : memref<2x64x257xf32, #tpu.memory_space<vmem>> -> memref<1x64x256xf32, #tpu.memory_space<vmem>>
    %dma_start3A_324 = tpu.memref_squeeze %dma_start3A_323 : memref<1x64x256xf32, #tpu.memory_space<vmem>> -> memref<64x256xf32, #tpu.memory_space<vmem>>
    tpu.enqueue_dma source(%dma_start3A_324 : memref<64x256xf32, #tpu.memory_space<vmem>>) target(%dma_start3A_320 : memref<64x256xf32, #tpu.memory_space<hbm>>) target_semaphore(%arg13 : memref<!tpu.dma_semaphore, #tpu.memory_space<semaphore_mem>>)
    %scan3A = arith.constant 0 : i32
    %scan3A_325 = arith.constant 0 : i32
    %scan3A_326 = arith.constant 49 : i32
    %scan3A_327 = arith.addi %scan3A_325, %scan3A_326 : i32
    %scan3A_328 = arith.constant 1 : i32
    %scan3A_329 = scf.for %scan3A_387 = %scan3A_325 to %scan3A_327 step %scan3A_328 iter_args(%scan3A_388 = %scan3A) -> (i32)  : i32 {
      %add3A_389 = arith.constant 2 : i32
      %add3A_390 = arith.addi %mul3A_2, %add3A_389 : i32
      %mul3A_391 = arith.constant 2 : i32
      %mul3A_392 = arith.muli %mul3A_391, %scan3A_387 : i32
      %add3A_393 = arith.addi %add3A_390, %mul3A_392 : i32
      %add3A_394 = arith.constant 0 : i32
      %add3A_395 = arith.addi %add3A_393, %add3A_394 : i32
      %add3A_396 = arith.constant 1 : i32
      %add3A_397 = arith.addi %add3A_395, %add3A_396 : i32
      %min3A = arith.minsi %add3A_397, %sub3A_5 : i32
      %sub3A_398 = arith.subi %min3A, %mul3A_2 : i32
      %mul3A_399 = arith.constant 256 : i32
      %mul3A_400 = arith.muli %sub3A_398, %mul3A_399 : i32
      %add3A_401 = arith.constant 0 : i32
      %add3A_402 = arith.addi %mul3A_400, %add3A_401 : i32
      %dma_start3A_403 = arith.constant 1 : i32
      %dma_start3A_404 = arith.constant 0 : i32
      %dma_start3A_405 = arith.constant 0 : i32
      %dma_start3A_406 = tpu.memref_slice %arg7[%dma_start3A_403, %dma_start3A_404, %dma_start3A_405] : memref<2x256x64xf32, #tpu.memory_space<vmem>> -> memref<1x128x64xf32, #tpu.memory_space<vmem>>
      %dma_start3A_407 = tpu.memref_squeeze %dma_start3A_406 : memref<1x128x64xf32, #tpu.memory_space<vmem>> -> memref<128x64xf32, #tpu.memory_space<vmem>>
      %dma_start3A_408 = tpu.memref_slice %arg6[%add3A_402] : memref<25600xi32, #tpu.memory_space<vmem>> -> memref<128xi32, #tpu.memory_space<vmem>>
      %dma_start3A_409 = arith.constant 0 : i32
      %dma_start3A_410 = arith.constant 0 : i32
      %dma_start3A_411 = tpu.memref_slice %arg3[%dma_start3A_409, %dma_start3A_410] : memref<1000000x64xf32, #tpu.memory_space<hbm>> -> memref<1000000x64xf32, #tpu.memory_space<hbm>>
      tpu.enqueue_indirect_dma source(%dma_start3A_411 : memref<1000000x64xf32, #tpu.memory_space<hbm>>) target(%dma_start3A_407 : memref<128x64xf32, #tpu.memory_space<vmem>>) offsets(%dma_start3A_408 : memref<128xi32, #tpu.memory_space<vmem>>) semaphore(%arg11 : memref<!tpu.dma_semaphore, #tpu.memory_space<semaphore_mem>>)
      %add3A_412 = arith.constant 128 : i32
      %add3A_413 = arith.addi %mul3A_400, %add3A_412 : i32
      %dma_start3A_414 = arith.constant 1 : i32
      %dma_start3A_415 = arith.constant 128 : i32
      %dma_start3A_416 = arith.constant 0 : i32
      %dma_start3A_417 = tpu.memref_slice %arg7[%dma_start3A_414, %dma_start3A_415, %dma_start3A_416] : memref<2x256x64xf32, #tpu.memory_space<vmem>> -> memref<1x128x64xf32, #tpu.memory_space<vmem>>
      %dma_start3A_418 = tpu.memref_squeeze %dma_start3A_417 : memref<1x128x64xf32, #tpu.memory_space<vmem>> -> memref<128x64xf32, #tpu.memory_space<vmem>>
      %dma_start3A_419 = tpu.memref_slice %arg6[%add3A_413] : memref<25600xi32, #tpu.memory_space<vmem>> -> memref<128xi32, #tpu.memory_space<vmem>>
      %dma_start3A_420 = arith.constant 0 : i32
      %dma_start3A_421 = arith.constant 0 : i32
      %dma_start3A_422 = tpu.memref_slice %arg3[%dma_start3A_420, %dma_start3A_421] : memref<1000000x64xf32, #tpu.memory_space<hbm>> -> memref<1000000x64xf32, #tpu.memory_space<hbm>>
      tpu.enqueue_indirect_dma source(%dma_start3A_422 : memref<1000000x64xf32, #tpu.memory_space<hbm>>) target(%dma_start3A_418 : memref<128x64xf32, #tpu.memory_space<vmem>>) offsets(%dma_start3A_419 : memref<128xi32, #tpu.memory_space<vmem>>) semaphore(%arg11 : memref<!tpu.dma_semaphore, #tpu.memory_space<semaphore_mem>>)
      %dma_wait3A_423 = arith.constant 0 : i32
      %dma_wait3A_424 = arith.constant 0 : i32
      %dma_wait3A_425 = arith.constant 0 : i32
      %dma_wait3A_426 = tpu.memref_slice %arg7[%dma_wait3A_423, %dma_wait3A_424, %dma_wait3A_425] : memref<2x256x64xf32, #tpu.memory_space<vmem>> -> memref<1x128x64xf32, #tpu.memory_space<vmem>>
      %dma_wait3A_427 = tpu.memref_squeeze %dma_wait3A_426 : memref<1x128x64xf32, #tpu.memory_space<vmem>> -> memref<128x64xf32, #tpu.memory_space<vmem>>
      %dma_wait3A_428 = arith.constant 0 : i32
      %dma_wait3A_429 = tpu.memref_slice %arg6[%dma_wait3A_428] : memref<25600xi32, #tpu.memory_space<vmem>> -> memref<128xi32, #tpu.memory_space<vmem>>
      %dma_wait3A_430 = arith.constant 0 : i32
      %dma_wait3A_431 = arith.constant 0 : i32
      %dma_wait3A_432 = tpu.memref_slice %arg3[%dma_wait3A_430, %dma_wait3A_431] : memref<1000000x64xf32, #tpu.memory_space<hbm>> -> memref<1000000x64xf32, #tpu.memory_space<hbm>>
      tpu.wait_indirect_dma semaphore(%arg10 : memref<!tpu.dma_semaphore, #tpu.memory_space<semaphore_mem>>) src(%dma_wait3A_432 : memref<1000000x64xf32, #tpu.memory_space<hbm>>) dst(%dma_wait3A_427 : memref<128x64xf32, #tpu.memory_space<vmem>>)
      %dma_wait3A_433 = arith.constant 0 : i32
      %dma_wait3A_434 = arith.constant 128 : i32
      %dma_wait3A_435 = arith.constant 0 : i32
      %dma_wait3A_436 = tpu.memref_slice %arg7[%dma_wait3A_433, %dma_wait3A_434, %dma_wait3A_435] : memref<2x256x64xf32, #tpu.memory_space<vmem>> -> memref<1x128x64xf32, #tpu.memory_space<vmem>>
      %dma_wait3A_437 = tpu.memref_squeeze %dma_wait3A_436 : memref<1x128x64xf32, #tpu.memory_space<vmem>> -> memref<128x64xf32, #tpu.memory_space<vmem>>
      %dma_wait3A_438 = arith.constant 0 : i32
      %dma_wait3A_439 = tpu.memref_slice %arg6[%dma_wait3A_438] : memref<25600xi32, #tpu.memory_space<vmem>> -> memref<128xi32, #tpu.memory_space<vmem>>
      %dma_wait3A_440 = arith.constant 0 : i32
      %dma_wait3A_441 = arith.constant 0 : i32
      %dma_wait3A_442 = tpu.memref_slice %arg3[%dma_wait3A_440, %dma_wait3A_441] : memref<1000000x64xf32, #tpu.memory_space<hbm>> -> memref<1000000x64xf32, #tpu.memory_space<hbm>>
      tpu.wait_indirect_dma semaphore(%arg10 : memref<!tpu.dma_semaphore, #tpu.memory_space<semaphore_mem>>) src(%dma_wait3A_442 : memref<1000000x64xf32, #tpu.memory_space<hbm>>) dst(%dma_wait3A_437 : memref<128x64xf32, #tpu.memory_space<vmem>>)
      %dma_wait3A_443 = arith.constant 0 : i32
      %dma_wait3A_444 = arith.constant 0 : i32
      %dma_wait3A_445 = arith.constant 0 : i32
      %dma_wait3A_446 = arith.constant 0 : i32
      %dma_wait3A_447 = tpu.memref_slice %arg8[%dma_wait3A_443, %dma_wait3A_445, %dma_wait3A_446] : memref<2x64x257xf32, #tpu.memory_space<vmem>> -> memref<1x64x256xf32, #tpu.memory_space<vmem>>
      %dma_wait3A_448 = tpu.memref_squeeze %dma_wait3A_447 : memref<1x64x256xf32, #tpu.memory_space<vmem>> -> memref<64x256xf32, #tpu.memory_space<vmem>>
      %dma_wait3A_449 = arith.constant 0 : i32
      %dma_wait3A_450 = arith.constant 0 : i32
      %dma_wait3A_451 = tpu.memref_slice %arg5[%dma_wait3A_444, %dma_wait3A_449, %dma_wait3A_450] : memref<200x64x4096xf32, #tpu.memory_space<hbm>> -> memref<1x64x256xf32, #tpu.memory_space<hbm>>
      %dma_wait3A_452 = tpu.memref_squeeze %dma_wait3A_451 : memref<1x64x256xf32, #tpu.memory_space<hbm>> -> memref<64x256xf32, #tpu.memory_space<hbm>>
      %dma_wait3A_453 = arith.constant 0 : i32
      %dma_wait3A_454 = arith.constant 0 : i32
      %dma_wait3A_455 = tpu.memref_slice %arg5[%dma_wait3A_444, %dma_wait3A_453, %dma_wait3A_454] : memref<200x64x4096xf32, #tpu.memory_space<hbm>> -> memref<1x64x256xf32, #tpu.memory_space<hbm>>
      %dma_wait3A_456 = tpu.memref_squeeze %dma_wait3A_455 : memref<1x64x256xf32, #tpu.memory_space<hbm>> -> memref<64x256xf32, #tpu.memory_space<hbm>>
      %dma_wait3A_457 = arith.constant 0 : i32
      %dma_wait3A_458 = arith.constant 0 : i32
      %dma_wait3A_459 = tpu.memref_slice %arg8[%dma_wait3A_443, %dma_wait3A_457, %dma_wait3A_458] : memref<2x64x257xf32, #tpu.memory_space<vmem>> -> memref<1x64x256xf32, #tpu.memory_space<vmem>>
      %dma_wait3A_460 = tpu.memref_squeeze %dma_wait3A_459 : memref<1x64x256xf32, #tpu.memory_space<vmem>> -> memref<64x256xf32, #tpu.memory_space<vmem>>
      tpu.wait_dma2 semaphore(%arg12 : memref<!tpu.dma_semaphore, #tpu.memory_space<semaphore_mem>>) src(%dma_wait3A_460 : memref<64x256xf32, #tpu.memory_space<vmem>>) dst(%dma_wait3A_456 : memref<64x256xf32, #tpu.memory_space<hbm>>)
      %jit3A_461 = arith.constant 16 : i32
      %div3A_462 = arith.divsi %add3A_395, %jit3A_461 : i32
      %sign3A_463 = arith.constant 0 : i32
      %sign3A_464 = arith.cmpi sgt, %add3A_395, %sign3A_463 : i32
      %sign3A_465 = arith.extui %sign3A_464 : i1 to i32
      %sign3A_466 = arith.constant 0 : i32
      %sign3A_467 = arith.cmpi slt, %add3A_395, %sign3A_466 : i32
      %sign3A_468 = arith.extui %sign3A_467 : i1 to i32
      %sign3A_469 = arith.subi %sign3A_465, %sign3A_468 : i32
      %sign3A_470 = arith.constant 0 : i32
      %sign3A_471 = arith.cmpi sgt, %jit3A_461, %sign3A_470 : i32
      %sign3A_472 = arith.extui %sign3A_471 : i1 to i32
      %sign3A_473 = arith.constant 0 : i32
      %sign3A_474 = arith.cmpi slt, %jit3A_461, %sign3A_473 : i32
      %sign3A_475 = arith.extui %sign3A_474 : i1 to i32
      %sign3A_476 = arith.subi %sign3A_472, %sign3A_475 : i32
      %ne3A_477 = arith.cmpi ne, %sign3A_469, %sign3A_476 : i32
      %rem3A_478 = arith.remsi %add3A_395, %jit3A_461 : i32
      %ne3A_479 = arith.constant 0 : i32
      %ne3A_480 = arith.cmpi ne, %rem3A_478, %ne3A_479 : i32
      %and3A_481 = arith.andi %ne3A_477, %ne3A_480 : i1
      %sub3A_482 = arith.constant 1 : i32
      %sub3A_483 = arith.subi %div3A_462, %sub3A_482 : i32
      %select_n3A_484 = arith.select %and3A_481, %sub3A_483, %div3A_462 : i32
      %get3A_485 = arith.index_cast %select_n3A_484 : i32 to index
      %get3A_486 = arith.constant 0 : index
      %get3A_487 = tpu.vector_load %arg9[%get3A_485, %get3A_486] {strides = array<i32>} : memref<200x64xf32, #tpu.memory_space<vmem>>, vector<16xf32>,
      %get3A_488 = arith.index_cast %select_n3A_484 : i32 to index
      %get3A_489 = arith.constant 16 : index
      %get3A_490 = tpu.vector_load %arg9[%get3A_488, %get3A_489] {strides = array<i32>} : memref<200x64xf32, #tpu.memory_space<vmem>>, vector<16xf32>,
      %get3A_491 = arith.index_cast %select_n3A_484 : i32 to index
      %get3A_492 = arith.constant 32 : index
      %get3A_493 = tpu.vector_load %arg9[%get3A_491, %get3A_492] {strides = array<i32>} : memref<200x64xf32, #tpu.memory_space<vmem>>, vector<16xf32>,
      %get3A_494 = arith.index_cast %select_n3A_484 : i32 to index
      %get3A_495 = arith.constant 48 : index
      %get3A_496 = tpu.vector_load %arg9[%get3A_494, %get3A_495] {strides = array<i32>} : memref<200x64xf32, #tpu.memory_space<vmem>>, vector<16xf32>,
      %parallel_loop3A_497 = arith.constant 0 : i32
      %parallel_loop3A_498 = arith.constant 256 : i32
      %parallel_loop3A_499 = arith.constant 1 : i32
      scf.for %parallel_loop3A_727 = %parallel_loop3A_497 to %parallel_loop3A_498 step %parallel_loop3A_499  : i32 {
        %parallel_loop3A_728 = vector.broadcast %parallel_loop3A_727 : i32 to vector<16xi32>
        %parallel_loop3A_729 = arith.constant 0 : i32
        %parallel_loop3A_730 = arith.index_cast %parallel_loop3A_729 : i32 to index
        %parallel_loop3A_731 = arith.index_cast %parallel_loop3A_727 : i32 to index
        %parallel_loop3A_732 = arith.constant 0 : index
        %parallel_loop3A_733 = tpu.vector_load %arg7[%parallel_loop3A_730, %parallel_loop3A_731, %parallel_loop3A_732] {strides = array<i32>} : memref<2x256x64xf32, #tpu.memory_space<vmem>>, vector<16xf32>,
        %parallel_loop3A_734 = arith.addf %parallel_loop3A_733, %get3A_487 : vector<16xf32>
        %parallel_loop3A_735 = arith.constant 0 : i32
        %parallel_loop3A_736 = arith.constant 0 : i32
        %parallel_loop3A_737 = arith.constant 0 : i32
        %parallel_loop3A_738 = tpu.memref_slice %arg8[%parallel_loop3A_735, %parallel_loop3A_736, %parallel_loop3A_737] : memref<2x64x257xf32, #tpu.memory_space<vmem>> -> memref<1x64x257xf32, #tpu.memory_space<vmem>>
        %parallel_loop3A_739 = tpu.memref_squeeze %parallel_loop3A_738 : memref<1x64x257xf32, #tpu.memory_space<vmem>> -> memref<64x257xf32, #tpu.memory_space<vmem>>
        tpu.vector_store_idx %parallel_loop3A_739[%add3A_8, %parallel_loop3A_728], %parallel_loop3A_734 : memref<64x257xf32, #tpu.memory_space<vmem>>[vector<16xi32>, vector<16xi32>], vector<16xf32>,
        %parallel_loop3A_740 = arith.constant 0 : i32
        %parallel_loop3A_741 = arith.index_cast %parallel_loop3A_740 : i32 to index
        %parallel_loop3A_742 = arith.index_cast %parallel_loop3A_727 : i32 to index
        %parallel_loop3A_743 = arith.constant 16 : index
        %parallel_loop3A_744 = tpu.vector_load %arg7[%parallel_loop3A_741, %parallel_loop3A_742, %parallel_loop3A_743] {strides = array<i32>} : memref<2x256x64xf32, #tpu.memory_space<vmem>>, vector<16xf32>,
        %parallel_loop3A_745 = arith.addf %parallel_loop3A_744, %get3A_490 : vector<16xf32>
        %parallel_loop3A_746 = arith.constant 0 : i32
        %parallel_loop3A_747 = arith.constant 0 : i32
        %parallel_loop3A_748 = arith.constant 0 : i32
        %parallel_loop3A_749 = tpu.memref_slice %arg8[%parallel_loop3A_746, %parallel_loop3A_747, %parallel_loop3A_748] : memref<2x64x257xf32, #tpu.memory_space<vmem>> -> memref<1x64x257xf32, #tpu.memory_space<vmem>>
        %parallel_loop3A_750 = tpu.memref_squeeze %parallel_loop3A_749 : memref<1x64x257xf32, #tpu.memory_space<vmem>> -> memref<64x257xf32, #tpu.memory_space<vmem>>
        tpu.vector_store_idx %parallel_loop3A_750[%add3A_12, %parallel_loop3A_728], %parallel_loop3A_745 : memref<64x257xf32, #tpu.memory_space<vmem>>[vector<16xi32>, vector<16xi32>], vector<16xf32>,
        %parallel_loop3A_751 = arith.constant 0 : i32
        %parallel_loop3A_752 = arith.index_cast %parallel_loop3A_751 : i32 to index
        %parallel_loop3A_753 = arith.index_cast %parallel_loop3A_727 : i32 to index
        %parallel_loop3A_754 = arith.constant 32 : index
        %parallel_loop3A_755 = tpu.vector_load %arg7[%parallel_loop3A_752, %parallel_loop3A_753, %parallel_loop3A_754] {strides = array<i32>} : memref<2x256x64xf32, #tpu.memory_space<vmem>>, vector<16xf32>,
        %parallel_loop3A_756 = arith.addf %parallel_loop3A_755, %get3A_493 : vector<16xf32>
        %parallel_loop3A_757 = arith.constant 0 : i32
        %parallel_loop3A_758 = arith.constant 0 : i32
        %parallel_loop3A_759 = arith.constant 0 : i32
        %parallel_loop3A_760 = tpu.memref_slice %arg8[%parallel_loop3A_757, %parallel_loop3A_758, %parallel_loop3A_759] : memref<2x64x257xf32, #tpu.memory_space<vmem>> -> memref<1x64x257xf32, #tpu.memory_space<vmem>>
        %parallel_loop3A_761 = tpu.memref_squeeze %parallel_loop3A_760 : memref<1x64x257xf32, #tpu.memory_space<vmem>> -> memref<64x257xf32, #tpu.memory_space<vmem>>
        tpu.vector_store_idx %parallel_loop3A_761[%add3A_16, %parallel_loop3A_728], %parallel_loop3A_756 : memref<64x257xf32, #tpu.memory_space<vmem>>[vector<16xi32>, vector<16xi32>], vector<16xf32>,
        %parallel_loop3A_762 = arith.constant 0 : i32
        %parallel_loop3A_763 = arith.index_cast %parallel_loop3A_762 : i32 to index
        %parallel_loop3A_764 = arith.index_cast %parallel_loop3A_727 : i32 to index
        %parallel_loop3A_765 = arith.constant 48 : index
        %parallel_loop3A_766 = tpu.vector_load %arg7[%parallel_loop3A_763, %parallel_loop3A_764, %parallel_loop3A_765] {strides = array<i32>} : memref<2x256x64xf32, #tpu.memory_space<vmem>>, vector<16xf32>,
        %parallel_loop3A_767 = arith.addf %parallel_loop3A_766, %get3A_496 : vector<16xf32>
        %parallel_loop3A_768 = arith.constant 0 : i32
        %parallel_loop3A_769 = arith.constant 0 : i32
        %parallel_loop3A_770 = arith.constant 0 : i32
        %parallel_loop3A_771 = tpu.memref_slice %arg8[%parallel_loop3A_768, %parallel_loop3A_769, %parallel_loop3A_770] : memref<2x64x257xf32, #tpu.memory_space<vmem>> -> memref<1x64x257xf32, #tpu.memory_space<vmem>>
        %parallel_loop3A_772 = tpu.memref_squeeze %parallel_loop3A_771 : memref<1x64x257xf32, #tpu.memory_space<vmem>> -> memref<64x257xf32, #tpu.memory_space<vmem>>
        tpu.vector_store_idx %parallel_loop3A_772[%add3A_20, %parallel_loop3A_728], %parallel_loop3A_767 : memref<64x257xf32, #tpu.memory_space<vmem>>[vector<16xi32>, vector<16xi32>], vector<16xf32>,
      } {sc.loop_unroll_factor = 8 : i64, sc.parallel_access}
      %jit3A_500 = arith.constant 16 : i32
      %div3A_501 = arith.divsi %add3A_395, %jit3A_500 : i32
      %sign3A_502 = arith.constant 0 : i32
      %sign3A_503 = arith.cmpi sgt, %add3A_395, %sign3A_502 : i32
      %sign3A_504 = arith.extui %sign3A_503 : i1 to i32
      %sign3A_505 = arith.constant 0 : i32
      %sign3A_506 = arith.cmpi slt, %add3A_395, %sign3A_505 : i32
      %sign3A_507 = arith.extui %sign3A_506 : i1 to i32
      %sign3A_508 = arith.subi %sign3A_504, %sign3A_507 : i32
      %sign3A_509 = arith.constant 0 : i32
      %sign3A_510 = arith.cmpi sgt, %jit3A_500, %sign3A_509 : i32
      %sign3A_511 = arith.extui %sign3A_510 : i1 to i32
      %sign3A_512 = arith.constant 0 : i32
      %sign3A_513 = arith.cmpi slt, %jit3A_500, %sign3A_512 : i32
      %sign3A_514 = arith.extui %sign3A_513 : i1 to i32
      %sign3A_515 = arith.subi %sign3A_511, %sign3A_514 : i32
      %ne3A_516 = arith.cmpi ne, %sign3A_508, %sign3A_515 : i32
      %rem3A_517 = arith.remsi %add3A_395, %jit3A_500 : i32
      %ne3A_518 = arith.constant 0 : i32
      %ne3A_519 = arith.cmpi ne, %rem3A_517, %ne3A_518 : i32
      %and3A_520 = arith.andi %ne3A_516, %ne3A_519 : i1
      %sub3A_521 = arith.constant 1 : i32
      %sub3A_522 = arith.subi %div3A_501, %sub3A_521 : i32
      %select_n3A_523 = arith.select %and3A_520, %sub3A_522, %div3A_501 : i32
      %jit3A_524 = arith.constant 16 : i32
      %eq3A_525 = arith.constant 0 : i32
      %eq3A_526 = arith.cmpi eq, %jit3A_524, %eq3A_525 : i32
      %jit3A_527 = arith.constant 1 : i32
      %select_n3A_528 = arith.select %eq3A_526, %jit3A_527, %jit3A_524 : i32
      %rem3A_529 = arith.remsi %add3A_395, %select_n3A_528 : i32
      %ne3A_530 = arith.constant 0 : i32
      %ne3A_531 = arith.cmpi ne, %rem3A_529, %ne3A_530 : i32
      %lt3A_532 = arith.constant 0 : i32
      %lt3A_533 = arith.cmpi slt, %rem3A_529, %lt3A_532 : i32
      %lt3A_534 = arith.constant 0 : i32
      %lt3A_535 = arith.cmpi slt, %select_n3A_528, %lt3A_534 : i32
      %ne3A_536 = arith.xori %lt3A_533, %lt3A_535 : i1
      %and3A_537 = arith.andi %ne3A_536, %ne3A_531 : i1
      %add3A_538 = arith.addi %rem3A_529, %select_n3A_528 : i32
      %select_n3A_539 = arith.select %and3A_537, %add3A_538, %rem3A_529 : i32
      %mul3A_540 = arith.constant 256 : i32
      %mul3A_541 = arith.muli %select_n3A_539, %mul3A_540 : i32
      %dma_start3A_542 = arith.constant 0 : i32
      %dma_start3A_543 = arith.constant 0 : i32
      %dma_start3A_544 = arith.constant 0 : i32
      %dma_start3A_545 = tpu.memref_slice %arg8[%dma_start3A_542, %dma_start3A_543, %dma_start3A_544] : memref<2x64x257xf32, #tpu.memory_space<vmem>> -> memref<1x64x256xf32, #tpu.memory_space<vmem>>
      %dma_start3A_546 = tpu.memref_squeeze %dma_start3A_545 : memref<1x64x256xf32, #tpu.memory_space<vmem>> -> memref<64x256xf32, #tpu.memory_space<vmem>>
      %dma_start3A_547 = arith.constant 0 : i32
      %dma_start3A_548 = tpu.memref_slice %arg5[%select_n3A_523, %dma_start3A_547, %mul3A_541] : memref<200x64x4096xf32, #tpu.memory_space<hbm>> -> memref<1x64x256xf32, #tpu.memory_space<hbm>>
      %dma_start3A_549 = tpu.memref_squeeze %dma_start3A_548 : memref<1x64x256xf32, #tpu.memory_space<hbm>> -> memref<64x256xf32, #tpu.memory_space<hbm>>
      %dma_start3A_550 = arith.constant 0 : i32
      %dma_start3A_551 = tpu.memref_slice %arg5[%select_n3A_523, %dma_start3A_550, %mul3A_541] : memref<200x64x4096xf32, #tpu.memory_space<hbm>> -> memref<1x64x256xf32, #tpu.memory_space<hbm>>
      %dma_start3A_552 = tpu.memref_squeeze %dma_start3A_551 : memref<1x64x256xf32, #tpu.memory_space<hbm>> -> memref<64x256xf32, #tpu.memory_space<hbm>>
      %dma_start3A_553 = arith.constant 0 : i32
      %dma_start3A_554 = arith.constant 0 : i32
      %dma_start3A_555 = tpu.memref_slice %arg8[%dma_start3A_542, %dma_start3A_553, %dma_start3A_554] : memref<2x64x257xf32, #tpu.memory_space<vmem>> -> memref<1x64x256xf32, #tpu.memory_space<vmem>>
      %dma_start3A_556 = tpu.memref_squeeze %dma_start3A_555 : memref<1x64x256xf32, #tpu.memory_space<vmem>> -> memref<64x256xf32, #tpu.memory_space<vmem>>
      tpu.enqueue_dma source(%dma_start3A_556 : memref<64x256xf32, #tpu.memory_space<vmem>>) target(%dma_start3A_552 : memref<64x256xf32, #tpu.memory_space<hbm>>) target_semaphore(%arg12 : memref<!tpu.dma_semaphore, #tpu.memory_space<semaphore_mem>>)
      %add3A_557 = arith.constant 2 : i32
      %add3A_558 = arith.addi %mul3A_2, %add3A_557 : i32
      %mul3A_559 = arith.constant 2 : i32
      %mul3A_560 = arith.muli %mul3A_559, %scan3A_387 : i32
      %add3A_561 = arith.addi %add3A_558, %mul3A_560 : i32
      %add3A_562 = arith.constant 1 : i32
      %add3A_563 = arith.addi %add3A_561, %add3A_562 : i32
      %add3A_564 = arith.constant 1 : i32
      %add3A_565 = arith.addi %add3A_563, %add3A_564 : i32
      %min3A_566 = arith.minsi %add3A_565, %sub3A_5 : i32
      %sub3A_567 = arith.subi %min3A_566, %mul3A_2 : i32
      %mul3A_568 = arith.constant 256 : i32
      %mul3A_569 = arith.muli %sub3A_567, %mul3A_568 : i32
      %add3A_570 = arith.constant 0 : i32
      %add3A_571 = arith.addi %mul3A_569, %add3A_570 : i32
      %dma_start3A_572 = arith.constant 0 : i32
      %dma_start3A_573 = arith.constant 0 : i32
      %dma_start3A_574 = arith.constant 0 : i32
      %dma_start3A_575 = tpu.memref_slice %arg7[%dma_start3A_572, %dma_start3A_573, %dma_start3A_574] : memref<2x256x64xf32, #tpu.memory_space<vmem>> -> memref<1x128x64xf32, #tpu.memory_space<vmem>>
      %dma_start3A_576 = tpu.memref_squeeze %dma_start3A_575 : memref<1x128x64xf32, #tpu.memory_space<vmem>> -> memref<128x64xf32, #tpu.memory_space<vmem>>
      %dma_start3A_577 = tpu.memref_slice %arg6[%add3A_571] : memref<25600xi32, #tpu.memory_space<vmem>> -> memref<128xi32, #tpu.memory_space<vmem>>
      %dma_start3A_578 = arith.constant 0 : i32
      %dma_start3A_579 = arith.constant 0 : i32
      %dma_start3A_580 = tpu.memref_slice %arg3[%dma_start3A_578, %dma_start3A_579] : memref<1000000x64xf32, #tpu.memory_space<hbm>> -> memref<1000000x64xf32, #tpu.memory_space<hbm>>
      tpu.enqueue_indirect_dma source(%dma_start3A_580 : memref<1000000x64xf32, #tpu.memory_space<hbm>>) target(%dma_start3A_576 : memref<128x64xf32, #tpu.memory_space<vmem>>) offsets(%dma_start3A_577 : memref<128xi32, #tpu.memory_space<vmem>>) semaphore(%arg10 : memref<!tpu.dma_semaphore, #tpu.memory_space<semaphore_mem>>)
      %add3A_581 = arith.constant 128 : i32
      %add3A_582 = arith.addi %mul3A_569, %add3A_581 : i32
      %dma_start3A_583 = arith.constant 0 : i32
      %dma_start3A_584 = arith.constant 128 : i32
      %dma_start3A_585 = arith.constant 0 : i32
      %dma_start3A_586 = tpu.memref_slice %arg7[%dma_start3A_583, %dma_start3A_584, %dma_start3A_585] : memref<2x256x64xf32, #tpu.memory_space<vmem>> -> memref<1x128x64xf32, #tpu.memory_space<vmem>>
      %dma_start3A_587 = tpu.memref_squeeze %dma_start3A_586 : memref<1x128x64xf32, #tpu.memory_space<vmem>> -> memref<128x64xf32, #tpu.memory_space<vmem>>
      %dma_start3A_588 = tpu.memref_slice %arg6[%add3A_582] : memref<25600xi32, #tpu.memory_space<vmem>> -> memref<128xi32, #tpu.memory_space<vmem>>
      %dma_start3A_589 = arith.constant 0 : i32
      %dma_start3A_590 = arith.constant 0 : i32
      %dma_start3A_591 = tpu.memref_slice %arg3[%dma_start3A_589, %dma_start3A_590] : memref<1000000x64xf32, #tpu.memory_space<hbm>> -> memref<1000000x64xf32, #tpu.memory_space<hbm>>
      tpu.enqueue_indirect_dma source(%dma_start3A_591 : memref<1000000x64xf32, #tpu.memory_space<hbm>>) target(%dma_start3A_587 : memref<128x64xf32, #tpu.memory_space<vmem>>) offsets(%dma_start3A_588 : memref<128xi32, #tpu.memory_space<vmem>>) semaphore(%arg10 : memref<!tpu.dma_semaphore, #tpu.memory_space<semaphore_mem>>)
      %dma_wait3A_592 = arith.constant 1 : i32
      %dma_wait3A_593 = arith.constant 0 : i32
      %dma_wait3A_594 = arith.constant 0 : i32
      %dma_wait3A_595 = tpu.memref_slice %arg7[%dma_wait3A_592, %dma_wait3A_593, %dma_wait3A_594] : memref<2x256x64xf32, #tpu.memory_space<vmem>> -> memref<1x128x64xf32, #tpu.memory_space<vmem>>
      %dma_wait3A_596 = tpu.memref_squeeze %dma_wait3A_595 : memref<1x128x64xf32, #tpu.memory_space<vmem>> -> memref<128x64xf32, #tpu.memory_space<vmem>>
      %dma_wait3A_597 = arith.constant 0 : i32
      %dma_wait3A_598 = tpu.memref_slice %arg6[%dma_wait3A_597] : memref<25600xi32, #tpu.memory_space<vmem>> -> memref<128xi32, #tpu.memory_space<vmem>>
      %dma_wait3A_599 = arith.constant 0 : i32
      %dma_wait3A_600 = arith.constant 0 : i32
      %dma_wait3A_601 = tpu.memref_slice %arg3[%dma_wait3A_599, %dma_wait3A_600] : memref<1000000x64xf32, #tpu.memory_space<hbm>> -> memref<1000000x64xf32, #tpu.memory_space<hbm>>
      tpu.wait_indirect_dma semaphore(%arg11 : memref<!tpu.dma_semaphore, #tpu.memory_space<semaphore_mem>>) src(%dma_wait3A_601 : memref<1000000x64xf32, #tpu.memory_space<hbm>>) dst(%dma_wait3A_596 : memref<128x64xf32, #tpu.memory_space<vmem>>)
      %dma_wait3A_602 = arith.constant 1 : i32
      %dma_wait3A_603 = arith.constant 128 : i32
      %dma_wait3A_604 = arith.constant 0 : i32
      %dma_wait3A_605 = tpu.memref_slice %arg7[%dma_wait3A_602, %dma_wait3A_603, %dma_wait3A_604] : memref<2x256x64xf32, #tpu.memory_space<vmem>> -> memref<1x128x64xf32, #tpu.memory_space<vmem>>
      %dma_wait3A_606 = tpu.memref_squeeze %dma_wait3A_605 : memref<1x128x64xf32, #tpu.memory_space<vmem>> -> memref<128x64xf32, #tpu.memory_space<vmem>>
      %dma_wait3A_607 = arith.constant 0 : i32
      %dma_wait3A_608 = tpu.memref_slice %arg6[%dma_wait3A_607] : memref<25600xi32, #tpu.memory_space<vmem>> -> memref<128xi32, #tpu.memory_space<vmem>>
      %dma_wait3A_609 = arith.constant 0 : i32
      %dma_wait3A_610 = arith.constant 0 : i32
      %dma_wait3A_611 = tpu.memref_slice %arg3[%dma_wait3A_609, %dma_wait3A_610] : memref<1000000x64xf32, #tpu.memory_space<hbm>> -> memref<1000000x64xf32, #tpu.memory_space<hbm>>
      tpu.wait_indirect_dma semaphore(%arg11 : memref<!tpu.dma_semaphore, #tpu.memory_space<semaphore_mem>>) src(%dma_wait3A_611 : memref<1000000x64xf32, #tpu.memory_space<hbm>>) dst(%dma_wait3A_606 : memref<128x64xf32, #tpu.memory_space<vmem>>)
      %dma_wait3A_612 = arith.constant 1 : i32
      %dma_wait3A_613 = arith.constant 0 : i32
      %dma_wait3A_614 = arith.constant 0 : i32
      %dma_wait3A_615 = arith.constant 0 : i32
      %dma_wait3A_616 = tpu.memref_slice %arg8[%dma_wait3A_612, %dma_wait3A_614, %dma_wait3A_615] : memref<2x64x257xf32, #tpu.memory_space<vmem>> -> memref<1x64x256xf32, #tpu.memory_space<vmem>>
      %dma_wait3A_617 = tpu.memref_squeeze %dma_wait3A_616 : memref<1x64x256xf32, #tpu.memory_space<vmem>> -> memref<64x256xf32, #tpu.memory_space<vmem>>
      %dma_wait3A_618 = arith.constant 0 : i32
      %dma_wait3A_619 = arith.constant 0 : i32
      %dma_wait3A_620 = tpu.memref_slice %arg5[%dma_wait3A_613, %dma_wait3A_618, %dma_wait3A_619] : memref<200x64x4096xf32, #tpu.memory_space<hbm>> -> memref<1x64x256xf32, #tpu.memory_space<hbm>>
      %dma_wait3A_621 = tpu.memref_squeeze %dma_wait3A_620 : memref<1x64x256xf32, #tpu.memory_space<hbm>> -> memref<64x256xf32, #tpu.memory_space<hbm>>
      %dma_wait3A_622 = arith.constant 0 : i32
      %dma_wait3A_623 = arith.constant 0 : i32
      %dma_wait3A_624 = tpu.memref_slice %arg5[%dma_wait3A_613, %dma_wait3A_622, %dma_wait3A_623] : memref<200x64x4096xf32, #tpu.memory_space<hbm>> -> memref<1x64x256xf32, #tpu.memory_space<hbm>>
      %dma_wait3A_625 = tpu.memref_squeeze %dma_wait3A_624 : memref<1x64x256xf32, #tpu.memory_space<hbm>> -> memref<64x256xf32, #tpu.memory_space<hbm>>
      %dma_wait3A_626 = arith.constant 0 : i32
      %dma_wait3A_627 = arith.constant 0 : i32
      %dma_wait3A_628 = tpu.memref_slice %arg8[%dma_wait3A_612, %dma_wait3A_626, %dma_wait3A_627] : memref<2x64x257xf32, #tpu.memory_space<vmem>> -> memref<1x64x256xf32, #tpu.memory_space<vmem>>
      %dma_wait3A_629 = tpu.memref_squeeze %dma_wait3A_628 : memref<1x64x256xf32, #tpu.memory_space<vmem>> -> memref<64x256xf32, #tpu.memory_space<vmem>>
      tpu.wait_dma2 semaphore(%arg13 : memref<!tpu.dma_semaphore, #tpu.memory_space<semaphore_mem>>) src(%dma_wait3A_629 : memref<64x256xf32, #tpu.memory_space<vmem>>) dst(%dma_wait3A_625 : memref<64x256xf32, #tpu.memory_space<hbm>>)
      %jit3A_630 = arith.constant 16 : i32
      %div3A_631 = arith.divsi %add3A_563, %jit3A_630 : i32
      %sign3A_632 = arith.constant 0 : i32
      %sign3A_633 = arith.cmpi sgt, %add3A_563, %sign3A_632 : i32
      %sign3A_634 = arith.extui %sign3A_633 : i1 to i32
      %sign3A_635 = arith.constant 0 : i32
      %sign3A_636 = arith.cmpi slt, %add3A_563, %sign3A_635 : i32
      %sign3A_637 = arith.extui %sign3A_636 : i1 to i32
      %sign3A_638 = arith.subi %sign3A_634, %sign3A_637 : i32
      %sign3A_639 = arith.constant 0 : i32
      %sign3A_640 = arith.cmpi sgt, %jit3A_630, %sign3A_639 : i32
      %sign3A_641 = arith.extui %sign3A_640 : i1 to i32
      %sign3A_642 = arith.constant 0 : i32
      %sign3A_643 = arith.cmpi slt, %jit3A_630, %sign3A_642 : i32
      %sign3A_644 = arith.extui %sign3A_643 : i1 to i32
      %sign3A_645 = arith.subi %sign3A_641, %sign3A_644 : i32
      %ne3A_646 = arith.cmpi ne, %sign3A_638, %sign3A_645 : i32
      %rem3A_647 = arith.remsi %add3A_563, %jit3A_630 : i32
      %ne3A_648 = arith.constant 0 : i32
      %ne3A_649 = arith.cmpi ne, %rem3A_647, %ne3A_648 : i32
      %and3A_650 = arith.andi %ne3A_646, %ne3A_649 : i1
      %sub3A_651 = arith.constant 1 : i32
      %sub3A_652 = arith.subi %div3A_631, %sub3A_651 : i32
      %select_n3A_653 = arith.select %and3A_650, %sub3A_652, %div3A_631 : i32
      %get3A_654 = arith.index_cast %select_n3A_653 : i32 to index
      %get3A_655 = arith.constant 0 : index
      %get3A_656 = tpu.vector_load %arg9[%get3A_654, %get3A_655] {strides = array<i32>} : memref<200x64xf32, #tpu.memory_space<vmem>>, vector<16xf32>,
      %get3A_657 = arith.index_cast %select_n3A_653 : i32 to index
      %get3A_658 = arith.constant 16 : index
      %get3A_659 = tpu.vector_load %arg9[%get3A_657, %get3A_658] {strides = array<i32>} : memref<200x64xf32, #tpu.memory_space<vmem>>, vector<16xf32>,
      %get3A_660 = arith.index_cast %select_n3A_653 : i32 to index
      %get3A_661 = arith.constant 32 : index
      %get3A_662 = tpu.vector_load %arg9[%get3A_660, %get3A_661] {strides = array<i32>} : memref<200x64xf32, #tpu.memory_space<vmem>>, vector<16xf32>,
      %get3A_663 = arith.index_cast %select_n3A_653 : i32 to index
      %get3A_664 = arith.constant 48 : index
      %get3A_665 = tpu.vector_load %arg9[%get3A_663, %get3A_664] {strides = array<i32>} : memref<200x64xf32, #tpu.memory_space<vmem>>, vector<16xf32>,
      %parallel_loop3A_666 = arith.constant 0 : i32
      %parallel_loop3A_667 = arith.constant 256 : i32
      %parallel_loop3A_668 = arith.constant 1 : i32
      scf.for %parallel_loop3A_727 = %parallel_loop3A_666 to %parallel_loop3A_667 step %parallel_loop3A_668  : i32 {
        %parallel_loop3A_728 = vector.broadcast %parallel_loop3A_727 : i32 to vector<16xi32>
        %parallel_loop3A_729 = arith.constant 1 : i32
        %parallel_loop3A_730 = arith.index_cast %parallel_loop3A_729 : i32 to index
        %parallel_loop3A_731 = arith.index_cast %parallel_loop3A_727 : i32 to index
        %parallel_loop3A_732 = arith.constant 0 : index
        %parallel_loop3A_733 = tpu.vector_load %arg7[%parallel_loop3A_730, %parallel_loop3A_731, %parallel_loop3A_732] {strides = array<i32>} : memref<2x256x64xf32, #tpu.memory_space<vmem>>, vector<16xf32>,
        %parallel_loop3A_734 = arith.addf %parallel_loop3A_733, %get3A_656 : vector<16xf32>
        %parallel_loop3A_735 = arith.constant 1 : i32
        %parallel_loop3A_736 = arith.constant 0 : i32
        %parallel_loop3A_737 = arith.constant 0 : i32
        %parallel_loop3A_738 = tpu.memref_slice %arg8[%parallel_loop3A_735, %parallel_loop3A_736, %parallel_loop3A_737] : memref<2x64x257xf32, #tpu.memory_space<vmem>> -> memref<1x64x257xf32, #tpu.memory_space<vmem>>
        %parallel_loop3A_739 = tpu.memref_squeeze %parallel_loop3A_738 : memref<1x64x257xf32, #tpu.memory_space<vmem>> -> memref<64x257xf32, #tpu.memory_space<vmem>>
        tpu.vector_store_idx %parallel_loop3A_739[%add3A_8, %parallel_loop3A_728], %parallel_loop3A_734 : memref<64x257xf32, #tpu.memory_space<vmem>>[vector<16xi32>, vector<16xi32>], vector<16xf32>,
        %parallel_loop3A_740 = arith.constant 1 : i32
        %parallel_loop3A_741 = arith.index_cast %parallel_loop3A_740 : i32 to index
        %parallel_loop3A_742 = arith.index_cast %parallel_loop3A_727 : i32 to index
        %parallel_loop3A_743 = arith.constant 16 : index
        %parallel_loop3A_744 = tpu.vector_load %arg7[%parallel_loop3A_741, %parallel_loop3A_742, %parallel_loop3A_743] {strides = array<i32>} : memref<2x256x64xf32, #tpu.memory_space<vmem>>, vector<16xf32>,
        %parallel_loop3A_745 = arith.addf %parallel_loop3A_744, %get3A_659 : vector<16xf32>
        %parallel_loop3A_746 = arith.constant 1 : i32
        %parallel_loop3A_747 = arith.constant 0 : i32
        %parallel_loop3A_748 = arith.constant 0 : i32
        %parallel_loop3A_749 = tpu.memref_slice %arg8[%parallel_loop3A_746, %parallel_loop3A_747, %parallel_loop3A_748] : memref<2x64x257xf32, #tpu.memory_space<vmem>> -> memref<1x64x257xf32, #tpu.memory_space<vmem>>
        %parallel_loop3A_750 = tpu.memref_squeeze %parallel_loop3A_749 : memref<1x64x257xf32, #tpu.memory_space<vmem>> -> memref<64x257xf32, #tpu.memory_space<vmem>>
        tpu.vector_store_idx %parallel_loop3A_750[%add3A_12, %parallel_loop3A_728], %parallel_loop3A_745 : memref<64x257xf32, #tpu.memory_space<vmem>>[vector<16xi32>, vector<16xi32>], vector<16xf32>,
        %parallel_loop3A_751 = arith.constant 1 : i32
        %parallel_loop3A_752 = arith.index_cast %parallel_loop3A_751 : i32 to index
        %parallel_loop3A_753 = arith.index_cast %parallel_loop3A_727 : i32 to index
        %parallel_loop3A_754 = arith.constant 32 : index
        %parallel_loop3A_755 = tpu.vector_load %arg7[%parallel_loop3A_752, %parallel_loop3A_753, %parallel_loop3A_754] {strides = array<i32>} : memref<2x256x64xf32, #tpu.memory_space<vmem>>, vector<16xf32>,
        %parallel_loop3A_756 = arith.addf %parallel_loop3A_755, %get3A_662 : vector<16xf32>
        %parallel_loop3A_757 = arith.constant 1 : i32
        %parallel_loop3A_758 = arith.constant 0 : i32
        %parallel_loop3A_759 = arith.constant 0 : i32
        %parallel_loop3A_760 = tpu.memref_slice %arg8[%parallel_loop3A_757, %parallel_loop3A_758, %parallel_loop3A_759] : memref<2x64x257xf32, #tpu.memory_space<vmem>> -> memref<1x64x257xf32, #tpu.memory_space<vmem>>
        %parallel_loop3A_761 = tpu.memref_squeeze %parallel_loop3A_760 : memref<1x64x257xf32, #tpu.memory_space<vmem>> -> memref<64x257xf32, #tpu.memory_space<vmem>>
        tpu.vector_store_idx %parallel_loop3A_761[%add3A_16, %parallel_loop3A_728], %parallel_loop3A_756 : memref<64x257xf32, #tpu.memory_space<vmem>>[vector<16xi32>, vector<16xi32>], vector<16xf32>,
        %parallel_loop3A_762 = arith.constant 1 : i32
        %parallel_loop3A_763 = arith.index_cast %parallel_loop3A_762 : i32 to index
        %parallel_loop3A_764 = arith.index_cast %parallel_loop3A_727 : i32 to index
        %parallel_loop3A_765 = arith.constant 48 : index
        %parallel_loop3A_766 = tpu.vector_load %arg7[%parallel_loop3A_763, %parallel_loop3A_764, %parallel_loop3A_765] {strides = array<i32>} : memref<2x256x64xf32, #tpu.memory_space<vmem>>, vector<16xf32>,
        %parallel_loop3A_767 = arith.addf %parallel_loop3A_766, %get3A_665 : vector<16xf32>
        %parallel_loop3A_768 = arith.constant 1 : i32
        %parallel_loop3A_769 = arith.constant 0 : i32
        %parallel_loop3A_770 = arith.constant 0 : i32
        %parallel_loop3A_771 = tpu.memref_slice %arg8[%parallel_loop3A_768, %parallel_loop3A_769, %parallel_loop3A_770] : memref<2x64x257xf32, #tpu.memory_space<vmem>> -> memref<1x64x257xf32, #tpu.memory_space<vmem>>
        %parallel_loop3A_772 = tpu.memref_squeeze %parallel_loop3A_771 : memref<1x64x257xf32, #tpu.memory_space<vmem>> -> memref<64x257xf32, #tpu.memory_space<vmem>>
        tpu.vector_store_idx %parallel_loop3A_772[%add3A_20, %parallel_loop3A_728], %parallel_loop3A_767 : memref<64x257xf32, #tpu.memory_space<vmem>>[vector<16xi32>, vector<16xi32>], vector<16xf32>,
      } {sc.loop_unroll_factor = 8 : i64, sc.parallel_access}
      %jit3A_669 = arith.constant 16 : i32
      %div3A_670 = arith.divsi %add3A_563, %jit3A_669 : i32
      %sign3A_671 = arith.constant 0 : i32
      %sign3A_672 = arith.cmpi sgt, %add3A_563, %sign3A_671 : i32
      %sign3A_673 = arith.extui %sign3A_672 : i1 to i32
      %sign3A_674 = arith.constant 0 : i32
      %sign3A_675 = arith.cmpi slt, %add3A_563, %sign3A_674 : i32
      %sign3A_676 = arith.extui %sign3A_675 : i1 to i32
      %sign3A_677 = arith.subi %sign3A_673, %sign3A_676 : i32
      %sign3A_678 = arith.constant 0 : i32
      %sign3A_679 = arith.cmpi sgt, %jit3A_669, %sign3A_678 : i32
      %sign3A_680 = arith.extui %sign3A_679 : i1 to i32
      %sign3A_681 = arith.constant 0 : i32
      %sign3A_682 = arith.cmpi slt, %jit3A_669, %sign3A_681 : i32
      %sign3A_683 = arith.extui %sign3A_682 : i1 to i32
      %sign3A_684 = arith.subi %sign3A_680, %sign3A_683 : i32
      %ne3A_685 = arith.cmpi ne, %sign3A_677, %sign3A_684 : i32
      %rem3A_686 = arith.remsi %add3A_563, %jit3A_669 : i32
      %ne3A_687 = arith.constant 0 : i32
      %ne3A_688 = arith.cmpi ne, %rem3A_686, %ne3A_687 : i32
      %and3A_689 = arith.andi %ne3A_685, %ne3A_688 : i1
      %sub3A_690 = arith.constant 1 : i32
      %sub3A_691 = arith.subi %div3A_670, %sub3A_690 : i32
      %select_n3A_692 = arith.select %and3A_689, %sub3A_691, %div3A_670 : i32
      %jit3A_693 = arith.constant 16 : i32
      %eq3A_694 = arith.constant 0 : i32
      %eq3A_695 = arith.cmpi eq, %jit3A_693, %eq3A_694 : i32
      %jit3A_696 = arith.constant 1 : i32
      %select_n3A_697 = arith.select %eq3A_695, %jit3A_696, %jit3A_693 : i32
      %rem3A_698 = arith.remsi %add3A_563, %select_n3A_697 : i32
      %ne3A_699 = arith.constant 0 : i32
      %ne3A_700 = arith.cmpi ne, %rem3A_698, %ne3A_699 : i32
      %lt3A_701 = arith.constant 0 : i32
      %lt3A_702 = arith.cmpi slt, %rem3A_698, %lt3A_701 : i32
      %lt3A_703 = arith.constant 0 : i32
      %lt3A_704 = arith.cmpi slt, %select_n3A_697, %lt3A_703 : i32
      %ne3A_705 = arith.xori %lt3A_702, %lt3A_704 : i1
      %and3A_706 = arith.andi %ne3A_705, %ne3A_700 : i1
      %add3A_707 = arith.addi %rem3A_698, %select_n3A_697 : i32
      %select_n3A_708 = arith.select %and3A_706, %add3A_707, %rem3A_698 : i32
      %mul3A_709 = arith.constant 256 : i32
      %mul3A_710 = arith.muli %select_n3A_708, %mul3A_709 : i32
      %dma_start3A_711 = arith.constant 1 : i32
      %dma_start3A_712 = arith.constant 0 : i32
      %dma_start3A_713 = arith.constant 0 : i32
      %dma_start3A_714 = tpu.memref_slice %arg8[%dma_start3A_711, %dma_start3A_712, %dma_start3A_713] : memref<2x64x257xf32, #tpu.memory_space<vmem>> -> memref<1x64x256xf32, #tpu.memory_space<vmem>>
      %dma_start3A_715 = tpu.memref_squeeze %dma_start3A_714 : memref<1x64x256xf32, #tpu.memory_space<vmem>> -> memref<64x256xf32, #tpu.memory_space<vmem>>
      %dma_start3A_716 = arith.constant 0 : i32
      %dma_start3A_717 = tpu.memref_slice %arg5[%select_n3A_692, %dma_start3A_716, %mul3A_710] : memref<200x64x4096xf32, #tpu.memory_space<hbm>> -> memref<1x64x256xf32, #tpu.memory_space<hbm>>
      %dma_start3A_718 = tpu.memref_squeeze %dma_start3A_717 : memref<1x64x256xf32, #tpu.memory_space<hbm>> -> memref<64x256xf32, #tpu.memory_space<hbm>>
      %dma_start3A_719 = arith.constant 0 : i32
      %dma_start3A_720 = tpu.memref_slice %arg5[%select_n3A_692, %dma_start3A_719, %mul3A_710] : memref<200x64x4096xf32, #tpu.memory_space<hbm>> -> memref<1x64x256xf32, #tpu.memory_space<hbm>>
      %dma_start3A_721 = tpu.memref_squeeze %dma_start3A_720 : memref<1x64x256xf32, #tpu.memory_space<hbm>> -> memref<64x256xf32, #tpu.memory_space<hbm>>
      %dma_start3A_722 = arith.constant 0 : i32
      %dma_start3A_723 = arith.constant 0 : i32
      %dma_start3A_724 = tpu.memref_slice %arg8[%dma_start3A_711, %dma_start3A_722, %dma_start3A_723] : memref<2x64x257xf32, #tpu.memory_space<vmem>> -> memref<1x64x256xf32, #tpu.memory_space<vmem>>
      %dma_start3A_725 = tpu.memref_squeeze %dma_start3A_724 : memref<1x64x256xf32, #tpu.memory_space<vmem>> -> memref<64x256xf32, #tpu.memory_space<vmem>>
      tpu.enqueue_dma source(%dma_start3A_725 : memref<64x256xf32, #tpu.memory_space<vmem>>) target(%dma_start3A_721 : memref<64x256xf32, #tpu.memory_space<hbm>>) target_semaphore(%arg13 : memref<!tpu.dma_semaphore, #tpu.memory_space<semaphore_mem>>)
      %scan3A_726 = arith.constant 0 : i32
      scf.yield %scan3A_726 : i32
    }
    %scan3A_330 = arith.constant 49 : i32
    %dma_wait3A_331 = arith.constant 0 : i32
    %dma_wait3A_332 = arith.constant 0 : i32
    %dma_wait3A_333 = arith.constant 0 : i32
    %dma_wait3A_334 = tpu.memref_slice %arg7[%dma_wait3A_331, %dma_wait3A_332, %dma_wait3A_333] : memref<2x256x64xf32, #tpu.memory_space<vmem>> -> memref<1x128x64xf32, #tpu.memory_space<vmem>>
    %dma_wait3A_335 = tpu.memref_squeeze %dma_wait3A_334 : memref<1x128x64xf32, #tpu.memory_space<vmem>> -> memref<128x64xf32, #tpu.memory_space<vmem>>
    %dma_wait3A_336 = arith.constant 0 : i32
    %dma_wait3A_337 = tpu.memref_slice %arg6[%dma_wait3A_336] : memref<25600xi32, #tpu.memory_space<vmem>> -> memref<128xi32, #tpu.memory_space<vmem>>
    %dma_wait3A_338 = arith.constant 0 : i32
    %dma_wait3A_339 = arith.constant 0 : i32
    %dma_wait3A_340 = tpu.memref_slice %arg3[%dma_wait3A_338, %dma_wait3A_339] : memref<1000000x64xf32, #tpu.memory_space<hbm>> -> memref<1000000x64xf32, #tpu.memory_space<hbm>>
    tpu.wait_indirect_dma semaphore(%arg10 : memref<!tpu.dma_semaphore, #tpu.memory_space<semaphore_mem>>) src(%dma_wait3A_340 : memref<1000000x64xf32, #tpu.memory_space<hbm>>) dst(%dma_wait3A_335 : memref<128x64xf32, #tpu.memory_space<vmem>>)
    %dma_wait3A_341 = arith.constant 0 : i32
    %dma_wait3A_342 = arith.constant 128 : i32
    %dma_wait3A_343 = arith.constant 0 : i32
    %dma_wait3A_344 = tpu.memref_slice %arg7[%dma_wait3A_341, %dma_wait3A_342, %dma_wait3A_343] : memref<2x256x64xf32, #tpu.memory_space<vmem>> -> memref<1x128x64xf32, #tpu.memory_space<vmem>>
    %dma_wait3A_345 = tpu.memref_squeeze %dma_wait3A_344 : memref<1x128x64xf32, #tpu.memory_space<vmem>> -> memref<128x64xf32, #tpu.memory_space<vmem>>
    %dma_wait3A_346 = arith.constant 0 : i32
    %dma_wait3A_347 = tpu.memref_slice %arg6[%dma_wait3A_346] : memref<25600xi32, #tpu.memory_space<vmem>> -> memref<128xi32, #tpu.memory_space<vmem>>
    %dma_wait3A_348 = arith.constant 0 : i32
    %dma_wait3A_349 = arith.constant 0 : i32
    %dma_wait3A_350 = tpu.memref_slice %arg3[%dma_wait3A_348, %dma_wait3A_349] : memref<1000000x64xf32, #tpu.memory_space<hbm>> -> memref<1000000x64xf32, #tpu.memory_space<hbm>>
    tpu.wait_indirect_dma semaphore(%arg10 : memref<!tpu.dma_semaphore, #tpu.memory_space<semaphore_mem>>) src(%dma_wait3A_350 : memref<1000000x64xf32, #tpu.memory_space<hbm>>) dst(%dma_wait3A_345 : memref<128x64xf32, #tpu.memory_space<vmem>>)
    %dma_wait3A_351 = arith.constant 0 : i32
    %dma_wait3A_352 = arith.constant 0 : i32
    %dma_wait3A_353 = arith.constant 0 : i32
    %dma_wait3A_354 = arith.constant 0 : i32
    %dma_wait3A_355 = tpu.memref_slice %arg8[%dma_wait3A_351, %dma_wait3A_353, %dma_wait3A_354] : memref<2x64x257xf32, #tpu.memory_space<vmem>> -> memref<1x64x256xf32, #tpu.memory_space<vmem>>
    %dma_wait3A_356 = tpu.memref_squeeze %dma_wait3A_355 : memref<1x64x256xf32, #tpu.memory_space<vmem>> -> memref<64x256xf32, #tpu.memory_space<vmem>>
    %dma_wait3A_357 = arith.constant 0 : i32
    %dma_wait3A_358 = arith.constant 0 : i32
    %dma_wait3A_359 = tpu.memref_slice %arg5[%dma_wait3A_352, %dma_wait3A_357, %dma_wait3A_358] : memref<200x64x4096xf32, #tpu.memory_space<hbm>> -> memref<1x64x256xf32, #tpu.memory_space<hbm>>
    %dma_wait3A_360 = tpu.memref_squeeze %dma_wait3A_359 : memref<1x64x256xf32, #tpu.memory_space<hbm>> -> memref<64x256xf32, #tpu.memory_space<hbm>>
    %dma_wait3A_361 = arith.constant 0 : i32
    %dma_wait3A_362 = arith.constant 0 : i32
    %dma_wait3A_363 = tpu.memref_slice %arg5[%dma_wait3A_352, %dma_wait3A_361, %dma_wait3A_362] : memref<200x64x4096xf32, #tpu.memory_space<hbm>> -> memref<1x64x256xf32, #tpu.memory_space<hbm>>
    %dma_wait3A_364 = tpu.memref_squeeze %dma_wait3A_363 : memref<1x64x256xf32, #tpu.memory_space<hbm>> -> memref<64x256xf32, #tpu.memory_space<hbm>>
    %dma_wait3A_365 = arith.constant 0 : i32
    %dma_wait3A_366 = arith.constant 0 : i32
    %dma_wait3A_367 = tpu.memref_slice %arg8[%dma_wait3A_351, %dma_wait3A_365, %dma_wait3A_366] : memref<2x64x257xf32, #tpu.memory_space<vmem>> -> memref<1x64x256xf32, #tpu.memory_space<vmem>>
    %dma_wait3A_368 = tpu.memref_squeeze %dma_wait3A_367 : memref<1x64x256xf32, #tpu.memory_space<vmem>> -> memref<64x256xf32, #tpu.memory_space<vmem>>
    tpu.wait_dma2 semaphore(%arg12 : memref<!tpu.dma_semaphore, #tpu.memory_space<semaphore_mem>>) src(%dma_wait3A_368 : memref<64x256xf32, #tpu.memory_space<vmem>>) dst(%dma_wait3A_364 : memref<64x256xf32, #tpu.memory_space<hbm>>)
    %dma_wait3A_369 = arith.constant 1 : i32
    %dma_wait3A_370 = arith.constant 0 : i32
    %dma_wait3A_371 = arith.constant 0 : i32
    %dma_wait3A_372 = arith.constant 0 : i32
    %dma_wait3A_373 = tpu.memref_slice %arg8[%dma_wait3A_369, %dma_wait3A_371, %dma_wait3A_372] : memref<2x64x257xf32, #tpu.memory_space<vmem>> -> memref<1x64x256xf32, #tpu.memory_space<vmem>>
    %dma_wait3A_374 = tpu.memref_squeeze %dma_wait3A_373 : memref<1x64x256xf32, #tpu.memory_space<vmem>> -> memref<64x256xf32, #tpu.memory_space<vmem>>
    %dma_wait3A_375 = arith.constant 0 : i32
    %dma_wait3A_376 = arith.constant 0 : i32
    %dma_wait3A_377 = tpu.memref_slice %arg5[%dma_wait3A_370, %dma_wait3A_375, %dma_wait3A_376] : memref<200x64x4096xf32, #tpu.memory_space<hbm>> -> memref<1x64x256xf32, #tpu.memory_space<hbm>>
    %dma_wait3A_378 = tpu.memref_squeeze %dma_wait3A_377 : memref<1x64x256xf32, #tpu.memory_space<hbm>> -> memref<64x256xf32, #tpu.memory_space<hbm>>
    %dma_wait3A_379 = arith.constant 0 : i32
    %dma_wait3A_380 = arith.constant 0 : i32
    %dma_wait3A_381 = tpu.memref_slice %arg5[%dma_wait3A_370, %dma_wait3A_379, %dma_wait3A_380] : memref<200x64x4096xf32, #tpu.memory_space<hbm>> -> memref<1x64x256xf32, #tpu.memory_space<hbm>>
    %dma_wait3A_382 = tpu.memref_squeeze %dma_wait3A_381 : memref<1x64x256xf32, #tpu.memory_space<hbm>> -> memref<64x256xf32, #tpu.memory_space<hbm>>
    %dma_wait3A_383 = arith.constant 0 : i32
    %dma_wait3A_384 = arith.constant 0 : i32
    %dma_wait3A_385 = tpu.memref_slice %arg8[%dma_wait3A_369, %dma_wait3A_383, %dma_wait3A_384] : memref<2x64x257xf32, #tpu.memory_space<vmem>> -> memref<1x64x256xf32, #tpu.memory_space<vmem>>
    %dma_wait3A_386 = tpu.memref_squeeze %dma_wait3A_385 : memref<1x64x256xf32, #tpu.memory_space<vmem>> -> memref<64x256xf32, #tpu.memory_space<vmem>>
    tpu.wait_dma2 semaphore(%arg13 : memref<!tpu.dma_semaphore, #tpu.memory_space<semaphore_mem>>) src(%dma_wait3A_386 : memref<64x256xf32, #tpu.memory_space<vmem>>) dst(%dma_wait3A_382 : memref<64x256xf32, #tpu.memory_space<hbm>>)
    return
  }
}

</mosaic_0001>

<sc_bundles>
// kernel: kernel.3.cloned.1.call-start
scs
__scs_entry_jumppad:
0x0: {  	(pc) =	sbr.rel $0x88, $3  }
0x1: {  	(tag) =	ssettag $0x0;
	lr =	simm.s32 $0x1  }
0x2: {  	[smem:$0x3F9E] =	sst lr;
	_ =	strace $0xD0000000  }
0x3: {  	_ = 	snop  }
0x4: {  	_ = 	snop  }
0x5: {  	_ = 	snop  }
0x6: {  	_ = 	snop  }
0x7: {  	_ = 	snop  }
__scs_overlays_trampoline_lowered:
0x8: {  	[smem:$0x3FAD] =	sst s0  }
0x9: {  	[smem:$0x3FAE] =	sst s1  }
0xa: {  	[smem:$0x3FAF] =	sst s2  }
0xb: {  	[smem:$0x3FB0] =	sst s3  }
0xc: {  	[smem:$0x3FB1] =	sst s4  }
0xd: {  	[smem:$0x3FB2] =	sst s5  }
0xe: {  	[smem:$0x3FB3] =	sst s6  }
0xf: {  	[smem:$0x3FB4] =	sst s7  }
0x10: {  	[smem:$0x3FB5] =	sst s8  }
0x11: {  	[smem:$0x3FB6] =	sst s9;
	s0 =	simm.s32 @!p0 $0x0  }
0x12: {  	s1 =	sld [smem:$0x3F9C];
	s0 =	simm.s32 @p0 $0x1  }
0x13: {  	[smem:$0x3FB7] =	sst s0;
	s0 =	simm.s32 @!p1 $0x0  }
0x14: {  	s2 =	sld [smem:$0x3F9B];
	s0 =	simm.s32 @p1 $0x1  }
0x15: {  	[smem:$0x3FB8] =	sst s0;
	s0 =	simm.s32 @!p2 $0x0  }
0x16: {  	s3 =	sld [smem:$0x3FDB];
	s0 =	simm.s32 @p2 $0x1  }
0x17: {  	s4 =	simm.s32 $0x1BF5;
	[smem:$0x3FBA] =	sst s0  }
0x18: {  	s0 =	sld [smem:$0x3F9D];
	_ =	swait.ge [sflag:s4], $0x0  }
0x19: {  	s7 =	sld [smem:$0x3F9E]  }
0x1a: {  	s8 =	sadd.s32 $0xFFFFE003, lr  }
0x1b: {  	s9 =	sadd.s32 $0xFFFFFEF7, lr;
	s5 =	simm.s32 $0xFFFFFFFF;
	p2 =	slt.u32 s8, $0xFFFFF086  }
0x1c: {  	p1 =	slt.u32 s9, $0xF7A;
	s5 =	simm.s32 @!p2 $0x0  }
0x1d: {  	s5 =	simm.s32 @p1 $0x1;
	p0 =	seq.s32 s7, s2  }
0x1e: {  	s7 =	smul.u32 @!p0 $0xF7A, s2;
	p2 =	seq.s32 @!p0 s5, $0x0  }
0x1f: {  	s9 =	smul.u32 $0xF7A, s1;
	s8 =	simm.s32 @!p0 $0x1BF5;
	p2 =	por !p2, p0  }
0x20: {  	[sflag:s8] =	ssyncset.s32 @!p0 $0xFFFFF086;
	s6 =	sadd.s32 @!p0 s3, s7;
	s7 =	simm.s32 @!p0 $0x108  }
0x21: {  	s3 =	sadd.s32 s3, s9;
	s6 =	sadd.s32 @!p0 $0x88, s6;
	s7 =	simm.s32 @p2 $0x1082  }
0x22: {  	[simem:s7], [sflag:s8] =	dma.local @!p0 [hbm:s6], $0xF7A  }
0x23: {  	s9 =	sor.u32 $0xD0000000, s2;
	s6 =	simm.s32 $0x108;
	_ =	swait.ge @!p0 [sflag:s8], $0x0  }
0x24: {  	s3 =	sadd.s32 $0x88, s3;
	s6 =	simm.s32 @!p1 $0x1082;
	[sflag:s4] =	ssyncset.s32 $0xFFFFF086  }
0x25: {  	[simem:s6], [sflag:s4] =	dma.local [hbm:s3], $0xF7A  }
0x26: {  	[smem:$0x3F9E] =	sst s1;
	(tag) =	ssettag s2;
	_ =	strace s9  }
0x27: {  	s1 =	sld [smem:$0x3FAE]  }
0x28: {  	s2 =	sld [smem:$0x3FAF]  }
0x29: {  	s4 =	sld [smem:$0x3FB1]  }
0x2a: {  	p0 =	seq.s32 s5, $0x0;
	s5 =	sld [smem:$0x3FB2]  }
0x2b: {  	s6 =	sld [smem:$0x3FB3]  }
0x2c: {  	s7 =	sld [smem:$0x3FB4]  }
0x2d: {  	s3 =	simm.s32 $0x108;
	s8 =	sld [smem:$0x3FB5]  }
0x2e: {  	s3 =	simm.s32 @!p0 $0x1082;
	s9 =	sld [smem:$0x3FB6]  }
0x2f: {  	lr =	sadd.s32 s0, s3;
	s0 =	sld [smem:$0x3FAD]  }
0x30: {  	s3 =	sld [smem:$0x3FB0]  }
0x31: {  	[smem:$0x3FB9] =	sst s10  }
0x32: {  	s10 =	sld [smem:$0x3FB7];
	_ =	sdelay $0x3  }
0x33: {  	p0 =	seq.s32 s10, $0x1;
	s10 =	sld [smem:$0x3FB9];
	_ =	sdelay $0x3  }
0x34: {  	[smem:$0x3FB9] =	sst s10  }
0x35: {  	s10 =	sld [smem:$0x3FB8];
	_ =	sdelay $0x3  }
0x36: {  	p1 =	seq.s32 s10, $0x1;
	s10 =	sld [smem:$0x3FB9];
	_ =	sdelay $0x3  }
0x37: {  	[smem:$0x3FB9] =	sst s10  }
0x38: {  	s10 =	sld [smem:$0x3FBA]  }
0x39: {  	_ = 	snop;
	(pc) =	sbr.ind lr, $3  }
0x3a: {  	_ = 	snop  }
0x3b: {  	_ = 	snop  }
0x3c: {  	p2 =	seq.s32 s10, $0x1;
	s10 =	sld [smem:$0x3FB9]  }
0x3d: {  	_ =	shalt  }
0x3e: {  	_ =	shalt  }
0x3f: {  	_ =	shalt  }
0x40: {  	_ =	shalt  }
0x41: {  	_ =	shalt  }
0x42: {  	_ =	shalt  }
0x43: {  	_ =	shalt  }
0x44: {  	_ =	shalt  }
0x45: {  	_ =	shalt  }
0x46: {  	_ =	shalt  }
0x47: {  	_ =	shalt  }
0x48: {  	_ =	shalt  }
0x49: {  	_ =	shalt  }
0x4a: {  	_ =	shalt  }
0x4b: {  	_ =	shalt  }
0x4c: {  	_ =	shalt  }
0x4d: {  	_ =	shalt  }
0x4e: {  	_ =	shalt  }
0x4f: {  	_ =	shalt  }
0x50: {  	_ =	shalt  }
0x51: {  	_ =	shalt  }
0x52: {  	_ =	shalt  }
0x53: {  	_ =	shalt  }
0x54: {  	_ =	shalt  }
0x55: {  	_ =	shalt  }
0x56: {  	_ =	shalt  }
0x57: {  	_ =	shalt  }
0x58: {  	_ =	shalt  }
0x59: {  	_ =	shalt  }
0x5a: {  	_ =	shalt  }
0x5b: {  	_ =	shalt  }
0x5c: {  	_ =	shalt  }
0x5d: {  	_ =	shalt  }
0x5e: {  	_ =	shalt  }
0x5f: {  	_ =	shalt  }
0x60: {  	_ =	shalt  }
0x61: {  	_ =	shalt  }
0x62: {  	_ =	shalt  }
0x63: {  	_ =	shalt  }
0x64: {  	_ =	shalt  }
0x65: {  	_ =	shalt  }
0x66: {  	_ =	shalt  }
0x67: {  	_ =	shalt  }
0x68: {  	_ =	shalt  }
0x69: {  	_ =	shalt  }
0x6a: {  	_ =	shalt  }
0x6b: {  	_ =	shalt  }
0x6c: {  	_ =	shalt  }
0x6d: {  	_ =	shalt  }
0x6e: {  	_ =	shalt  }
0x6f: {  	_ =	shalt  }
0x70: {  	_ =	shalt  }
0x71: {  	_ =	shalt  }
0x72: {  	_ =	shalt  }
0x73: {  	_ =	shalt  }
0x74: {  	_ =	shalt  }
0x75: {  	_ =	shalt  }
0x76: {  	_ =	shalt  }
0x77: {  	_ =	shalt  }
0x78: {  	_ =	shalt  }
0x79: {  	_ =	shalt  }
0x7a: {  	_ =	shalt  }
0x7b: {  	_ =	shalt  }
0x7c: {  	_ =	shalt  }
0x7d: {  	_ =	shalt  }
0x7e: {  	_ =	shalt  }
0x7f: {  	_ =	shalt  }
0x80: {  	_ =	shalt  }
0x81: {  	_ =	shalt  }
0x82: {  	_ =	shalt  }
0x83: {  	_ =	shalt  }
0x84: {  	_ =	shalt  }
0x85: {  	_ =	shalt  }
0x86: {  	_ =	shalt  }
0x87: {  	_ =	shalt  }
.Lfunc_end0:
.L_simem_size_0:
called_computation_lowered:
.L_overlay_start_0:
0x88: {  	s2 =	sld [smem:$0x3FD9]  }
0x89: {  	s3 =	sld [smem:$0x3FFE];
	_ =	sdelay $0x1  }
0x8a: {  	s1 =	srdreg.scid  }
0x8b: {  	s0 =	sand.u32 $0x1, s1  }
0x8c: {  	s17 =	sshll.u32 s0, $0xA;
	s2 =	sadd.s32 s3, s2  }
0x8d: {  	s2 =	sadd.s32 s2, s17  }
0x8e: {  	[smem:$0x3FC5] =	sst s2  }
0x8f: {  	_ = 	snop  }
0x90: {  	s2 =	sld [smem:$0x3FD0];
	(tm) =	ssettm $0x1  }
0x91: {  	s18 =	sld [smem:$0x3FFB];
	_ =	sdelay $0x3  }
0x92: {  	_ =	strace s18  }
0x93: {  	s3 =	sld [smem:$0x3FFC];
	_ =	sdelay $0x3  }
0x94: {  	_ =	strace s3  }
0x95: {  	s3 =	sld [smem:$0x3FFD];
	_ =	sdelay $0x3  }
0x96: {  	_ =	strace s3  }
0x97: {  	_ =	strace $0x8FFFFFFF  }
0x98: {  	s19 =	sld [smem:$0x3FDB];
	_ =	sdelay $0x1  }
0x99: {  	s4 =	simm.s32 $_scs_section_size  }
0x9a: {  	s5 =	simm.s32 $_size__tile_overlayer_lowered;
	s6 =	simm.s32 $_tile_overlayer_lowered  }
0x9b: {  	s22 =	simm.s32 $0x1BFF;
	s21 =	sshll.u32 s6, $0x1;
	s3 =	sadd.s32 s4, s19  }
0x9c: {  	s7 =	simm.s32 $0x0;
	s20 =	sshll.u32 s5, $0x1;
	s5 =	sadd.s32 s21, s3  }
0x9d: {  	[timem:s7], [sflag:s22] =	dma.local [hbm:s5], s20  }
0x9e: {  	_ =	swait.ge [sflag:s22], s20  }
0x9f: {  	s4 =	ssub.s32 $0x0, s20;
	[sflag:s22] =	ssyncset.done $0x0  }
0xa0: {  	[sflag:s22] =	ssyncadd.s32 s4;
	_ =	sdelay $0x1  }
0xa1: {  	s23 =	simm.s32 $0x1B8B  }
0xa2: {  	_ =	swait.ge [sflag:s23], $0x1  }
0xa3: {  	[sflag:s23] =	ssyncset.done $0x0  }
0xa4: {  	s25 =	simm.s32 $0x1B8E;
	s24 =	sld [smem:$0x3FFE];
	[sflag:s23] =	ssyncadd.s32 $0xFFFFFFFF  }
0xa5: {  	s26 =	simm.s32 $execute0_lowered;
	[smem:$0x3FD2] =	sst s25  }
0xa6: {  	s5 =	sshll.u32 s26, $0x1;
	_ =	strace $0x80000046;
	[dreg:$0x1] =	wrdreg $0xFFFFFFFF  }
0xa7: {  	s28 =	simm.s32 $_size_execute0_lowered;
	s3 =	sadd.s32 s3, s5;
	[dreg:$0x0] =	wrdreg $0x0  }
0xa8: {  	s5 =	sshll.u32 s28, $0x1;
	[dreg:$0x2] =	wrdreg s3  }
0xa9: {  	[dreg:$0x3] =	wrdreg s5  }
0xaa: {  	[dreg:$0x4] =	wrdreg $0xC0  }
0xab: {  	_ =	task [dreg:s7], $0x5FFFF  }
0xac: {  	[dreg:$0x1] =	wrdreg $0xFFFFFFFF  }
0xad: {  	[dreg:$0x0] =	wrdreg $0x60  }
0xae: {  	[dreg:$0x2] =	wrdreg s2  }
0xaf: {  	[dreg:$0x3] =	wrdreg s24  }
0xb0: {  	[dreg:$0x4] =	wrdreg $0x9  }
0xb1: {  	_ =	task.clear_ibuf [dreg:s7], $0x5FFFF;
	_ =	strace $0x90000046  }
0xb2: {  	s29 =	simm.s32 $0x9;
	_ =	strace $0x80000048  }
0xb3: {  	_ =	swait.ge [sflag:s29], $0x1  }
0xb4: {  	[sflag:s29] =	ssyncadd.s32 $0xFFFFFFFF  }
0xb5: {  	_ =	strace $0x90000048  }
0xb6: {  	_ =	sfence  }
0xb7: {  	s30 =	sld [smem:$0x0];
	_ =	sdelay $0x2  }
0xb8: {  	s31 =	sshll.u32 s1, $0xD;
	s1 =	sshrl.u32 s1, $0x2  }
0xb9: {  	s3 =	sand.u32 $0x4000, s31;
	s1 =	sadd.s32 s1, s30  }
0xba: {  	s0 =	sor.u32 s3, s0;
	s1 =	sshll.u32 s1, $0x11  }
0xbb: {  	s0 =	sor.u32 s1, s0  }
0xbc: {  	s0 =	sadd.s32 $0x8F2B, s0  }
0xbd: {  	[sflag:s0] =	ssyncadd.remote.s32 $0x1  }
0xbe: {  	_ =	sfence.sel $0xFFFF  }
0xbf: {  	[dreg:$0x0] =	wrdreg $0xFFFFFFFF;
	(pc) =	sbr.abs _section_cstart, $3  }
0xc0: {  	[dreg:$0x1] =	wrdreg $0xFFFFFFFF  }
0xc1: {  	_ =	task.clear_ibuf [dreg:s7], $0x2FFFF;
	_ =	strace $0x9FFFFFFF  }
0xc2: {  	(tm) =	ssettm $0x7FFFFFFF  }
0xc3: {  	_ =	shalt  }
tec
execute0_lowered:
.L_overlay_start_1:
0x0: {  	(tag) =	ssettag $0x1  }
0x1: {  	v0 =	vlaneseq.u32  }
0x2: {  	s0 =	rddreg [dreg:$0x0];
	s2 =	simm.s32 $0x0;
	v25 =	vmul.u32 $0x108, v0  }
0x3: {  	vm0 =	vcmask $0x300;
	[smem:$0x7FF] =	sst s2;
	v0 =	vimm.s32 $0x0  }
0x4: {  	s1 =	rddreg [dreg:$0x1];
	_ =	strace $0x80000047;
	v1 =	vsel vm0, $0x3, v0;
	v0 =	vadd.s32 $0x2101, v25;
	[tilespmem:$0x1FFE0] =	vst v25  }
0x5: {  	v2 =	vadd.s32 $0x3180, v25;
	[tilespmem:$0x1FE10] =	vst v0  }
0x6: {  	v41 =	vadd.s32 $0x1082, v25;
	[tilespmem:$0x1FE60] =	vst v2  }
0x7: {  	v26 =	vor.u32 $0x3, v25;
	[tilespmem:$0x1FE70] =	vst v41  }
0x8: {  	v39 =	vadd.s32 $0x1083, v25;
	[tilespmem:$0x1FE80] =	vst v26  }
0x9: {  	v51 =	vadd.s32 $0x2103, v25;
	[tilespmem:$0x1FE90] =	vst v39  }
0xa: {  	v57 =	vor.u32 $0x4, v25;
	[tilespmem:$0x1FEA0] =	vst v51  }
0xb: {  	v28 =	vadd.s32 $0x1084, v25;
	[tilespmem:$0x1FEB0] =	vst v57  }
0xc: {  	v53 =	vor.u32 $0x5, v25;
	[tilespmem:$0x1FEC0] =	vst v28  }
0xd: {  	v30 =	vadd.s32 $0x1085, v25;
	[tilespmem:$0x1FED0] =	vst v53  }
0xe: {  	v20 =	vadd.s32 $0x2105, v25;
	[tilespmem:$0x1FEE0] =	vst v30  }
0xf: {  	v27 =	vor.u32 $0x6, v25;
	[tilespmem:$0x1FEF0] =	vst v20  }
0x10: {  	v31 =	vadd.s32 $0x1086, v25;
	[tilespmem:$0x1FF00] =	vst v27  }
0x11: {  	v37 =	vadd.s32 $0x2106, v25;
	[tilespmem:$0x1FF10] =	vst v31  }
0x12: {  	v32 =	vor.u32 $0x7, v25;
	[tilespmem:$0x1FF20] =	vst v37  }
0x13: {  	v45 =	vadd.s32 $0x1087, v25;
	[tilespmem:$0x1FF30] =	vst v32  }
0x14: {  	v48 =	vadd.s32 $0x2107, v25;
	[tilespmem:$0x1FF40] =	vst v45  }
0x15: {  	v18 =	vor.u32 $0x1, v25;
	[tilespmem:$0x1FF50] =	vst v48  }
0x16: {  	s3 =	srdreg.scid;
	s4 =	stileid.u32;
	s16 =	simm.s32 $0x80;
	v50 =	vadd.s32 $0x1081, v25;
	[tilespmem:$0x1FF60] =	vst v18  }
0x17: {  	s17 =	simm.s32 $0x6400;
	s18 =	simm.s32 $0x8400;
	s28 =	simm.s32 $0x2;
	v47 =	vadd.s32 $0x1080, v25;
	[tilespmem:$0x1FF70] =	vst v50  }
0x18: {  	s29 =	simm.s32 $0x12600;
	s30 =	simm.s32 $0x3;
	s31 =	simm.s32 $0x4;
	v40 =	vadd.s32 $0x2100, v25;
	[tilespmem:$0x1FF80] =	vst v47  }
0x19: {  	s5 =	sand.u32 $0x1, s3;
	s23 =	sshll.u32 s4, $0x1;
	s6 =	sadd.s32 $0x800, s1;
	v58 =	vadd.s32 $0x2104, v25;
	[tilespmem:$0x1FF90] =	vst v40  }
0x1a: {  	s3 =	sadd.s32 $0xF42C00, s1;
	s7 =	sor.u32 s5, s23;
	[dreg:$0x3] =	wrdreg s6;
	v29 =	vadd.s32 $0x3183, v25;
	[tilespmem:$0x1FFA0] =	vst v58  }
0x1b: {  	s6 =	sadd.s32 $0x1000, s1;
	s24 =	ssub.s32 $0x2, s5;
	s23 =	simm.s32 $0x1;
	v23 =	vadd.s32 $0x3181, v25;
	[tilespmem:$0x1FFB0] =	vst v29  }
0x1c: {  	s4 =	smul.u32 $0x64, s7;
	s5 =	sshrl.u32 s24, $0x1;
	s9 =	sshll.u32 s7, $0x7;
	v24 =	vor.u32 $0x2, v25;
	[tilespmem:$0x1FFC0] =	vst v23  }
0x1d: {  	s10 =	smul.u32 $0xC80, s7;
	v21 =	vadd.s32 $0x3182, v25;
	s9 =	sand.u32 $0x180, s9;
	s1 =	ssub.s32 s24, s5;
	[tilespmem:$0x1FFD0] =	vst v24  }
0x1e: {  	v0 =	vadd.s32 $0x3184, v25;
	s24 =	simm.s32 $0xE400;
	[tilespmem:$0x1FFF0] =	vst v21;
	s8 =	sshrl.u32 s4, $0x4;
	s7 =	sadd.s32 $0x63, s4  }
0x1f: {  	s0 =	sadd.s32 s0, s10;
	s12 =	sor.u32 $0x2, s4;
	[tilespmem:$0x1FE20] =	vst v0;
	v0 =	vadd.s32 $0x3185, v25;
	s11 =	sshll.u32 s8, $0xF  }
0x20: {  	s26 =	smax.u32 s1, $0x1;
	[dreg:$0x4] =	wrdreg s0;
	[tilespmem:$0x1FE30] =	vst v0;
	v0 =	vadd.s32 $0x3186, v25;
	s25 =	sor.u32 s9, s11  }
0x21: {  	[dreg:$0x6] =	wrdreg s26;
	s9 =	sshll.u32 s8, $0x6;
	[tilespmem:$0x1FE40] =	vst v0;
	v0 =	vadd.s32 $0x3187, v25;
	s10 =	sadd.s32 s6, s25  }
0x22: {  	v22 =	vadd.s32 $0x2102, v25;
	s1 =	simm.s32 $0x0;
	[tilespmem:$0x1FE50] =	vst v0;
	[dreg:$0x5] =	wrdreg s9;
	s11 =	sadd.s32 $0x20, s10  }
.LBB2_1:
0x23: {  	[dreg:$0x7] =	wrdreg s1  }
0x24: {  	s0 =	rddreg [dreg:$0x4];
	s14 =	simm.s32 $0x5  }
0x25: {  	[tilespmem:s2], [sflag:$0x5] =	stream.linear.gather [hbm4b:s0+s2], $0x6400, $0x38;
	[tilespmem:$0x19A00] =	vst v63  }
0x26: {  	_ =	swait.ge [sflag:s14], $0x6400  }
0x27: {  	[sflag:s14] =	ssyncset.done $0x0  }
0x28: {  	s5 =	simm.s32 $0x16800;
	s15 =	rddreg [dreg:$0x3];
	[sflag:s14] =	ssyncadd.s32 $0xFFFF9C00  }
0x29: {  	[tilespmem:s5], [sflag:$0x5] =	stream.linear.gather [hbm4b:s15+s2], $0x3200, $0x38;
	[tilespmem:$0x19A00] =	vst v63  }
0x2a: {  	_ =	swait.ge [sflag:s14], $0x3200  }
0x2b: {  	[sflag:s14] =	ssyncset.done $0x0  }
0x2c: {  	[sflag:s14] =	ssyncadd.s32 $0xFFFFCE00  }
0x2d: {  	[tilespmem:s17], [sflag:$0x1] =	stream.indirect.gather [hbm4b:s3+s16], $0x40, s2, s16, $0xb8;
	[tilespmem:$0x19A00] =	vst v63  }
0x2e: {  	_ = 	snop  }
0x2f: {  	[tilespmem:s18], [sflag:$0x1] =	stream.indirect.gather [hbm4b:s3+s16], $0x40, s16, s16, $0xb8;
	[tilespmem:$0x19A00] =	vst v63  }
0x30: {  	s19 =	simm.s32 $0x100;
	s20 =	simm.s32 $0xA400  }
0x31: {  	[tilespmem:s20], [sflag:$0x2] =	stream.indirect.gather [hbm4b:s3+s16], $0x40, s19, s16, $0xb8;
	[tilespmem:$0x19A00] =	vst v63  }
0x32: {  	s21 =	simm.s32 $0x180;
	s22 =	simm.s32 $0xC400  }
0x33: {  	[tilespmem:s22], [sflag:$0x2] =	stream.indirect.gather [hbm4b:s3+s16], $0x40, s21, s16, $0xb8;
	[tilespmem:$0x19A00] =	vst v63  }
0x34: {  	_ =	swait.ge [sflag:s23], $0x2000  }
0x35: {  	[sflag:s23] =	ssyncset.done $0x0  }
0x36: {  	[sflag:s23] =	ssyncadd.s32 $0xFFFFE000  }
0x37: {  	_ =	swait.ge [sflag:s23], $0x2000  }
0x38: {  	s0 =	simm.s32 $0x1;
	[sflag:s23] =	ssyncset.done $0x0  }
0x39: {  	s26 =	simm.s32 $0x4;
	v5 =	vmov s0;
	[sflag:s23] =	ssyncadd.s32 $0xFFFFE000  }
0x3a: {  	v3 =	vmov s26;
	v5 =	vshrl.u32 v5, $0x3;
	v36 =	vld [tilespmem:s9+$0x16800]  }
0x3b: {  	s13 =	simm.s32 $0x2;
	v3 =	vshrl.u32 v3, $0x3;
	v5 =	vshll.u32 v5, v1;
	v35 =	vld [tilespmem:s9+$0x16810]  }
0x3c: {  	v6 =	vmov s13;
	v3 =	vshll.u32 v3, v1;
	s15 =	simm.s32 $0x6500;
	s5 =	simm.s32 $0x3;
	v5 =	vbroadcast v5, $0x0;
	v34 =	vld [tilespmem:s9+$0x16820]  }
0x3d: {  	v6 =	vshrl.u32 v6, $0x3;
	v44 =	vbroadcast v3, $0x0;
	v3 =	vmov s5;
	v7 =	vld [tilespmem:s15+$0x0]  }
0x3e: {  	v6 =	vshll.u32 v6, v1;
	v3 =	vshrl.u32 v3, $0x3;
	v11 =	vadd.s32 v23, v5;
	v8 =	vld [tilespmem:s15+$0xFFFFFF40]  }
0x3f: {  	v49 =	vbroadcast v6, $0x0;
	v6 =	vadd.s32 v57, v44;
	v3 =	vshll.u32 v3, v1;
	v9 =	vld [tilespmem:s15+$0xFFFFFF80];
	[tilespmem:$0x1FDB0] =	vst v11  }
0x40: {  	v10 =	vadd.s32 v18, v5;
	v56 =	vbroadcast v3, $0x0;
	v11 =	vld [tilespmem:s15+$0xFFFFFFC0]  }
0x41: {  	v0 =	vmov s2;
	v12 =	vadd.s32 v24, v49;
	v33 =	vld [tilespmem:s9+$0x16830]  }
0x42: {  	s8 =	simm.s32 $0x5;
	v0 =	vshrl.u32 v0, $0x3;
	v15 =	vadd.s32 v26, v56;
	v3 =	vld [tilespmem:s15+$0xFFFFFF00];
	v7 =	vadd.f32 v7, v36  }
0x43: {  	v4 =	vmov s8;
	s8 =	simm.s32 $0x6;
	v17 =	vshll.u32 v0, v1;
	v13 =	vld [tilespmem:s15+$0xC0];
	v0 =	vadd.f32 v8, v36  }
0x44: {  	v14 =	vmov s8;
	v16 =	vld [tilespmem:s15+$0x80];
	v9 =	vadd.f32 v9, v36;
	[tilespmem:v6+s24+$0x0] =	vst.idx.msk $0xffff, v7  }
0x45: {  	s25 =	simm.s32 $0x7;
	v4 =	vshrl.u32 v4, $0x3;
	v8 =	vshrl.u32 v14, $0x3;
	v14 =	vld [tilespmem:s15+$0x40];
	[tilespmem:v10+s24+$0x0] =	vst.idx.msk $0xffff, v0;
	v7 =	vadd.f32 v11, v36  }
0x46: {  	v2 =	vmov s25;
	v4 =	vshll.u32 v4, v1;
	[tilespmem:v12+s24+$0x0] =	vst.idx.msk $0xffff, v9;
	v6 =	vld [tilespmem:s15+$0x10]  }
0x47: {  	v2 =	vshrl.u32 v2, $0x3;
	v54 =	vbroadcast v4, $0x0;
	v4 =	vld [tilespmem:s15+$0xFFFFFF50];
	[tilespmem:v15+s24+$0x0] =	vst.idx.msk $0xffff, v7  }
0x48: {  	v2 =	vshll.u32 v2, v1;
	v8 =	vshll.u32 v8, v1;
	v10 =	vadd.f32 v3, v36;
	v46 =	vld [tilespmem:$0x1FE10]  }
0x49: {  	v9 =	vadd.s32 v50, v5;
	v3 =	vadd.s32 v51, v56;
	v0 =	vmovc v50;
	v50 =	vbroadcast v2, $0x0;
	v2 =	vld [tilespmem:s15+$0xFFFFFF90]  }
0x4a: {  	v52 =	vbroadcast v8, $0x0;
	v8 =	vadd.f32 v13, v36;
	v13 =	vld [tilespmem:s15+$0xFFFFFFD0];
	[tilespmem:$0x1FDD0] =	vst v3;
	v3 =	vbroadcast v17, $0x0  }
0x4b: {  	v17 =	vadd.s32 v41, v49  }
0x4c: {  	v19 =	vmov v27;
	v7 =	vadd.s32 v27, v52;
	v27 =	vadd.s32 v47, v3  }
0x4d: {  	[tilespmem:$0x1FD90] =	vst v27;
	v47 =	vadd.s32 v46, v5;
	v5 =	vadd.s32 v20, v54  }
0x4e: {  	v2 =	vadd.f32 v2, v35;
	[tilespmem:$0x1FDF0] =	vst v5;
	v5 =	vadd.s32 v48, v50  }
0x4f: {  	[tilespmem:$0x1FDC0] =	vst v5  }
0x50: {  	s1 =	simm.s32 $0x6700;
	v61 =	vadd.s32 v53, v54;
	[tilespmem:v17+s24+$0x0] =	vst.idx.msk $0xffff, v2;
	v2 =	vadd.s32 v37, v52  }
0x51: {  	v20 =	vmov v49;
	v48 =	vadd.s32 v22, v49;
	v49 =	vld [tilespmem:s1+$0xFFFFFF40];
	[tilespmem:$0x1FDE0] =	vst v2;
	v2 =	vadd.s32 v40, v3  }
0x52: {  	v43 =	vadd.s32 v39, v56;
	s19 =	simm.s32 $0x9;
	v16 =	vadd.f32 v16, v36;
	v11 =	vadd.s32 v28, v44;
	[tilespmem:$0x1FE00] =	vst v2  }
0x53: {  	v62 =	vmov s19;
	v14 =	vadd.f32 v14, v36;
	v38 =	vadd.f32 v4, v35;
	v17 =	vld [tilespmem:s15+$0xFFFFFFA0]  }
0x54: {  	s20 =	simm.s32 $0xC;
	v6 =	vadd.f32 v6, v35;
	v2 =	vadd.s32 v58, v44;
	v58 =	vshrl.u32 v62, $0x3;
	v5 =	vld [tilespmem:s1+$0x80];
	[tilespmem:v7+s24+$0x0] =	vst.idx.msk $0xffff, v16  }
0x55: {  	s21 =	simm.s32 $0xA;
	v13 =	vadd.f32 v13, v35;
	v7 =	vmov s20;
	v59 =	vld [tilespmem:s1+$0xFFFFFF80];
	[tilespmem:v9+s24+$0x0] =	vst.idx.msk $0xffff, v38;
	v63 =	vshll.u32 v58, v1  }
0x56: {  	v16 =	vmov s21;
	[tilespmem:v61+s24+$0x0] =	vst.idx.msk $0xffff, v14;
	v61 =	vld [tilespmem:s1+$0x0];
	v37 =	vbroadcast v63, $0x0;
	v7 =	vshrl.u32 v7, $0x3  }
0x57: {  	v15 =	vadd.s32 v32, v50;
	[tilespmem:v11+s24+$0x0] =	vst.idx.msk $0xffff, v6;
	v16 =	vshrl.u32 v16, $0x3;
	v58 =	vld [tilespmem:s15+$0x90];
	v7 =	vshll.u32 v7, v1  }
0x58: {  	[tilespmem:v43+s24+$0x0] =	vst.idx.msk $0xffff, v13;
	v60 =	vld [tilespmem:s15+$0xFFFFFF60];
	v14 =	vshll.u32 v16, v1;
	v16 =	vbroadcast v7, $0x0;
	v7 =	vadd.s32 v23, v37  }
0x59: {  	v6 =	vld [tilespmem:s15+$0x50];
	[tilespmem:$0x1FD60] =	vst v7  }
0x5a: {  	v42 =	vadd.s32 v31, v52;
	v7 =	vld [tilespmem:s1+$0xFFFFFF00]  }
0x5b: {  	v55 =	vmov v32;
	s25 =	simm.s32 $0xB;
	v12 =	vadd.s32 v30, v54;
	v32 =	vmov v39  }
0x5c: {  	v41 =	vadd.s32 v25, v3;
	v4 =	vmovc v31;
	v31 =	vmovc v45;
	v38 =	vmov s25;
	v11 =	vadd.f32 v17, v34  }
0x5d: {  	v45 =	vadd.s32 v45, v50;
	v43 =	vshrl.u32 v38, $0x3;
	[tilespmem:v15+s24+$0x0] =	vst.idx.msk $0xffff, v8;
	v15 =	vadd.f32 v58, v35;
	v58 =	vld [tilespmem:s1+$0xC0]  }
0x5e: {  	s13 =	simm.s32 $0x8;
	v39 =	vbroadcast v14, $0x0;
	v8 =	vadd.s32 v57, v16;
	v57 =	vadd.f32 v60, v34;
	v38 =	vld [tilespmem:s15+$0xD0];
	[tilespmem:v48+s24+$0x0] =	vst.idx.msk $0xffff, v11  }
0x5f: {  	v53 =	vmov s13;
	s22 =	simm.s32 $0xD;
	v17 =	vadd.s32 v18, v37;
	v11 =	vld [tilespmem:s1+$0x40];
	[tilespmem:v42+s24+$0x0] =	vst.idx.msk $0xffff, v15;
	v7 =	vadd.f32 v7, v36  }
0x60: {  	s26 =	simm.s32 $0xE;
	v9 =	vmov s22;
	v13 =	vshrl.u32 v53, $0x3;
	v53 =	vadd.s32 v24, v39;
	[tilespmem:v47+s24+$0x0] =	vst.idx.msk $0xffff, v57;
	v47 =	vld [tilespmem:s15+$0x20]  }
0x61: {  	v9 =	vshrl.u32 v9, $0x3;
	v15 =	vmov s26;
	v57 =	vadd.f32 v61, v36;
	v61 =	vld [tilespmem:s1+$0xFFFFFFC0];
	[tilespmem:$0x1FD70] =	vst v7  }
0x62: {  	v9 =	vshll.u32 v9, v1;
	v60 =	vadd.f32 v49, v36;
	v15 =	vshrl.u32 v15, $0x3;
	[tilespmem:v41+s24+$0x0] =	vst.idx.msk $0xffff, v10;
	v63 =	vld [tilespmem:s15+$0xFFFFFFB0]  }
0x63: {  	v7 =	vshll.u32 v15, v1;
	v10 =	vadd.f32 v59, v36;
	v41 =	vld [tilespmem:$0x1FE70];
	[tilespmem:v8+s24+$0x0] =	vst.idx.msk $0xffff, v57  }
0x64: {  	v42 =	vbroadcast v9, $0x0;
	v48 =	vbroadcast v7, $0x0;
	v7 =	vld [tilespmem:s15+$0xFFFFFF70];
	v8 =	vadd.f32 v38, v35;
	[tilespmem:v17+s24+$0x0] =	vst.idx.msk $0xffff, v60  }
0x65: {  	v6 =	vadd.f32 v6, v35;
	v15 =	vshll.u32 v43, v1;
	v9 =	vld [tilespmem:s15+$0xA0];
	[tilespmem:v53+s24+$0x0] =	vst.idx.msk $0xffff, v10  }
0x66: {  	v62 =	vld [tilespmem:s15+$0xFFFFFF10];
	v57 =	vadd.s32 v0, v37;
	v0 =	vadd.s32 v30, v42;
	[tilespmem:v45+s24+$0x0] =	vst.idx.msk $0xffff, v8  }
0x67: {  	s14 =	simm.s32 $0xF;
	v43 =	vbroadcast v15, $0x0;
	v15 =	vld [tilespmem:s1+$0x10];
	v8 =	vadd.f32 v47, v34;
	[tilespmem:$0x1FD80] =	vst v0  }
0x68: {  	v40 =	vmov s14;
	[tilespmem:v12+s24+$0x0] =	vst.idx.msk $0xffff, v6  }
0x69: {  	v14 =	vshrl.u32 v40, $0x3;
	v40 =	vld [tilespmem:$0x1FE20];
	[tilespmem:v2+s24+$0x0] =	vst.idx.msk $0xffff, v8  }
0x6a: {  	v0 =	vld [tilespmem:$0x1FD90];
	_ =	sdelay $0x4  }
0x6b: {  	v10 =	vadd.s32 v26, v43  }
0x6c: {  	v6 =	vadd.f32 v62, v35  }
0x6d: {  	v14 =	vshll.u32 v14, v1;
	v49 =	vadd.f32 v58, v36;
	v12 =	vld [tilespmem:s15+$0xE0]  }
0x6e: {  	v45 =	vbroadcast v14, $0x0;
	v14 =	vadd.f32 v61, v36;
	v58 =	vld [tilespmem:s15+$0xFFFFFFE0];
	[tilespmem:v0+s24+$0x0] =	vst.idx.msk $0xffff, v6;
	v0 =	vadd.s32 v51, v43  }
0x6f: {  	v8 =	vld [tilespmem:s1+$0xFFFFFF50];
	[tilespmem:$0x1FDA0] =	vst v0  }
0x70: {  	[tilespmem:v10+s24+$0x0] =	vst.idx.msk $0xffff, v14  }
0x71: {  	v0 =	vld [tilespmem:$0x1FE30];
	_ =	sdelay $0x4  }
0x72: {  	v60 =	vadd.s32 v0, v54;
	v0 =	vld [tilespmem:$0x1FDB0];
	_ =	sdelay $0x5  }
0x73: {  	v7 =	vadd.f32 v7, v33;
	_ =	sdelay $0x1  }
0x74: {  	v18 =	vld [tilespmem:$0x1FED0];
	[tilespmem:v0+s24+$0x0] =	vst.idx.msk $0xffff, v7  }
0x75: {  	v0 =	vld [tilespmem:$0x1FDC0];
	_ =	sdelay $0x5  }
0x76: {  	v7 =	vadd.f32 v12, v34;
	_ =	sdelay $0x1  }
0x77: {  	[tilespmem:v0+s24+$0x0] =	vst.idx.msk $0xffff, v7  }
0x78: {  	v0 =	vld [tilespmem:$0x1FDD0];
	_ =	sdelay $0x5  }
0x79: {  	v12 =	vadd.f32 v58, v34;
	_ =	sdelay $0x1  }
0x7a: {  	[tilespmem:v0+s24+$0x0] =	vst.idx.msk $0xffff, v12  }
0x7b: {  	v0 =	vld [tilespmem:$0x1FDE0];
	_ =	sdelay $0x5  }
0x7c: {  	v9 =	vadd.f32 v9, v34;
	_ =	sdelay $0x1  }
0x7d: {  	v6 =	vadd.f32 v5, v36;
	v5 =	vmov v4;
	[tilespmem:v0+s24+$0x0] =	vst.idx.msk $0xffff, v9  }
0x7e: {  	v58 =	vadd.s32 v5, v48;
	v5 =	vld [tilespmem:$0x1FE50];
	_ =	sdelay $0x4  }
0x7f: {  	v9 =	vadd.s32 v5, v50;
	v5 =	vld [tilespmem:$0x1FDF0]  }
0x80: {  	v10 =	vld [tilespmem:s15+$0x60];
	_ =	sdelay $0x2  }
0x81: {  	v62 =	vadd.f32 v11, v36;
	v11 =	vld [tilespmem:s15+$0x30]  }
0x82: {  	v13 =	vshll.u32 v13, v1;
	v38 =	vadd.s32 v28, v16;
	v17 =	vadd.s32 v40, v44  }
0x83: {  	v27 =	vmovc v16;
	v44 =	vbroadcast v13, $0x0;
	v16 =	vadd.f32 v8, v35;
	v13 =	vld [tilespmem:s1+$0xFFFFFF90];
	v8 =	vadd.f32 v10, v34  }
0x84: {  	v14 =	vld [tilespmem:s1+$0xFFFFFFD0]  }
0x85: {  	v0 =	vld [tilespmem:s15+$0xF0];
	[tilespmem:v5+s24+$0x0] =	vst.idx.msk $0xffff, v8  }
0x86: {  	v10 =	vadd.f32 v11, v33;
	v11 =	vld [tilespmem:$0x1FF50]  }
0x87: {  	v15 =	vadd.f32 v15, v35;
	v5 =	vld [tilespmem:$0x1FE40]  }
0x88: {  	v12 =	vadd.f32 v13, v35;
	v13 =	vld [tilespmem:$0x1FE60];
	[tilespmem:v17+s24+$0x0] =	vst.idx.msk $0xffff, v10  }
0x89: {  	v10 =	vld [tilespmem:$0x1FF80];
	[tilespmem:v38+s24+$0x0] =	vst.idx.msk $0xffff, v15  }
0x8a: {  	v15 =	vadd.f32 v0, v33;
	v0 =	vld [tilespmem:$0x1FEF0];
	_ =	sdelay $0x3  }
0x8b: {  	v7 =	vadd.s32 v29, v56;
	v29 =	vmov v18;
	v8 =	vadd.s32 v5, v52  }
0x8c: {  	v5 =	vadd.f32 v14, v35;
	v14 =	vadd.s32 v18, v42;
	v18 =	vmovc v0;
	v50 =	vadd.s32 v0, v42;
	v0 =	vld [tilespmem:$0x1FE00]  }
0x8d: {  	v4 =	vld [tilespmem:s15+$0xFFFFFF20];
	_ =	sdelay $0x4  }
0x8e: {  	v4 =	vadd.f32 v4, v34  }
0x8f: {  	[tilespmem:v57+s24+$0x0] =	vst.idx.msk $0xffff, v16  }
0x90: {  	[tilespmem:v0+s24+$0x0] =	vst.idx.msk $0xffff, v4  }
0x91: {  	v4 =	vld [tilespmem:$0x1FF20]  }
0x92: {  	v37 =	vadd.s32 v46, v37;
	v59 =	vadd.s32 v19, v48  }
0x93: {  	v26 =	vmovc v51;
	v19 =	vmov v46;
	v53 =	vadd.s32 v55, v45;
	v3 =	vadd.s32 v13, v3;
	v13 =	vld [tilespmem:s15+$0xFFFFFFF0]  }
0x94: {  	v30 =	vmovc v48;
	v61 =	vadd.f32 v63, v33;
	v63 =	vadd.s32 v32, v43;
	v54 =	vadd.s32 v10, v44;
	v10 =	vld [tilespmem:s15+$0xB0]  }
0x95: {  	v2 =	vadd.s32 v41, v39;
	v55 =	vadd.s32 v25, v44;
	v56 =	vadd.s32 v31, v45;
	v31 =	vmovc v11;
	v0 =	vld [tilespmem:s15+$0x70]  }
0x96: {  	s8 =	simm.s32 $0x6900;
	s5 =	simm.s32 $0x10;
	v52 =	vadd.s32 v11, v45;
	v57 =	vadd.s32 v22, v39;
	v11 =	vld [tilespmem:s15+$0xFFFFFF30];
	v32 =	vmovc v4;
	v51 =	vadd.s32 v4, v48  }
.LBB2_2:
0x97: {  	_ = 	snop  }
0x98: {  	v4 =	vld [tilespmem:$0x1FF90];
	v46 =	vadd.s32 v21, v20  }
0x99: {  	v16 =	vld [tilespmem:s8+$0xFFFFFF40];
	[tilespmem:v59+s24+$0x0] =	vst.idx.msk $0xffff, v6  }
0x9a: {  	s15 =	smov.u32 s5;
	[tilespmem:v2+s24+$0x0] =	vst.idx.msk $0xffff, v12;
	v6 =	vld [tilespmem:s8+$0x80]  }
0x9b: {  	[tilespmem:v14+s24+$0x0] =	vst.idx.msk $0xffff, v62;
	s25 =	sadd.s32 $0x2, s15;
	v38 =	vld [tilespmem:s1+$0xFFFFFFA0]  }
0x9c: {  	[tilespmem:v9+s24+$0x0] =	vst.idx.msk $0xffff, v15;
	v15 =	vmov s25;
	v47 =	vld [tilespmem:s8+$0xFFFFFF80]  }
0x9d: {  	v14 =	vshrl.u32 v15, $0x3;
	v15 =	vld [tilespmem:s1+$0x50];
	v2 =	vadd.f32 v13, v33;
	v4 =	vadd.s32 v4, v44;
	[tilespmem:v46+s24+$0x0] =	vst.idx.msk $0xffff, v61  }
0x9e: {  	s19 =	sadd.s32 $0x4, s15;
	v10 =	vadd.f32 v10, v33;
	v46 =	vld [tilespmem:s8+$0x0];
	[tilespmem:$0x1FD50] =	vst v4  }
0x9f: {  	s26 =	sadd.s32 $0x1, s15;
	v12 =	vmov s19;
	v11 =	vadd.f32 v11, v33;
	v61 =	vld [tilespmem:s8+$0xC0];
	[tilespmem:v7+s24+$0x0] =	vst.idx.msk $0xffff, v2  }
0xa0: {  	v9 =	vmov s26;
	v2 =	vadd.f32 v0, v33;
	v7 =	vshll.u32 v14, v1;
	v14 =	vld [tilespmem:s1+$0x90];
	[tilespmem:v8+s24+$0x0] =	vst.idx.msk $0xffff, v10  }
0xa1: {  	v20 =	vmov v39;
	v9 =	vshrl.u32 v9, $0x3;
	v8 =	vshrl.u32 v12, $0x3;
	v10 =	vld [tilespmem:s1+$0xFFFFFF60];
	[tilespmem:v3+s24+$0x0] =	vst.idx.msk $0xffff, v11  }
0xa2: {  	s14 =	sadd.s32 $0x7, s5;
	v39 =	vbroadcast v7, $0x0;
	v3 =	vld [tilespmem:s8+$0xFFFFFF00];
	[tilespmem:v60+s24+$0x0] =	vst.idx.msk $0xffff, v2;
	v2 =	vshll.u32 v8, v1;
	v8 =	vadd.f32 v38, v34  }
0xa3: {  	v17 =	vmov s15;
	v48 =	vmov s14;
	v4 =	vld [tilespmem:$0x1FFA0];
	v0 =	vshll.u32 v9, v1;
	[tilespmem:v63+s24+$0x0] =	vst.idx.msk $0xffff, v5  }
0xa4: {  	s21 =	sadd.s32 $0x5, s15;
	s13 =	sadd.s32 $0x6, s15;
	s15 =	sadd.s32 $0x3, s15;
	v11 =	vshrl.u32 v17, $0x3;
	v17 =	vadd.s32 v24, v39;
	[tilespmem:v57+s24+$0x0] =	vst.idx.msk $0xffff, v8;
	v8 =	vadd.f32 v16, v36;
	v16 =	vld [tilespmem:s8+$0xFFFFFFC0]  }
0xa5: {  	v9 =	vshrl.u32 v48, $0x3;
	v12 =	vld [tilespmem:$0x1FF60];
	v48 =	vmov s15;
	v62 =	vadd.f32 v47, v36  }
0xa6: {  	v5 =	vld [tilespmem:$0x1FEB0];
	v59 =	vshrl.u32 v48, $0x3;
	v48 =	vmov s13;
	v10 =	vadd.f32 v10, v34  }
0xa7: {  	v57 =	vshrl.u32 v48, $0x3;
	v48 =	vld [tilespmem:$0x1FD70];
	v3 =	vadd.f32 v3, v36  }
0xa8: {  	v4 =	vadd.s32 v4, v27;
	[tilespmem:v37+s24+$0x0] =	vst.idx.msk $0xffff, v10;
	v10 =	vld [tilespmem:s1+$0xFFFFFFB0]  }
0xa9: {  	[tilespmem:v17+s24+$0x0] =	vst.idx.msk $0xffff, v62;
	v62 =	vmov v3;
	v3 =	vadd.f32 v16, v36;
	v16 =	vadd.s32 v40, v27;
	v27 =	vld [tilespmem:$0x1FF30]  }
0xaa: {  	v0 =	vbroadcast v0, $0x0;
	v60 =	vld [tilespmem:s1+$0x20];
	v14 =	vadd.f32 v14, v35  }
0xab: {  	[tilespmem:v53+s24+$0x0] =	vst.idx.msk $0xffff, v49;
	v9 =	vshll.u32 v9, v1;
	v7 =	vld [tilespmem:s8+$0x40];
	v2 =	vbroadcast v2, $0x0  }
0xac: {  	v12 =	vadd.s32 v12, v0;
	[tilespmem:v58+s24+$0x0] =	vst.idx.msk $0xffff, v14;
	v14 =	vld [tilespmem:s1+$0xD0];
	v37 =	vbroadcast v9, $0x0  }
0xad: {  	v5 =	vadd.s32 v5, v2;
	v9 =	vld [tilespmem:$0x1FEE0]  }
0xae: {  	v13 =	vmov s21;
	[tilespmem:v55+s24+$0x0] =	vst.idx.msk $0xffff, v48;
	v48 =	vadd.s32 v28, v2;
	v53 =	vadd.s32 v27, v37;
	v27 =	vmovc v2;
	v2 =	vld [tilespmem:$0x1FE80]  }
0xaf: {  	v13 =	vshrl.u32 v13, $0x3;
	v55 =	vld [tilespmem:s1+$0xFFFFFF10]  }
0xb0: {  	v63 =	vshll.u32 v59, v1;
	v46 =	vadd.f32 v46, v36;
	v49 =	vshll.u32 v57, v1;
	v57 =	vld [tilespmem:s1+$0xFFFFFF70]  }
0xb1: {  	v13 =	vshll.u32 v13, v1;
	[tilespmem:v12+s24+$0x0] =	vst.idx.msk $0xffff, v8;
	v8 =	vbroadcast v63, $0x0;
	v63 =	vld [tilespmem:$0x1FE30];
	v14 =	vadd.f32 v14, v35  }
0xb2: {  	[tilespmem:v5+s24+$0x0] =	vst.idx.msk $0xffff, v46;
	v5 =	vbroadcast v13, $0x0  }
0xb3: {  	v60 =	vadd.f32 v60, v34;
	[tilespmem:v56+s24+$0x0] =	vst.idx.msk $0xffff, v14;
	v14 =	vadd.s32 v2, v8;
	v2 =	vld [tilespmem:$0x1FD80]  }
0xb4: {  	[tilespmem:$0x1FD70] =	vst v62;
	v62 =	vadd.f32 v7, v36;
	v58 =	vld [tilespmem:s8+$0xFFFFFF50];
	v7 =	vadd.f32 v55, v35  }
0xb5: {  	v38 =	vadd.s32 v23, v0;
	v17 =	vld [tilespmem:s8+$0x10];
	[tilespmem:v4+s24+$0x0] =	vst.idx.msk $0xffff, v60;
	v9 =	vadd.s32 v9, v5  }
0xb6: {  	v60 =	vadd.s32 v63, v42;
	v42 =	vmov v5;
	v5 =	vmov v38;
	[tilespmem:v54+s24+$0x0] =	vst.idx.msk $0xffff, v7;
	v7 =	vld [tilespmem:$0x1FD60]  }
0xb7: {  	[tilespmem:$0x1FD60] =	vst v5;
	v5 =	vld [tilespmem:$0x1FF10];
	_ =	sdelay $0x1  }
0xb8: {  	v15 =	vadd.f32 v15, v35  }
0xb9: {  	v47 =	vbroadcast v49, $0x0  }
0xba: {  	[tilespmem:v2+s24+$0x0] =	vst.idx.msk $0xffff, v15;
	v2 =	vmov v9  }
0xbb: {  	[tilespmem:$0x1FD80] =	vst v2;
	v2 =	vadd.s32 v41, v39;
	v41 =	vadd.f32 v58, v35;
	v58 =	vadd.s32 v5, v47;
	v5 =	vld [tilespmem:$0x1FFB0];
	_ =	sdelay $0x2  }
0xbc: {  	v59 =	vld [tilespmem:$0x1FF70];
	v63 =	vadd.f32 v57, v33  }
0xbd: {  	v49 =	vadd.f32 v61, v36;
	v61 =	vld [tilespmem:$0x1FF00]  }
0xbe: {  	[tilespmem:v7+s24+$0x0] =	vst.idx.msk $0xffff, v63;
	v7 =	vadd.s32 v5, v43;
	v5 =	vld [tilespmem:$0x1FE90]  }
0xbf: {  	v12 =	vld [tilespmem:s1+$0xFFFFFFE0]  }
0xc0: {  	v13 =	vld [tilespmem:s1+$0xA0]  }
0xc1: {  	v15 =	vld [tilespmem:s1+$0xE0]  }
0xc2: {  	v56 =	vadd.s32 v26, v8;
	v9 =	vld [tilespmem:s1+$0x30];
	v43 =	vmov v8  }
0xc3: {  	[tilespmem:v14+s24+$0x0] =	vst.idx.msk $0xffff, v3;
	v3 =	vmov v56;
	v63 =	vadd.s32 v5, v43;
	v5 =	vld [tilespmem:$0x1FDA0]  }
0xc4: {  	[tilespmem:$0x1FDA0] =	vst v3;
	v3 =	vld [tilespmem:$0x1FE50];
	_ =	sdelay $0x2  }
0xc5: {  	v46 =	vadd.s32 v59, v0;
	v59 =	vadd.s32 v61, v47;
	v61 =	vadd.f32 v10, v33  }
0xc6: {  	v10 =	vadd.f32 v13, v34;
	v13 =	vadd.f32 v12, v34  }
0xc7: {  	v12 =	vadd.f32 v15, v34;
	v15 =	vadd.f32 v9, v33;
	v9 =	vadd.s32 v3, v45;
	v3 =	vld [tilespmem:$0x1FF40];
	_ =	sdelay $0x1  }
0xc8: {  	v57 =	vld [tilespmem:s8+$0xFFFFFF90]  }
0xc9: {  	v40 =	vld [tilespmem:s1+$0xFFFFFF20]  }
0xca: {  	v4 =	vld [tilespmem:s1+$0x60];
	v45 =	vmov v37  }
0xcb: {  	[tilespmem:v51+s24+$0x0] =	vst.idx.msk $0xffff, v10;
	v56 =	vadd.s32 v3, v45;
	v3 =	vld [tilespmem:$0x1FE40]  }
0xcc: {  	v10 =	vld [tilespmem:s1+$0xB0]  }
0xcd: {  	v37 =	vadd.s32 v19, v0;
	v0 =	vld [tilespmem:$0x1FD50]  }
0xce: {  	v14 =	vld [tilespmem:s8+$0xFFFFFFD0];
	[tilespmem:v52+s24+$0x0] =	vst.idx.msk $0xffff, v12  }
0xcf: {  	v11 =	vshll.u32 v11, v1;
	[tilespmem:v46+s24+$0x0] =	vst.idx.msk $0xffff, v41;
	v4 =	vadd.f32 v4, v34;
	v38 =	vld [tilespmem:s1+$0xF0]  }
0xd0: {  	v11 =	vbroadcast v11, $0x0;
	v17 =	vadd.f32 v17, v35;
	[tilespmem:v16+s24+$0x0] =	vst.idx.msk $0xffff, v15;
	v8 =	vadd.s32 v3, v30;
	v3 =	vld [tilespmem:$0x1FE60]  }
0xd1: {  	p0 =	slt.u32 s5, $0xF8;
	v6 =	vadd.f32 v6, v36;
	v51 =	vmov v47;
	v47 =	vld [tilespmem:$0x1FF80];
	[tilespmem:v50+s24+$0x0] =	vst.idx.msk $0xffff, v4  }
.Ltmp0:
0xd2: {  	v55 =	vadd.s32 v25, v11;
	v41 =	vld [tilespmem:$0x1FE70];
	v12 =	vadd.f32 v57, v35;
	[tilespmem:v48+s24+$0x0] =	vst.idx.msk $0xffff, v17;
	(pc) =	sbr.rel @p0 .LBB2_2-.Ltmp0, $4  }
0xd3: {  	v57 =	vadd.s32 v22, v39;
	v4 =	vadd.f32 v40, v34;
	v40 =	vld [tilespmem:$0x1FE20];
	[tilespmem:v5+s24+$0x0] =	vst.idx.msk $0xffff, v13  }
0xd4: {  	v50 =	vadd.s32 v18, v42;
	v15 =	vadd.f32 v38, v33;
	v52 =	vadd.s32 v31, v45;
	v13 =	vld [tilespmem:s1+$0xFFFFFFF0]  }
0xd5: {  	v5 =	vadd.f32 v14, v35;
	[tilespmem:v0+s24+$0x0] =	vst.idx.msk $0xffff, v4;
	v0 =	vld [tilespmem:s1+$0x70];
	v3 =	vadd.s32 v3, v44;
	v44 =	vmov v11  }
0xd6: {  	s5 =	sadd.s32 $0x8, s5;
	v14 =	vadd.s32 v29, v42;
	v30 =	vmovc v51;
	v51 =	vadd.s32 v32, v51;
	v11 =	vld [tilespmem:s1+$0xFFFFFF30];
	s1 =	smov.u32 s8;
	s8 =	sadd.s32 $0x200, s8;
	v54 =	vadd.s32 v47, v44  }
0xd7: {  	_ =	sdelay $0x3  }
0xd8: {  	[tilespmem:v59+s24+$0x0] =	vst.idx.msk $0xffff, v6  }
0xd9: {  	[tilespmem:v2+s24+$0x0] =	vst.idx.msk $0xffff, v12  }
0xda: {  	[tilespmem:v53+s24+$0x0] =	vst.idx.msk $0xffff, v49  }
0xdb: {  	[tilespmem:v9+s24+$0x0] =	vst.idx.msk $0xffff, v15;
	v53 =	vadd.f32 v10, v33  }
0xdc: {  	[tilespmem:v14+s24+$0x0] =	vst.idx.msk $0xffff, v62;
	v2 =	vadd.f32 v13, v33  }
0xdd: {  	v49 =	vadd.s32 v21, v20;
	v4 =	vld [tilespmem:s1+$0xD0];
	[tilespmem:v8+s24+$0x0] =	vst.idx.msk $0xffff, v53  }
0xde: {  	[tilespmem:v7+s24+$0x0] =	vst.idx.msk $0xffff, v2;
	v2 =	vld [tilespmem:s1+$0x90]  }
0xdf: {  	v0 =	vadd.f32 v0, v33;
	v8 =	vld [tilespmem:$0x1FD70];
	_ =	sdelay $0x1  }
0xe0: {  	[tilespmem:v60+s24+$0x0] =	vst.idx.msk $0xffff, v0  }
0xe1: {  	[tilespmem:v49+s24+$0x0] =	vst.idx.msk $0xffff, v61  }
0xe2: {  	[tilespmem:v63+s24+$0x0] =	vst.idx.msk $0xffff, v5;
	v4 =	vadd.f32 v4, v35  }
0xe3: {  	v62 =	vld [tilespmem:s1+$0xFFFFFF60];
	v2 =	vadd.f32 v2, v35;
	[tilespmem:v55+s24+$0x0] =	vst.idx.msk $0xffff, v8  }
0xe4: {  	[tilespmem:v56+s24+$0x0] =	vst.idx.msk $0xffff, v4;
	v0 =	vld [tilespmem:s1+$0xFFFFFF10]  }
0xe5: {  	v26 =	vld [tilespmem:$0x1FFA0];
	[tilespmem:v58+s24+$0x0] =	vst.idx.msk $0xffff, v2  }
0xe6: {  	v36 =	vld [tilespmem:$0x1FD80]  }
0xe7: {  	v59 =	vld [tilespmem:s1+$0x50]  }
0xe8: {  	v12 =	vld [tilespmem:s1+$0x20];
	v31 =	vadd.f32 v11, v33  }
0xe9: {  	v14 =	vld [tilespmem:s1+$0xE0]  }
0xea: {  	[tilespmem:v3+s24+$0x0] =	vst.idx.msk $0xffff, v31;
	v3 =	vadd.f32 v62, v34;
	v15 =	vadd.s32 v26, v27  }
0xeb: {  	v0 =	vadd.f32 v0, v35  }
0xec: {  	v13 =	vadd.f32 v59, v35;
	[tilespmem:v37+s24+$0x0] =	vst.idx.msk $0xffff, v3  }
0xed: {  	v6 =	vadd.f32 v12, v34;
	[tilespmem:v54+s24+$0x0] =	vst.idx.msk $0xffff, v0  }
0xee: {  	v3 =	vadd.f32 v14, v34;
	[tilespmem:v36+s24+$0x0] =	vst.idx.msk $0xffff, v13  }
0xef: {  	v32 =	vld [tilespmem:s1+$0xA0];
	[tilespmem:v15+s24+$0x0] =	vst.idx.msk $0xffff, v6  }
0xf0: {  	v18 =	vld [tilespmem:$0x1FF90];
	[tilespmem:v52+s24+$0x0] =	vst.idx.msk $0xffff, v3  }
0xf1: {  	v53 =	vld [tilespmem:$0x1FDA0]  }
0xf2: {  	v2 =	vld [tilespmem:s1+$0xFFFFFFE0]  }
0xf3: {  	v4 =	vld [tilespmem:s1+$0x60]  }
0xf4: {  	v38 =	vld [tilespmem:s1+$0xFFFFFFA0];
	_ =	sdelay $0x1  }
0xf5: {  	v49 =	vadd.f32 v32, v34;
	v0 =	vld [tilespmem:s1+$0xFFFFFF20]  }
0xf6: {  	v2 =	vadd.f32 v2, v34  }
0xf7: {  	[tilespmem:v51+s24+$0x0] =	vst.idx.msk $0xffff, v49;
	v3 =	vadd.f32 v4, v34;
	v48 =	vadd.s32 v18, v44  }
0xf8: {  	v54 =	vadd.f32 v38, v34;
	[tilespmem:v53+s24+$0x0] =	vst.idx.msk $0xffff, v2  }
0xf9: {  	v9 =	vld [tilespmem:$0x1FE50];
	[tilespmem:v50+s24+$0x0] =	vst.idx.msk $0xffff, v3  }
0xfa: {  	v7 =	vld [tilespmem:s1+$0x30];
	v0 =	vadd.f32 v0, v34;
	[tilespmem:v57+s24+$0x0] =	vst.idx.msk $0xffff, v54  }
0xfb: {  	v58 =	vld [tilespmem:$0x1FFB0]  }
0xfc: {  	v59 =	vld [tilespmem:$0x1FE40];
	[tilespmem:v48+s24+$0x0] =	vst.idx.msk $0xffff, v0  }
0xfd: {  	v6 =	vld [tilespmem:$0x1FD60]  }
0xfe: {  	v46 =	vld [tilespmem:s1+$0xFFFFFF70]  }
0xff: {  	v55 =	vadd.s32 v40, v27;
	_ =	sdelay $0x2  }
0x100: {  	v7 =	vadd.f32 v7, v33;
	v2 =	vld [tilespmem:s1+$0xF0]  }
0x101: {  	v56 =	vld [tilespmem:s1+$0xFFFFFFF0];
	v57 =	vadd.f32 v46, v33  }
0x102: {  	v0 =	vld [tilespmem:$0x1FE30];
	[tilespmem:v55+s24+$0x0] =	vst.idx.msk $0xffff, v7  }
0x103: {  	v12 =	vld [tilespmem:s1+$0xFFFFFFB0];
	[tilespmem:v6+s24+$0x0] =	vst.idx.msk $0xffff, v57  }
0x104: {  	v9 =	vadd.s32 v9, v45;
	v8 =	vld [tilespmem:$0x1FE60]  }
0x105: {  	v3 =	vld [tilespmem:s1+$0xB0];
	v5 =	vadd.s32 v58, v43  }
0x106: {  	v62 =	vadd.s32 v21, v39;
	v11 =	vld [tilespmem:s1+$0x70]  }
0x107: {  	v60 =	vld [tilespmem:s1+$0xFFFFFF30];
	v2 =	vadd.f32 v2, v33;
	v13 =	vadd.s32 v59, v30  }
0x108: {  	v61 =	vadd.f32 v56, v33;
	v0 =	vadd.s32 v0, v42  }
0x109: {  	v63 =	vadd.f32 v12, v33;
	[tilespmem:v9+s24+$0x0] =	vst.idx.msk $0xffff, v2;
	v8 =	vadd.s32 v8, v44  }
0x10a: {  	v2 =	vadd.f32 v3, v33;
	[tilespmem:v5+s24+$0x0] =	vst.idx.msk $0xffff, v61  }
0x10b: {  	v3 =	vadd.f32 v11, v33;
	[tilespmem:v62+s24+$0x0] =	vst.idx.msk $0xffff, v63  }
0x10c: {  	[tilespmem:v13+s24+$0x0] =	vst.idx.msk $0xffff, v2;
	v2 =	vadd.f32 v60, v33  }
0x10d: {  	s5 =	simm.s32 $0x200;
	[tilespmem:v0+s24+$0x0] =	vst.idx.msk $0xffff, v3  }
0x10e: {  	s13 =	sadd.s32 $0x0, s10;
	s8 =	simm.s32 $0xE508;
	v27 =	vmov v26;
	s1 =	simm.s32 $0xE400;
	[tilespmem:v8+s24+$0x0] =	vst.idx.msk $0xffff, v2  }
.LBB2_4:
0x10f: {  	[hbm4b:s13+s2] =	stream.linear.scatter [tilespmem:s1], [sflag:$0x3], $0x100, $0x38;
	[tilespmem:$0x19A00] =	vst v63  }
0x110: {  	s13 =	smov.u32 s5;
	s1 =	smov.u32 s8;
	p0 =	sne.s32 s5, $0x7E00  }
.Ltmp1:
0x111: {  	s5 =	sadd.s32 $0x200, s5;
	(pc) =	sbr.rel @p0 .LBB2_4-.Ltmp1, $2  }
0x112: {  	_ =	sdelay $0x2  }
0x113: {  	s8 =	sadd.s32 $0x108, s8;
	s13 =	sadd.s32 s13, s10  }
0x114: {  	[hbm4b:s13+s2] =	stream.linear.scatter [tilespmem:s1], [sflag:$0x3], $0x100, $0x38;
	[tilespmem:$0x19A00] =	vst v63  }
0x115: {  	s0 =	simm.s32 $0x200  }
0x116: {  	[tilespmem:s17], [sflag:$0x1] =	stream.indirect.gather [hbm4b:s3+s16], $0x40, s0, s16, $0xb8;
	[tilespmem:$0x19A00] =	vst v63  }
0x117: {  	s21 =	simm.s32 $0x280  }
0x118: {  	[tilespmem:s18], [sflag:$0x1] =	stream.indirect.gather [hbm4b:s3+s16], $0x40, s21, s16, $0xb8;
	[tilespmem:$0x19A00] =	vst v63  }
0x119: {  	_ =	swait.ge [sflag:s28], $0x2000  }
0x11a: {  	[sflag:s28] =	ssyncset.done $0x0  }
0x11b: {  	[sflag:s28] =	ssyncadd.s32 $0xFFFFE000  }
0x11c: {  	s25 =	simm.s32 $0x4;
	s26 =	simm.s32 $0x1;
	_ =	swait.ge [sflag:s28], $0x2000  }
0x11d: {  	s8 =	simm.s32 $0x5;
	v3 =	vmov s25;
	v5 =	vmov s26;
	s0 =	simm.s32 $0x2;
	v32 =	vld [tilespmem:$0x1FEB0]  }
0x11e: {  	v4 =	vmov s8;
	v5 =	vshrl.u32 v5, $0x3;
	v6 =	vmov s0;
	[sflag:s28] =	ssyncset.done $0x0;
	v30 =	vld [tilespmem:$0x1FF60]  }
0x11f: {  	v3 =	vshrl.u32 v3, $0x3;
	v5 =	vshll.u32 v5, v1;
	v6 =	vshrl.u32 v6, $0x3;
	v51 =	vld [tilespmem:$0x1FE80];
	[sflag:s28] =	ssyncadd.s32 $0xFFFFE000  }
0x120: {  	s15 =	simm.s32 $0xA5F0;
	s8 =	simm.s32 $0x3;
	v3 =	vshll.u32 v3, v1;
	v5 =	vbroadcast v5, $0x0;
	v6 =	vshll.u32 v6, v1;
	v36 =	vld [tilespmem:s9+$0x16800]  }
0x121: {  	v44 =	vbroadcast v3, $0x0;
	v3 =	vmov s8;
	v20 =	vbroadcast v6, $0x0;
	v9 =	vld [tilespmem:s15+$0xFFFFFE90]  }
0x122: {  	v3 =	vshrl.u32 v3, $0x3;
	v11 =	vadd.s32 v23, v5;
	v7 =	vld [tilespmem:s15+$0xFFFFFF10]  }
0x123: {  	v3 =	vshll.u32 v3, v1;
	v12 =	vadd.s32 v24, v20;
	v8 =	vld [tilespmem:s15+$0xFFFFFE50];
	[tilespmem:$0x1FCE0] =	vst v11  }
0x124: {  	v29 =	vbroadcast v3, $0x0;
	v11 =	vld [tilespmem:s15+$0xFFFFFED0];
	v6 =	vadd.s32 v32, v44  }
0x125: {  	s22 =	simm.s32 $0x0;
	v10 =	vadd.s32 v30, v5  }
0x126: {  	v0 =	vmov s22;
	v35 =	vld [tilespmem:s9+$0x16810];
	v15 =	vadd.s32 v51, v29;
	v9 =	vadd.f32 v9, v36  }
0x127: {  	v0 =	vshrl.u32 v0, $0x3;
	v34 =	vld [tilespmem:s9+$0x16820];
	v7 =	vadd.f32 v7, v36  }
0x128: {  	v17 =	vshll.u32 v0, v1;
	v33 =	vld [tilespmem:s9+$0x16830];
	v0 =	vadd.f32 v8, v36;
	[tilespmem:v12+s29+$0x0] =	vst.idx.msk $0xffff, v9  }
0x129: {  	v3 =	vld [tilespmem:s15+$0xFFFFFE10];
	[tilespmem:v6+s29+$0x0] =	vst.idx.msk $0xffff, v7;
	v7 =	vadd.f32 v11, v36  }
0x12a: {  	v13 =	vld [tilespmem:s15+$0xFFFFFFD0];
	[tilespmem:v10+s29+$0x0] =	vst.idx.msk $0xffff, v0  }
0x12b: {  	v19 =	vld [tilespmem:$0x1FF70];
	[tilespmem:v15+s29+$0x0] =	vst.idx.msk $0xffff, v7  }
0x12c: {  	s5 =	simm.s32 $0x7;
	s9 =	simm.s32 $0x6;
	v26 =	vld [tilespmem:$0x1FEA0]  }
0x12d: {  	v2 =	vmov s5;
	v4 =	vshrl.u32 v4, $0x3;
	v14 =	vmov s9;
	v16 =	vld [tilespmem:s15+$0xFFFFFF90]  }
0x12e: {  	v2 =	vshrl.u32 v2, $0x3;
	v4 =	vshll.u32 v4, v1;
	v8 =	vshrl.u32 v14, $0x3;
	v14 =	vld [tilespmem:s15+$0xFFFFFF50]  }
0x12f: {  	v2 =	vshll.u32 v2, v1;
	v54 =	vbroadcast v4, $0x0;
	v4 =	vld [tilespmem:s15+$0xFFFFFE60]  }
0x130: {  	v50 =	vbroadcast v2, $0x0;
	v2 =	vld [tilespmem:s15+$0xFFFFFEA0]  }
0x131: {  	v8 =	vshll.u32 v8, v1;
	v10 =	vadd.f32 v3, v36;
	v6 =	vld [tilespmem:s15+$0xFFFFFF20];
	v3 =	vadd.s32 v26, v29  }
0x132: {  	v52 =	vbroadcast v8, $0x0;
	v8 =	vadd.f32 v13, v36;
	v13 =	vld [tilespmem:s15+$0xFFFFFEE0];
	[tilespmem:$0x1FD00] =	vst v3;
	v3 =	vbroadcast v17, $0x0;
	_ =	sdelay $0x1  }
0x133: {  	v38 =	vadd.f32 v4, v35;
	v4 =	vadd.s32 v47, v3  }
0x134: {  	[tilespmem:$0x1FCC0] =	vst v4;
	v4 =	vld [tilespmem:$0x1FED0];
	_ =	sdelay $0x4  }
0x135: {  	v39 =	vadd.s32 v4, v54;
	v4 =	vld [tilespmem:$0x1FE10];
	_ =	sdelay $0x4  }
0x136: {  	v47 =	vadd.s32 v4, v5;
	v4 =	vld [tilespmem:$0x1FEF0];
	_ =	sdelay $0x4  }
0x137: {  	v4 =	vadd.s32 v4, v54  }
0x138: {  	[tilespmem:$0x1FD30] =	vst v4;
	v4 =	vld [tilespmem:$0x1FF50]  }
0x139: {  	v31 =	vld [tilespmem:$0x1FF00]  }
0x13a: {  	v28 =	vld [tilespmem:$0x1FEC0];
	v17 =	vadd.s32 v41, v20  }
0x13b: {  	v57 =	vld [tilespmem:$0x1FE90]  }
0x13c: {  	v0 =	vld [tilespmem:$0x1FEE0]  }
0x13d: {  	v55 =	vld [tilespmem:$0x1FF30];
	[tilespmem:$0x1FD10] =	vst v29;
	v2 =	vadd.f32 v2, v35;
	v4 =	vadd.s32 v4, v50  }
0x13e: {  	v46 =	vld [tilespmem:$0x1FF10];
	[tilespmem:$0x1FCF0] =	vst v4  }
0x13f: {  	v56 =	vld [tilespmem:$0x1FF40];
	[tilespmem:v17+s29+$0x0] =	vst.idx.msk $0xffff, v2  }
0x140: {  	v48 =	vadd.s32 v22, v20;
	v43 =	vadd.s32 v57, v29;
	v29 =	vmov v20;
	v20 =	vld [tilespmem:$0x1FF20];
	_ =	sdelay $0x3  }
0x141: {  	v7 =	vadd.s32 v31, v52  }
0x142: {  	s1 =	simm.s32 $0xA7F0;
	v9 =	vadd.s32 v19, v5;
	v2 =	vadd.s32 v20, v52  }
0x143: {  	s19 =	simm.s32 $0x9;
	v49 =	vld [tilespmem:s1+$0xFFFFFE50];
	[tilespmem:$0x1FD20] =	vst v2;
	v2 =	vadd.s32 v18, v3  }
0x144: {  	v58 =	vmov s19;
	v16 =	vadd.f32 v16, v36;
	v11 =	vadd.s32 v28, v44;
	[tilespmem:$0x1FD40] =	vst v2  }
0x145: {  	v58 =	vshrl.u32 v58, $0x3;
	v17 =	vld [tilespmem:s15+$0xFFFFFEB0]  }
0x146: {  	v62 =	vshll.u32 v58, v1;
	v14 =	vadd.f32 v14, v36;
	v5 =	vld [tilespmem:s1+$0xFFFFFF90];
	[tilespmem:v7+s29+$0x0] =	vst.idx.msk $0xffff, v16  }
0x147: {  	v6 =	vadd.f32 v6, v35;
	v41 =	vadd.s32 v25, v3;
	v59 =	vld [tilespmem:s1+$0xFFFFFE90];
	[tilespmem:v9+s29+$0x0] =	vst.idx.msk $0xffff, v38  }
0x148: {  	s20 =	simm.s32 $0xC;
	v37 =	vbroadcast v62, $0x0;
	v15 =	vadd.s32 v55, v50;
	v13 =	vadd.f32 v13, v35;
	[tilespmem:v39+s29+$0x0] =	vst.idx.msk $0xffff, v14;
	v61 =	vld [tilespmem:s1+$0xFFFFFF10]  }
0x149: {  	s21 =	simm.s32 $0xA;
	v7 =	vmov s20;
	[tilespmem:v11+s29+$0x0] =	vst.idx.msk $0xffff, v6;
	v58 =	vld [tilespmem:s15+$0xFFFFFFA0]  }
0x14a: {  	s13 =	simm.s32 $0x8;
	v4 =	vadd.s32 v23, v37;
	v16 =	vmov s21;
	[tilespmem:v43+s29+$0x0] =	vst.idx.msk $0xffff, v13;
	v7 =	vshrl.u32 v7, $0x3;
	v60 =	vld [tilespmem:s15+$0xFFFFFE70]  }
0x14b: {  	v53 =	vmov s13;
	s25 =	simm.s32 $0xB;
	v16 =	vshrl.u32 v16, $0x3;
	v6 =	vld [tilespmem:s15+$0xFFFFFF60];
	[tilespmem:$0x1FCA0] =	vst v4;
	v7 =	vshll.u32 v7, v1  }
0x14c: {  	v63 =	vmov s25;
	v14 =	vshll.u32 v16, v1;
	[tilespmem:v41+s29+$0x0] =	vst.idx.msk $0xffff, v10;
	v16 =	vbroadcast v7, $0x0;
	v7 =	vld [tilespmem:s1+$0xFFFFFE10]  }
0x14d: {  	v12 =	vadd.s32 v0, v54;
	v42 =	vadd.s32 v46, v52;
	[tilespmem:v15+s29+$0x0] =	vst.idx.msk $0xffff, v8;
	v39 =	vbroadcast v14, $0x0;
	v62 =	vld [tilespmem:s15+$0xFFFFFE20]  }
0x14e: {  	v13 =	vshrl.u32 v53, $0x3;
	v11 =	vadd.f32 v17, v34;
	v8 =	vadd.s32 v32, v16;
	v32 =	vld [tilespmem:s15+$0xFFFFFFE0]  }
0x14f: {  	s22 =	simm.s32 $0xD;
	v53 =	vadd.s32 v24, v39;
	v15 =	vadd.f32 v58, v35;
	v58 =	vld [tilespmem:s1+$0xFFFFFFD0];
	v38 =	vadd.f32 v60, v34  }
0x150: {  	v45 =	vadd.s32 v56, v50;
	v9 =	vmov s22;
	v17 =	vadd.s32 v30, v37;
	[tilespmem:v48+s29+$0x0] =	vst.idx.msk $0xffff, v11;
	v11 =	vld [tilespmem:s1+$0xFFFFFF50]  }
0x151: {  	v2 =	vadd.s32 v27, v44;
	v9 =	vshrl.u32 v9, $0x3;
	[tilespmem:v47+s29+$0x0] =	vst.idx.msk $0xffff, v38;
	v47 =	vld [tilespmem:s15+$0xFFFFFF30];
	v38 =	vadd.f32 v61, v36  }
0x152: {  	s26 =	simm.s32 $0xE;
	v43 =	vshrl.u32 v63, $0x3;
	v9 =	vshll.u32 v9, v1;
	v10 =	vadd.f32 v59, v36;
	[tilespmem:v42+s29+$0x0] =	vst.idx.msk $0xffff, v15;
	v61 =	vld [tilespmem:s1+$0xFFFFFED0]  }
0x153: {  	v60 =	vadd.f32 v49, v36;
	v6 =	vadd.f32 v6, v35;
	v15 =	vmov s26;
	v41 =	vld [tilespmem:$0x1FE70];
	[tilespmem:v8+s29+$0x0] =	vst.idx.msk $0xffff, v38  }
0x154: {  	v63 =	vld [tilespmem:s15+$0xFFFFFEC0];
	v42 =	vbroadcast v9, $0x0;
	v15 =	vshrl.u32 v15, $0x3;
	[tilespmem:v53+s29+$0x0] =	vst.idx.msk $0xffff, v10;
	v8 =	vadd.f32 v32, v35  }
0x155: {  	v48 =	vadd.f32 v7, v36;
	v9 =	vld [tilespmem:s15+$0xFFFFFFB0];
	v7 =	vshll.u32 v15, v1;
	[tilespmem:v17+s29+$0x0] =	vst.idx.msk $0xffff, v60  }
0x156: {  	v15 =	vshll.u32 v43, v1;
	v0 =	vadd.s32 v0, v42;
	v4 =	vbroadcast v7, $0x0;
	v7 =	vld [tilespmem:s15+$0xFFFFFE80];
	[tilespmem:v45+s29+$0x0] =	vst.idx.msk $0xffff, v8  }
0x157: {  	s14 =	simm.s32 $0xF;
	v43 =	vbroadcast v15, $0x0;
	v15 =	vld [tilespmem:s1+$0xFFFFFF20];
	v8 =	vadd.f32 v47, v34;
	[tilespmem:$0x1FCB0] =	vst v0  }
0x158: {  	v40 =	vmov s14;
	[tilespmem:v12+s29+$0x0] =	vst.idx.msk $0xffff, v6  }
0x159: {  	v14 =	vshrl.u32 v40, $0x3;
	v40 =	vld [tilespmem:$0x1FE20];
	[tilespmem:v2+s29+$0x0] =	vst.idx.msk $0xffff, v8  }
0x15a: {  	v0 =	vld [tilespmem:$0x1FCC0];
	_ =	sdelay $0x4  }
0x15b: {  	v10 =	vadd.s32 v51, v43  }
0x15c: {  	v6 =	vadd.f32 v62, v35  }
0x15d: {  	v14 =	vshll.u32 v14, v1;
	v49 =	vadd.f32 v58, v36;
	v12 =	vld [tilespmem:s15+$0xFFFFFFF0]  }
0x15e: {  	v45 =	vbroadcast v14, $0x0;
	v14 =	vadd.f32 v61, v36;
	v58 =	vld [tilespmem:s15+$0xFFFFFEF0];
	[tilespmem:v0+s29+$0x0] =	vst.idx.msk $0xffff, v6;
	v0 =	vadd.s32 v26, v43  }
0x15f: {  	v8 =	vld [tilespmem:s1+$0xFFFFFE60];
	[tilespmem:$0x1FCD0] =	vst v0  }
0x160: {  	[tilespmem:v10+s29+$0x0] =	vst.idx.msk $0xffff, v14  }
0x161: {  	v0 =	vld [tilespmem:$0x1FE30];
	_ =	sdelay $0x4  }
0x162: {  	v60 =	vadd.s32 v0, v54;
	v0 =	vld [tilespmem:$0x1FCE0];
	_ =	sdelay $0x5  }
0x163: {  	v7 =	vadd.f32 v7, v33;
	_ =	sdelay $0x1  }
0x164: {  	[tilespmem:v0+s29+$0x0] =	vst.idx.msk $0xffff, v7  }
0x165: {  	v0 =	vld [tilespmem:$0x1FCF0];
	_ =	sdelay $0x5  }
0x166: {  	v7 =	vadd.f32 v12, v34;
	_ =	sdelay $0x1  }
0x167: {  	[tilespmem:v0+s29+$0x0] =	vst.idx.msk $0xffff, v7  }
0x168: {  	v0 =	vld [tilespmem:$0x1FD00];
	_ =	sdelay $0x5  }
0x169: {  	v12 =	vadd.f32 v58, v34;
	_ =	sdelay $0x1  }
0x16a: {  	[tilespmem:v0+s29+$0x0] =	vst.idx.msk $0xffff, v12  }
0x16b: {  	v0 =	vld [tilespmem:$0x1FFB0]  }
0x16c: {  	v6 =	vadd.f32 v5, v36;
	v5 =	vld [tilespmem:$0x1FD10];
	_ =	sdelay $0x4  }
0x16d: {  	v7 =	vadd.s32 v0, v5;
	v0 =	vld [tilespmem:$0x1FD20];
	_ =	sdelay $0x5  }
0x16e: {  	v9 =	vadd.f32 v9, v34;
	_ =	sdelay $0x1  }
0x16f: {  	[tilespmem:v0+s29+$0x0] =	vst.idx.msk $0xffff, v9  }
0x170: {  	v5 =	vld [tilespmem:$0x1FE50];
	_ =	sdelay $0x4  }
0x171: {  	v9 =	vadd.s32 v5, v50;
	v5 =	vld [tilespmem:$0x1FD30]  }
0x172: {  	v10 =	vld [tilespmem:s15+$0xFFFFFF70];
	_ =	sdelay $0x1  }
0x173: {  	v62 =	vadd.f32 v11, v36;
	v11 =	vld [tilespmem:s15+$0xFFFFFF40];
	_ =	sdelay $0x1  }
0x174: {  	v17 =	vadd.s32 v40, v44  }
0x175: {  	v32 =	vmovc v16;
	v51 =	vadd.s32 v28, v16;
	v16 =	vadd.f32 v8, v35;
	v8 =	vadd.f32 v10, v34;
	_ =	sdelay $0x1  }
0x176: {  	v10 =	vadd.f32 v11, v33;
	[tilespmem:v5+s29+$0x0] =	vst.idx.msk $0xffff, v8  }
0x177: {  	v5 =	vld [tilespmem:$0x1FE40]  }
0x178: {  	v11 =	vld [tilespmem:$0x1FE60];
	[tilespmem:v17+s29+$0x0] =	vst.idx.msk $0xffff, v10  }
0x179: {  	v10 =	vld [tilespmem:$0x1FF80]  }
0x17a: {  	v0 =	vld [tilespmem:s15+$0x0]  }
0x17b: {  	v13 =	vshll.u32 v13, v1  }
0x17c: {  	v15 =	vadd.f32 v15, v35;
	v44 =	vbroadcast v13, $0x0  }
0x17d: {  	v3 =	vadd.s32 v11, v3;
	v11 =	vld [tilespmem:$0x1FE10]  }
0x17e: {  	v54 =	vadd.s32 v10, v44;
	v10 =	vld [tilespmem:$0x1FED0];
	[tilespmem:v51+s29+$0x0] =	vst.idx.msk $0xffff, v15  }
0x17f: {  	v15 =	vadd.f32 v0, v33;
	v0 =	vld [tilespmem:$0x1FEF0];
	_ =	sdelay $0x4  }
0x180: {  	v18 =	vmov v0;
	v50 =	vadd.s32 v0, v42;
	v0 =	vld [tilespmem:$0x1FF50];
	_ =	sdelay $0x3  }
0x181: {  	v13 =	vld [tilespmem:s1+$0xFFFFFEA0]  }
0x182: {  	v8 =	vadd.s32 v5, v52;
	v28 =	vmov v0;
	v52 =	vadd.s32 v0, v45;
	v0 =	vld [tilespmem:$0x1FD40]  }
0x183: {  	v38 =	vadd.s32 v19, v37;
	v19 =	vmov v4;
	v59 =	vadd.s32 v31, v4;
	v4 =	vld [tilespmem:s15+$0xFFFFFE30]  }
0x184: {  	v14 =	vld [tilespmem:s1+$0xFFFFFEE0];
	_ =	sdelay $0x1  }
0x185: {  	v61 =	vadd.f32 v63, v33  }
0x186: {  	v63 =	vadd.s32 v57, v43;
	v57 =	vadd.s32 v22, v39;
	v53 =	vadd.s32 v55, v45  }
0x187: {  	v56 =	vadd.s32 v56, v45;
	v4 =	vadd.f32 v4, v34;
	v12 =	vadd.f32 v13, v35;
	v13 =	vld [tilespmem:s15+$0xFFFFFF00]  }
0x188: {  	v2 =	vadd.s32 v41, v39;
	v5 =	vadd.f32 v14, v35;
	v27 =	vmovc v10;
	v14 =	vadd.s32 v10, v42;
	v10 =	vld [tilespmem:s15+$0xFFFFFFC0]  }
0x189: {  	v30 =	vmov v20;
	v55 =	vadd.s32 v25, v44;
	v58 =	vadd.s32 v46, v19;
	[tilespmem:v0+s29+$0x0] =	vst.idx.msk $0xffff, v4;
	v0 =	vld [tilespmem:s15+$0xFFFFFF80]  }
0x18a: {  	s5 =	simm.s32 $0x10;
	s8 =	simm.s32 $0xA9F0;
	v51 =	vadd.s32 v20, v19;
	v31 =	vmov v11;
	v37 =	vadd.s32 v11, v37;
	[tilespmem:v38+s29+$0x0] =	vst.idx.msk $0xffff, v16;
	v11 =	vld [tilespmem:s15+$0xFFFFFE40]  }
.LBB2_6:
0x18b: {  	_ = 	snop  }
0x18c: {  	v4 =	vld [tilespmem:$0x1FF90]  }
0x18d: {  	v16 =	vld [tilespmem:s8+$0xFFFFFE50];
	[tilespmem:v59+s29+$0x0] =	vst.idx.msk $0xffff, v6  }
0x18e: {  	s15 =	smov.u32 s5;
	[tilespmem:v2+s29+$0x0] =	vst.idx.msk $0xffff, v12;
	v6 =	vld [tilespmem:s8+$0xFFFFFF90]  }
0x18f: {  	[tilespmem:v14+s29+$0x0] =	vst.idx.msk $0xffff, v62;
	s25 =	sadd.s32 $0x2, s15;
	v38 =	vld [tilespmem:s1+$0xFFFFFEB0]  }
0x190: {  	v46 =	vadd.s32 v21, v29;
	[tilespmem:v9+s29+$0x0] =	vst.idx.msk $0xffff, v15;
	v15 =	vmov s25;
	v47 =	vld [tilespmem:s8+$0xFFFFFE90]  }
0x191: {  	v14 =	vshrl.u32 v15, $0x3;
	v15 =	vld [tilespmem:s1+$0xFFFFFF60];
	v2 =	vadd.f32 v13, v33;
	v4 =	vadd.s32 v4, v44  }
0x192: {  	v10 =	vadd.f32 v10, v33;
	[tilespmem:$0x1FC90] =	vst v4;
	v4 =	vld [tilespmem:$0x1FFA0]  }
0x193: {  	s26 =	sadd.s32 $0x1, s15;
	[tilespmem:v7+s29+$0x0] =	vst.idx.msk $0xffff, v2;
	v7 =	vshll.u32 v14, v1;
	v14 =	vld [tilespmem:s1+$0xFFFFFFA0]  }
0x194: {  	v17 =	vmov s15;
	s19 =	sadd.s32 $0x4, s15;
	v9 =	vmov s26;
	[tilespmem:v8+s29+$0x0] =	vst.idx.msk $0xffff, v10;
	v10 =	vld [tilespmem:s1+$0xFFFFFE70]  }
0x195: {  	s13 =	sadd.s32 $0x6, s15;
	v12 =	vmov s19;
	v9 =	vshrl.u32 v9, $0x3;
	v11 =	vadd.f32 v11, v33;
	[tilespmem:v46+s29+$0x0] =	vst.idx.msk $0xffff, v61;
	v46 =	vld [tilespmem:s8+$0xFFFFFF10]  }
0x196: {  	v62 =	vmov s13;
	v61 =	vld [tilespmem:s8+$0xFFFFFFD0];
	v2 =	vadd.f32 v0, v33;
	v0 =	vshll.u32 v9, v1  }
0x197: {  	s14 =	sadd.s32 $0x7, s5;
	v26 =	vmovc v19;
	v8 =	vshrl.u32 v12, $0x3;
	v12 =	vld [tilespmem:$0x1FF60];
	[tilespmem:v3+s29+$0x0] =	vst.idx.msk $0xffff, v11;
	v11 =	vshrl.u32 v17, $0x3;
	v0 =	vbroadcast v0, $0x0  }
0x198: {  	v19 =	vmovc v32;
	v29 =	vmovc v39;
	v39 =	vbroadcast v7, $0x0;
	v3 =	vld [tilespmem:s8+$0xFFFFFE10];
	[tilespmem:v63+s29+$0x0] =	vst.idx.msk $0xffff, v5;
	v4 =	vadd.s32 v4, v32;
	v32 =	vmov s14  }
0x199: {  	v5 =	vld [tilespmem:$0x1FEB0];
	v63 =	vshrl.u32 v62, $0x3;
	[tilespmem:v60+s29+$0x0] =	vst.idx.msk $0xffff, v2;
	v10 =	vadd.f32 v10, v34;
	v9 =	vshrl.u32 v32, $0x3  }
0x19a: {  	s21 =	sadd.s32 $0x5, s15;
	s15 =	sadd.s32 $0x3, s15;
	v62 =	vld [tilespmem:$0x1FF70];
	v2 =	vshll.u32 v8, v1;
	v8 =	vadd.f32 v38, v34;
	v9 =	vshll.u32 v9, v1  }
0x19b: {  	v17 =	vadd.s32 v24, v39;
	v32 =	vmov s15;
	[tilespmem:v37+s29+$0x0] =	vst.idx.msk $0xffff, v10;
	v37 =	vbroadcast v9, $0x0;
	v9 =	vld [tilespmem:$0x1FEC0]  }
0x19c: {  	[tilespmem:v53+s29+$0x0] =	vst.idx.msk $0xffff, v49;
	v60 =	vld [tilespmem:s1+$0xFFFFFF30];
	v14 =	vadd.f32 v14, v35;
	v59 =	vshrl.u32 v32, $0x3;
	v32 =	vadd.f32 v47, v36  }
0x19d: {  	v2 =	vbroadcast v2, $0x0;
	[tilespmem:v57+s29+$0x0] =	vst.idx.msk $0xffff, v8;
	v8 =	vadd.f32 v16, v36;
	v16 =	vld [tilespmem:s8+$0xFFFFFED0]  }
0x19e: {  	v12 =	vadd.s32 v12, v0;
	[tilespmem:v58+s29+$0x0] =	vst.idx.msk $0xffff, v14;
	v14 =	vld [tilespmem:s1+$0xFFFFFFE0]  }
0x19f: {  	[tilespmem:v55+s29+$0x0] =	vst.idx.msk $0xffff, v48;
	v5 =	vadd.s32 v5, v2;
	v10 =	vld [tilespmem:s1+$0xFFFFFEC0]  }
0x1a0: {  	v3 =	vadd.f32 v3, v36;
	[tilespmem:v17+s29+$0x0] =	vst.idx.msk $0xffff, v32;
	v32 =	vmov v2;
	v20 =	vadd.s32 v9, v2;
	v2 =	vld [tilespmem:$0x1FE80]  }
0x1a1: {  	v55 =	vld [tilespmem:s1+$0xFFFFFE20]  }
0x1a2: {  	v57 =	vld [tilespmem:s1+$0xFFFFFE80];
	v53 =	vshll.u32 v59, v1;
	v48 =	vmov v3;
	v3 =	vadd.f32 v16, v36  }
0x1a3: {  	v16 =	vadd.s32 v40, v19;
	v19 =	vld [tilespmem:$0x1FF30];
	[tilespmem:v12+s29+$0x0] =	vst.idx.msk $0xffff, v8;
	v8 =	vbroadcast v53, $0x0;
	v14 =	vadd.f32 v14, v35  }
0x1a4: {  	v7 =	vld [tilespmem:s8+$0xFFFFFF50]  }
0x1a5: {  	[tilespmem:v56+s29+$0x0] =	vst.idx.msk $0xffff, v14;
	v14 =	vadd.s32 v2, v8;
	v2 =	vld [tilespmem:$0x1FEA0]  }
0x1a6: {  	v13 =	vmov s21  }
0x1a7: {  	v13 =	vshrl.u32 v13, $0x3;
	v46 =	vadd.f32 v46, v36;
	v9 =	vld [tilespmem:$0x1FEE0]  }
0x1a8: {  	v13 =	vshll.u32 v13, v1;
	v53 =	vadd.s32 v19, v37;
	v19 =	vld [tilespmem:$0x1FE30]  }
0x1a9: {  	v60 =	vadd.f32 v60, v34;
	[tilespmem:v5+s29+$0x0] =	vst.idx.msk $0xffff, v46;
	v5 =	vbroadcast v13, $0x0;
	v46 =	vadd.s32 v62, v0  }
0x1aa: {  	v62 =	vadd.f32 v7, v36;
	v7 =	vadd.f32 v55, v35;
	v56 =	vadd.s32 v2, v8;
	v2 =	vld [tilespmem:$0x1FCB0]  }
0x1ab: {  	v17 =	vld [tilespmem:s8+$0xFFFFFF20];
	[tilespmem:v4+s29+$0x0] =	vst.idx.msk $0xffff, v60  }
0x1ac: {  	v38 =	vadd.s32 v23, v0;
	v58 =	vld [tilespmem:s8+$0xFFFFFE60];
	[tilespmem:v54+s29+$0x0] =	vst.idx.msk $0xffff, v7  }
0x1ad: {  	v7 =	vld [tilespmem:$0x1FCA0];
	v9 =	vadd.s32 v9, v5;
	v60 =	vadd.s32 v19, v42;
	v42 =	vmovc v5;
	v5 =	vmov v38  }
0x1ae: {  	[tilespmem:$0x1FCA0] =	vst v5;
	v5 =	vld [tilespmem:$0x1FF10];
	_ =	sdelay $0x1  }
0x1af: {  	v15 =	vadd.f32 v15, v35;
	v49 =	vshll.u32 v63, v1  }
0x1b0: {  	v47 =	vbroadcast v49, $0x0  }
0x1b1: {  	[tilespmem:v2+s29+$0x0] =	vst.idx.msk $0xffff, v15;
	v2 =	vmov v9  }
0x1b2: {  	[tilespmem:$0x1FCB0] =	vst v2;
	v2 =	vadd.s32 v41, v39;
	v41 =	vadd.f32 v58, v35;
	v58 =	vadd.s32 v5, v47;
	v5 =	vld [tilespmem:$0x1FFB0];
	_ =	sdelay $0x2  }
0x1b3: {  	v19 =	vadd.f32 v57, v33  }
0x1b4: {  	v63 =	vld [tilespmem:$0x1FF00]  }
0x1b5: {  	[tilespmem:v7+s29+$0x0] =	vst.idx.msk $0xffff, v19;
	v7 =	vadd.s32 v5, v43;
	v5 =	vld [tilespmem:$0x1FE90]  }
0x1b6: {  	v12 =	vld [tilespmem:s1+$0xFFFFFEF0]  }
0x1b7: {  	v13 =	vld [tilespmem:s1+$0xFFFFFFB0]  }
0x1b8: {  	v15 =	vld [tilespmem:s1+$0xFFFFFFF0]  }
0x1b9: {  	v9 =	vld [tilespmem:s1+$0xFFFFFF40];
	v43 =	vmov v8  }
0x1ba: {  	v59 =	vadd.s32 v63, v47;
	[tilespmem:v14+s29+$0x0] =	vst.idx.msk $0xffff, v3;
	v3 =	vmov v56;
	v63 =	vadd.s32 v5, v43;
	v5 =	vld [tilespmem:$0x1FCD0]  }
0x1bb: {  	[tilespmem:$0x1FCD0] =	vst v3;
	v3 =	vld [tilespmem:$0x1FE50];
	_ =	sdelay $0x2  }
0x1bc: {  	v49 =	vadd.f32 v61, v36;
	v61 =	vadd.f32 v10, v33  }
0x1bd: {  	v10 =	vadd.f32 v13, v34;
	v13 =	vadd.f32 v12, v34  }
0x1be: {  	v12 =	vadd.f32 v15, v34;
	v15 =	vadd.f32 v9, v33;
	v9 =	vadd.s32 v3, v45;
	v3 =	vld [tilespmem:$0x1FF40];
	_ =	sdelay $0x1  }
0x1bf: {  	v40 =	vld [tilespmem:s1+$0xFFFFFE30]  }
0x1c0: {  	v57 =	vld [tilespmem:s8+$0xFFFFFEA0]  }
0x1c1: {  	v4 =	vld [tilespmem:s1+$0xFFFFFF70];
	v45 =	vmov v37  }
0x1c2: {  	[tilespmem:v51+s29+$0x0] =	vst.idx.msk $0xffff, v10;
	v56 =	vadd.s32 v3, v45;
	v3 =	vld [tilespmem:$0x1FE40]  }
0x1c3: {  	v10 =	vld [tilespmem:s1+$0xFFFFFFC0]  }
0x1c4: {  	v37 =	vadd.s32 v31, v0;
	v0 =	vld [tilespmem:$0x1FC90]  }
0x1c5: {  	v11 =	vshll.u32 v11, v1;
	v14 =	vld [tilespmem:s8+$0xFFFFFEE0];
	[tilespmem:v52+s29+$0x0] =	vst.idx.msk $0xffff, v12  }
0x1c6: {  	v6 =	vadd.f32 v6, v36;
	v11 =	vbroadcast v11, $0x0;
	v38 =	vld [tilespmem:s1+$0x0]  }
0x1c7: {  	[tilespmem:v46+s29+$0x0] =	vst.idx.msk $0xffff, v41;
	v4 =	vadd.f32 v4, v34;
	v8 =	vadd.s32 v3, v26;
	v3 =	vld [tilespmem:$0x1FE60]  }
0x1c8: {  	p0 =	slt.u32 s5, $0xF8;
	v55 =	vadd.s32 v25, v11;
	v17 =	vadd.f32 v17, v35;
	v19 =	vmov v47;
	v47 =	vld [tilespmem:$0x1FF80];
	[tilespmem:v16+s29+$0x0] =	vst.idx.msk $0xffff, v15  }
.Ltmp2:
0x1c9: {  	v51 =	vadd.s32 v30, v19;
	v41 =	vld [tilespmem:$0x1FE70];
	v12 =	vadd.f32 v57, v35;
	[tilespmem:v50+s29+$0x0] =	vst.idx.msk $0xffff, v4;
	(pc) =	sbr.rel @p0 .LBB2_6-.Ltmp2, $4  }
0x1ca: {  	v57 =	vadd.s32 v22, v39;
	v4 =	vadd.f32 v40, v34;
	v40 =	vld [tilespmem:$0x1FE20];
	[tilespmem:v5+s29+$0x0] =	vst.idx.msk $0xffff, v13  }
0x1cb: {  	[tilespmem:v20+s29+$0x0] =	vst.idx.msk $0xffff, v17;
	v50 =	vadd.s32 v18, v42;
	v15 =	vadd.f32 v38, v33;
	v13 =	vld [tilespmem:s1+$0xFFFFFF00]  }
0x1cc: {  	v52 =	vadd.s32 v28, v45;
	[tilespmem:v0+s29+$0x0] =	vst.idx.msk $0xffff, v4;
	v0 =	vld [tilespmem:s1+$0xFFFFFF80];
	v3 =	vadd.s32 v3, v44;
	v44 =	vmov v11  }
0x1cd: {  	s5 =	sadd.s32 $0x8, s5;
	v5 =	vadd.f32 v14, v35;
	v14 =	vadd.s32 v27, v42;
	v11 =	vld [tilespmem:s1+$0xFFFFFE40];
	s1 =	smov.u32 s8;
	s8 =	sadd.s32 $0x200, s8;
	v54 =	vadd.s32 v47, v44  }
0x1ce: {  	_ =	sdelay $0x3  }
0x1cf: {  	[tilespmem:v59+s29+$0x0] =	vst.idx.msk $0xffff, v6  }
0x1d0: {  	[tilespmem:v2+s29+$0x0] =	vst.idx.msk $0xffff, v12  }
0x1d1: {  	[tilespmem:v53+s29+$0x0] =	vst.idx.msk $0xffff, v49  }
0x1d2: {  	[tilespmem:v9+s29+$0x0] =	vst.idx.msk $0xffff, v15  }
0x1d3: {  	[tilespmem:v14+s29+$0x0] =	vst.idx.msk $0xffff, v62;
	v4 =	vld [tilespmem:s1+$0xFFFFFFE0]  }
0x1d4: {  	v49 =	vadd.s32 v21, v29;
	[tilespmem:v55+s29+$0x0] =	vst.idx.msk $0xffff, v48;
	v2 =	vadd.f32 v13, v33  }
0x1d5: {  	v53 =	vadd.f32 v10, v33;
	[tilespmem:v63+s29+$0x0] =	vst.idx.msk $0xffff, v5  }
0x1d6: {  	v0 =	vadd.f32 v0, v33;
	[tilespmem:v7+s29+$0x0] =	vst.idx.msk $0xffff, v2;
	v2 =	vld [tilespmem:s1+$0xFFFFFFA0]  }
0x1d7: {  	[tilespmem:v8+s29+$0x0] =	vst.idx.msk $0xffff, v53  }
0x1d8: {  	[tilespmem:v60+s29+$0x0] =	vst.idx.msk $0xffff, v0;
	v4 =	vadd.f32 v4, v35  }
0x1d9: {  	[tilespmem:v49+s29+$0x0] =	vst.idx.msk $0xffff, v61  }
0x1da: {  	v62 =	vld [tilespmem:s1+$0xFFFFFF30];
	[tilespmem:v56+s29+$0x0] =	vst.idx.msk $0xffff, v4  }
0x1db: {  	v2 =	vadd.f32 v2, v35;
	v15 =	vld [tilespmem:$0x1FFA0]  }
0x1dc: {  	v0 =	vld [tilespmem:s1+$0xFFFFFE20]  }
0x1dd: {  	v60 =	vld [tilespmem:s1+$0xFFFFFE70];
	[tilespmem:v58+s29+$0x0] =	vst.idx.msk $0xffff, v2  }
0x1de: {  	v31 =	vld [tilespmem:$0x1FCB0]  }
0x1df: {  	v59 =	vld [tilespmem:s1+$0xFFFFFF60]  }
0x1e0: {  	v29 =	vadd.f32 v11, v33;
	v18 =	vld [tilespmem:s1+$0xFFFFFFF0];
	v28 =	vadd.s32 v15, v32  }
0x1e1: {  	v0 =	vadd.f32 v0, v35  }
0x1e2: {  	[tilespmem:v3+s29+$0x0] =	vst.idx.msk $0xffff, v29;
	v3 =	vadd.f32 v60, v34  }
0x1e3: {  	v6 =	vadd.f32 v62, v34;
	[tilespmem:v54+s29+$0x0] =	vst.idx.msk $0xffff, v0  }
0x1e4: {  	v63 =	vadd.f32 v59, v35;
	[tilespmem:v37+s29+$0x0] =	vst.idx.msk $0xffff, v3  }
0x1e5: {  	v3 =	vadd.f32 v18, v34;
	[tilespmem:v28+s29+$0x0] =	vst.idx.msk $0xffff, v6  }
0x1e6: {  	v30 =	vld [tilespmem:s1+$0xFFFFFFB0];
	[tilespmem:v31+s29+$0x0] =	vst.idx.msk $0xffff, v63  }
0x1e7: {  	v14 =	vld [tilespmem:$0x1FF90];
	[tilespmem:v52+s29+$0x0] =	vst.idx.msk $0xffff, v3  }
0x1e8: {  	v48 =	vld [tilespmem:$0x1FCD0]  }
0x1e9: {  	v2 =	vld [tilespmem:s1+$0xFFFFFEF0]  }
0x1ea: {  	v4 =	vld [tilespmem:s1+$0xFFFFFF70]  }
0x1eb: {  	v36 =	vld [tilespmem:s1+$0xFFFFFEB0];
	_ =	sdelay $0x1  }
0x1ec: {  	v0 =	vld [tilespmem:s1+$0xFFFFFE30];
	v46 =	vadd.f32 v30, v34  }
0x1ed: {  	v2 =	vadd.f32 v2, v34  }
0x1ee: {  	[tilespmem:v51+s29+$0x0] =	vst.idx.msk $0xffff, v46;
	v38 =	vadd.s32 v14, v44;
	v3 =	vadd.f32 v4, v34  }
0x1ef: {  	v49 =	vadd.f32 v36, v34;
	[tilespmem:v48+s29+$0x0] =	vst.idx.msk $0xffff, v2  }
0x1f0: {  	v9 =	vld [tilespmem:$0x1FE50];
	[tilespmem:v50+s29+$0x0] =	vst.idx.msk $0xffff, v3  }
0x1f1: {  	v0 =	vadd.f32 v0, v34;
	v7 =	vld [tilespmem:s1+$0xFFFFFF40];
	[tilespmem:v57+s29+$0x0] =	vst.idx.msk $0xffff, v49  }
0x1f2: {  	v55 =	vld [tilespmem:$0x1FFB0]  }
0x1f3: {  	v57 =	vld [tilespmem:$0x1FE40];
	[tilespmem:v38+s29+$0x0] =	vst.idx.msk $0xffff, v0  }
0x1f4: {  	v6 =	vld [tilespmem:$0x1FCA0]  }
0x1f5: {  	v37 =	vld [tilespmem:s1+$0xFFFFFE80]  }
0x1f6: {  	v52 =	vadd.s32 v40, v32;
	_ =	sdelay $0x2  }
0x1f7: {  	v7 =	vadd.f32 v7, v33;
	v2 =	vld [tilespmem:s1+$0x0]  }
0x1f8: {  	v54 =	vadd.f32 v37, v33;
	v53 =	vld [tilespmem:s1+$0xFFFFFF00]  }
0x1f9: {  	v0 =	vld [tilespmem:$0x1FE30];
	[tilespmem:v52+s29+$0x0] =	vst.idx.msk $0xffff, v7  }
0x1fa: {  	v12 =	vld [tilespmem:s1+$0xFFFFFEC0];
	[tilespmem:v6+s29+$0x0] =	vst.idx.msk $0xffff, v54  }
0x1fb: {  	v9 =	vadd.s32 v9, v45;
	v61 =	vld [tilespmem:$0x1FE60]  }
0x1fc: {  	v3 =	vld [tilespmem:s1+$0xFFFFFFC0];
	v56 =	vadd.s32 v55, v43  }
0x1fd: {  	v60 =	vadd.s32 v21, v39;
	v11 =	vld [tilespmem:s1+$0xFFFFFF80]  }
0x1fe: {  	v58 =	vld [tilespmem:s1+$0xFFFFFE40];
	v2 =	vadd.f32 v2, v33;
	v13 =	vadd.s32 v57, v19  }
0x1ff: {  	v59 =	vadd.f32 v53, v33;
	v0 =	vadd.s32 v0, v42  }
0x200: {  	v63 =	vadd.f32 v12, v33;
	[tilespmem:v9+s29+$0x0] =	vst.idx.msk $0xffff, v2;
	v62 =	vadd.s32 v61, v44  }
0x201: {  	v2 =	vadd.f32 v3, v33;
	[tilespmem:v56+s29+$0x0] =	vst.idx.msk $0xffff, v59  }
0x202: {  	v3 =	vadd.f32 v11, v33;
	[tilespmem:v60+s29+$0x0] =	vst.idx.msk $0xffff, v63  }
0x203: {  	[tilespmem:v13+s29+$0x0] =	vst.idx.msk $0xffff, v2;
	v2 =	vadd.f32 v58, v33  }
0x204: {  	s5 =	simm.s32 $0x12600;
	s8 =	simm.s32 $0x200;
	[tilespmem:v0+s29+$0x0] =	vst.idx.msk $0xffff, v3  }
0x205: {  	s15 =	sadd.s32 $0x0, s11;
	s13 =	simm.s32 $0x12708;
	v40 =	vmov v14;
	s1 =	simm.s32 $0x0;
	v58 =	vmov v15;
	[tilespmem:v62+s29+$0x0] =	vst.idx.msk $0xffff, v2  }
.LBB2_8:
0x206: {  	[hbm4b:s15+s1] =	stream.linear.scatter [tilespmem:s5], [sflag:$0x4], $0x100, $0x38;
	[tilespmem:$0x19A00] =	vst v63  }
0x207: {  	s14 =	smov.u32 s8;
	s5 =	smov.u32 s13;
	p0 =	sne.s32 s8, $0x7E00  }
.Ltmp3:
0x208: {  	s8 =	sadd.s32 $0x200, s8;
	(pc) =	sbr.rel @p0 .LBB2_8-.Ltmp3, $2  }
0x209: {  	_ =	sdelay $0x2  }
0x20a: {  	s13 =	sadd.s32 $0x108, s13;
	s15 =	sadd.s32 s14, s11  }
0x20b: {  	v27 =	vld [tilespmem:$0x1FF00]  }
0x20c: {  	v31 =	vld [tilespmem:$0x1FF10]  }
0x20d: {  	v32 =	vld [tilespmem:$0x1FF30]  }
0x20e: {  	v45 =	vld [tilespmem:$0x1FF40]  }
0x20f: {  	v48 =	vld [tilespmem:$0x1FF50]  }
0x210: {  	v18 =	vld [tilespmem:$0x1FF60]  }
0x211: {  	v50 =	vld [tilespmem:$0x1FF70]  }
0x212: {  	v20 =	vld [tilespmem:$0x1FE10]  }
0x213: {  	v26 =	vld [tilespmem:$0x1FE80]  }
0x214: {  	v39 =	vld [tilespmem:$0x1FE90]  }
0x215: {  	v51 =	vld [tilespmem:$0x1FEA0]  }
0x216: {  	v57 =	vld [tilespmem:$0x1FEB0]  }
0x217: {  	v28 =	vld [tilespmem:$0x1FEC0]  }
0x218: {  	[hbm4b:s15+s1] =	stream.linear.scatter [tilespmem:s5], [sflag:$0x4], $0x100, $0x38;
	v53 =	vld [tilespmem:$0x1FED0]  }
.LBB2_10:
0x219: {  	s5 =	sshll.u32 s1, $0x1  }
0x21a: {  	s21 =	sadd.s32 s12, s5  }
0x21b: {  	s15 =	sor.u32 $0x1, s21  }
0x21c: {  	s13 =	smin.u32 s15, s7  }
0x21d: {  	s5 =	ssub.s32 s13, s4  }
0x21e: {  	s5 =	sshll.u32 s5, $0xA  }
0x21f: {  	s0 =	simm.s32 $0xA400;
	s5 =	sshra.s32 s5, $0x2  }
0x220: {  	[tilespmem:s0], [sflag:$0x2] =	stream.indirect.gather [hbm4b:s3+s16], $0x40, s5, s16, $0xb8;
	[tilespmem:$0x19A00] =	vst v63  }
0x221: {  	s14 =	simm.s32 $0xC400;
	s5 =	sor.u32 $0x80, s5  }
0x222: {  	[tilespmem:s14], [sflag:$0x2] =	stream.indirect.gather [hbm4b:s3+s16], $0x40, s5, s16, $0xb8;
	[tilespmem:$0x19A00] =	vst v63  }
0x223: {  	_ =	swait.ge [sflag:s23], $0x2000  }
0x224: {  	[sflag:s23] =	ssyncset.done $0x0  }
0x225: {  	[sflag:s23] =	ssyncadd.s32 $0xFFFFE000  }
0x226: {  	_ =	swait.ge [sflag:s23], $0x2000  }
0x227: {  	[sflag:s23] =	ssyncset.done $0x0  }
0x228: {  	s26 =	simm.s32 $0x1;
	[sflag:s23] =	ssyncadd.s32 $0xFFFFE000  }
0x229: {  	s22 =	simm.s32 $0x4;
	v5 =	vmov s26;
	s25 =	sshrl.u32 s21, $0x4;
	_ =	swait.ge [sflag:s30], $0x4000  }
0x22a: {  	v3 =	vmov s22;
	v5 =	vshrl.u32 v5, $0x3;
	s19 =	sshll.u32 s25, $0x8;
	[sflag:s30] =	ssyncset.done $0x0  }
0x22b: {  	v3 =	vshrl.u32 v3, $0x3;
	v5 =	vshll.u32 v5, v1;
	s19 =	sshra.s32 s19, $0x2;
	s14 =	simm.s32 $0x2;
	[sflag:s30] =	ssyncadd.s32 $0xFFFFC000  }
0x22c: {  	v3 =	vshll.u32 v3, v1;
	v5 =	vbroadcast v5, $0x0;
	s0 =	simm.s32 $0x3;
	s5 =	simm.s32 $0x6500;
	v6 =	vmov s14;
	v36 =	vld [tilespmem:s19+$0x16800]  }
0x22d: {  	v44 =	vbroadcast v3, $0x0;
	v3 =	vmov s0;
	v6 =	vshrl.u32 v6, $0x3;
	v7 =	vld [tilespmem:s5+$0x0]  }
0x22e: {  	v11 =	vadd.s32 v23, v5;
	v3 =	vshrl.u32 v3, $0x3;
	v6 =	vshll.u32 v6, v1;
	v8 =	vld [tilespmem:s5+$0xFFFFFF40]  }
0x22f: {  	v3 =	vshll.u32 v3, v1;
	v37 =	vbroadcast v6, $0x0;
	v6 =	vadd.s32 v57, v44;
	v9 =	vld [tilespmem:s5+$0xFFFFFF80];
	[tilespmem:$0x1FC30] =	vst v11  }
0x230: {  	s20 =	simm.s32 $0x0;
	v10 =	vadd.s32 v18, v5;
	v56 =	vbroadcast v3, $0x0;
	v11 =	vld [tilespmem:s5+$0xFFFFFFC0]  }
0x231: {  	v0 =	vmov s20;
	v12 =	vadd.s32 v24, v37  }
0x232: {  	v0 =	vshrl.u32 v0, $0x3;
	v15 =	vadd.s32 v26, v56;
	v35 =	vld [tilespmem:s19+$0x16810];
	v7 =	vadd.f32 v7, v36  }
0x233: {  	v17 =	vshll.u32 v0, v1;
	v34 =	vld [tilespmem:s19+$0x16820];
	v0 =	vadd.f32 v8, v36  }
0x234: {  	v33 =	vld [tilespmem:s19+$0x16830];
	v9 =	vadd.f32 v9, v36;
	[tilespmem:v6+s24+$0x0] =	vst.idx.msk $0xffff, v7  }
0x235: {  	s13 =	simm.s32 $0x5;
	[tilespmem:v10+s24+$0x0] =	vst.idx.msk $0xffff, v0;
	v7 =	vadd.f32 v11, v36  }
0x236: {  	v4 =	vmov s13;
	v3 =	vld [tilespmem:s5+$0xFFFFFF00];
	[tilespmem:v12+s24+$0x0] =	vst.idx.msk $0xffff, v9  }
0x237: {  	v4 =	vshrl.u32 v4, $0x3;
	v13 =	vld [tilespmem:s5+$0xC0];
	[tilespmem:v15+s24+$0x0] =	vst.idx.msk $0xffff, v7  }
0x238: {  	v4 =	vshll.u32 v4, v1;
	v19 =	vld [tilespmem:$0x1FEE0]  }
0x239: {  	s8 =	simm.s32 $0x7;
	v55 =	vbroadcast v4, $0x0;
	v4 =	vld [tilespmem:s5+$0xFFFFFF50]  }
0x23a: {  	v2 =	vmov s8;
	v30 =	vld [tilespmem:$0x1FEF0]  }
0x23b: {  	s9 =	simm.s32 $0x6;
	v2 =	vshrl.u32 v2, $0x3;
	v10 =	vld [tilespmem:s5+$0xFFFFFF90]  }
0x23c: {  	v14 =	vmov s9;
	v2 =	vshll.u32 v2, v1;
	v54 =	vbroadcast v17, $0x0;
	v16 =	vld [tilespmem:s5+$0x80]  }
0x23d: {  	v17 =	vadd.s32 v41, v37;
	v8 =	vshrl.u32 v14, $0x3;
	v14 =	vld [tilespmem:s5+$0x40];
	v0 =	vadd.s32 v19, v55  }
0x23e: {  	v8 =	vshll.u32 v8, v1;
	v12 =	vbroadcast v2, $0x0;
	v6 =	vld [tilespmem:s5+$0x10];
	[tilespmem:$0x1FC20] =	vst v0;
	v0 =	vadd.s32 v51, v56  }
0x23f: {  	v52 =	vbroadcast v8, $0x0;
	v8 =	vadd.f32 v13, v36;
	v13 =	vld [tilespmem:s5+$0xFFFFFFD0];
	[tilespmem:$0x1FC50] =	vst v0;
	v0 =	vadd.s32 v30, v55  }
0x240: {  	v38 =	vadd.f32 v4, v35;
	v4 =	vadd.f32 v10, v35;
	[tilespmem:$0x1FC70] =	vst v0;
	v0 =	vadd.s32 v48, v12  }
0x241: {  	[tilespmem:$0x1FC40] =	vst v0  }
0x242: {  	[tilespmem:v17+s24+$0x0] =	vst.idx.msk $0xffff, v4  }
0x243: {  	v29 =	vld [tilespmem:$0x1FF20]  }
0x244: {  	s20 =	simm.s32 $0x9  }
0x245: {  	v59 =	vmov s20  }
0x246: {  	v59 =	vshrl.u32 v59, $0x3;
	v7 =	vadd.s32 v27, v52  }
0x247: {  	v63 =	vshll.u32 v59, v1  }
0x248: {  	s26 =	simm.s32 $0x6700;
	v61 =	vadd.s32 v47, v54;
	v43 =	vadd.s32 v39, v56;
	v0 =	vadd.s32 v29, v52  }
0x249: {  	v16 =	vadd.f32 v16, v36;
	v9 =	vadd.s32 v50, v5;
	v48 =	vld [tilespmem:s26+$0xFFFFFF40];
	[tilespmem:$0x1FC60] =	vst v0;
	v0 =	vadd.s32 v40, v54  }
0x24a: {  	v39 =	vadd.s32 v53, v55;
	v41 =	vadd.s32 v25, v54;
	v47 =	vadd.s32 v22, v37;
	[tilespmem:$0x1FC80] =	vst v0  }
0x24b: {  	v3 =	vadd.f32 v3, v36;
	v11 =	vadd.s32 v28, v44;
	[tilespmem:v7+s24+$0x0] =	vst.idx.msk $0xffff, v16  }
0x24c: {  	s0 =	simm.s32 $0xA;
	v15 =	vadd.s32 v32, v12;
	v42 =	vadd.s32 v31, v52;
	v14 =	vadd.f32 v14, v36;
	v59 =	vld [tilespmem:s5+$0x90]  }
0x24d: {  	s22 =	simm.s32 $0xC;
	v6 =	vadd.f32 v6, v35;
	v10 =	vadd.s32 v45, v12;
	v40 =	vld [tilespmem:s5+$0xFFFFFFA0];
	v16 =	vmov s0  }
0x24e: {  	v46 =	vmovc v51;
	s14 =	simm.s32 $0xF;
	v51 =	vbroadcast v63, $0x0;
	v7 =	vmov s22;
	[tilespmem:v9+s24+$0x0] =	vst.idx.msk $0xffff, v38;
	v16 =	vshrl.u32 v16, $0x3  }
0x24f: {  	v4 =	vmovc v53;
	v53 =	vmov s14;
	[tilespmem:v39+s24+$0x0] =	vst.idx.msk $0xffff, v14;
	v7 =	vshrl.u32 v7, $0x3;
	v14 =	vshll.u32 v16, v1  }
0x250: {  	v13 =	vadd.f32 v13, v35;
	[tilespmem:v11+s24+$0x0] =	vst.idx.msk $0xffff, v6;
	v16 =	vld [tilespmem:s5+$0xFFFFFF60];
	v7 =	vshll.u32 v7, v1;
	v39 =	vbroadcast v14, $0x0  }
0x251: {  	v60 =	vld [tilespmem:s26+$0xFFFFFF80];
	[tilespmem:v15+s24+$0x0] =	vst.idx.msk $0xffff, v8;
	v14 =	vshrl.u32 v53, $0x3;
	v53 =	vadd.s32 v18, v51;
	v15 =	vadd.f32 v59, v35  }
0x252: {  	v45 =	vadd.s32 v20, v5;
	v62 =	vld [tilespmem:s26+$0x0];
	[tilespmem:v43+s24+$0x0] =	vst.idx.msk $0xffff, v13;
	v11 =	vadd.f32 v40, v34;
	v40 =	vbroadcast v7, $0x0  }
0x253: {  	v63 =	vadd.s32 v24, v39;
	[tilespmem:v42+s24+$0x0] =	vst.idx.msk $0xffff, v15;
	v42 =	vld [tilespmem:s5+$0xD0]  }
0x254: {  	v0 =	vadd.f32 v48, v36;
	[tilespmem:v41+s24+$0x0] =	vst.idx.msk $0xffff, v3;
	v8 =	vadd.s32 v57, v40  }
0x255: {  	[tilespmem:v47+s24+$0x0] =	vst.idx.msk $0xffff, v11;
	v16 =	vadd.f32 v16, v34  }
0x256: {  	v3 =	vadd.f32 v60, v36;
	[tilespmem:v53+s24+$0x0] =	vst.idx.msk $0xffff, v0  }
0x257: {  	v59 =	vadd.f32 v62, v36;
	[tilespmem:v45+s24+$0x0] =	vst.idx.msk $0xffff, v16  }
0x258: {  	[tilespmem:v63+s24+$0x0] =	vst.idx.msk $0xffff, v3;
	v3 =	vadd.f32 v42, v35  }
0x259: {  	[tilespmem:v8+s24+$0x0] =	vst.idx.msk $0xffff, v59  }
0x25a: {  	v7 =	vld [tilespmem:s26+$0xFFFFFF00];
	[tilespmem:v10+s24+$0x0] =	vst.idx.msk $0xffff, v3  }
0x25b: {  	v18 =	vmov v4;
	v4 =	vld [tilespmem:$0x1FC20]  }
0x25c: {  	s13 =	simm.s32 $0x8;
	v6 =	vld [tilespmem:s5+$0x50]  }
0x25d: {  	s20 =	simm.s32 $0xB;
	v49 =	vmov s13;
	s22 =	simm.s32 $0xE  }
0x25e: {  	v13 =	vshrl.u32 v49, $0x3;
	v49 =	vmov s20;
	v15 =	vmov s22  }
0x25f: {  	v43 =	vshrl.u32 v49, $0x3;
	v16 =	vld [tilespmem:s5+$0x20];
	v15 =	vshrl.u32 v15, $0x3  }
0x260: {  	v60 =	vld [tilespmem:s5+$0xFFFFFF10];
	v48 =	vadd.f32 v7, v36;
	v7 =	vshll.u32 v15, v1;
	v15 =	vshll.u32 v43, v1  }
0x261: {  	v17 =	vadd.s32 v58, v44;
	v6 =	vadd.f32 v6, v35;
	v62 =	vld [tilespmem:s26+$0xFFFFFFC0];
	v43 =	vbroadcast v15, $0x0  }
0x262: {  	v5 =	vmov v26  }
0x263: {  	v0 =	vadd.s32 v5, v43;
	[tilespmem:v4+s24+$0x0] =	vst.idx.msk $0xffff, v6  }
0x264: {  	v3 =	vadd.f32 v16, v34;
	v4 =	vld [tilespmem:$0x1FE20]  }
0x265: {  	v8 =	vadd.f32 v60, v35  }
0x266: {  	v10 =	vadd.f32 v62, v36;
	[tilespmem:v17+s24+$0x0] =	vst.idx.msk $0xffff, v3  }
0x267: {  	[tilespmem:v61+s24+$0x0] =	vst.idx.msk $0xffff, v8  }
0x268: {  	v3 =	vld [tilespmem:$0x1FE70];
	[tilespmem:v0+s24+$0x0] =	vst.idx.msk $0xffff, v10  }
0x269: {  	v16 =	vadd.s32 v4, v44;
	v4 =	vld [tilespmem:$0x1FE30];
	_ =	sdelay $0x4  }
0x26a: {  	v60 =	vadd.s32 v4, v55;
	v4 =	vld [tilespmem:$0x1FC30]  }
0x26b: {  	v41 =	vbroadcast v7, $0x0;
	v7 =	vld [tilespmem:s5+$0xFFFFFF70];
	_ =	sdelay $0x4  }
0x26c: {  	v7 =	vadd.f32 v7, v33;
	_ =	sdelay $0x1  }
0x26d: {  	[tilespmem:v4+s24+$0x0] =	vst.idx.msk $0xffff, v7  }
0x26e: {  	v5 =	vld [tilespmem:$0x1FC40]  }
0x26f: {  	v6 =	vld [tilespmem:s5+$0xE0];
	_ =	sdelay $0x4  }
0x270: {  	v6 =	vadd.f32 v6, v34;
	_ =	sdelay $0x1  }
0x271: {  	v2 =	vld [tilespmem:s5+$0xFFFFFFB0];
	[tilespmem:v5+s24+$0x0] =	vst.idx.msk $0xffff, v6  }
0x272: {  	v14 =	vshll.u32 v14, v1;
	v6 =	vld [tilespmem:$0x1FC50]  }
0x273: {  	v45 =	vbroadcast v14, $0x0;
	v14 =	vld [tilespmem:s5+$0xFFFFFFE0];
	_ =	sdelay $0x2  }
0x274: {  	s9 =	simm.s32 $0xD  }
0x275: {  	v9 =	vmov s9  }
0x276: {  	v9 =	vshrl.u32 v9, $0x3;
	v61 =	vadd.f32 v2, v33;
	v2 =	vadd.f32 v14, v34  }
0x277: {  	v9 =	vshll.u32 v9, v1;
	v11 =	vld [tilespmem:s26+$0x40]  }
0x278: {  	v42 =	vbroadcast v9, $0x0;
	v9 =	vld [tilespmem:s5+$0xA0];
	[tilespmem:v6+s24+$0x0] =	vst.idx.msk $0xffff, v2  }
0x279: {  	v2 =	vld [tilespmem:$0x1FFB0];
	_ =	sdelay $0x4  }
0x27a: {  	v62 =	vadd.f32 v11, v36;
	v11 =	vadd.f32 v9, v34;
	v9 =	vadd.s32 v2, v56;
	v2 =	vld [tilespmem:$0x1FE90];
	_ =	sdelay $0x4  }
0x27b: {  	v63 =	vadd.s32 v2, v43;
	v2 =	vld [tilespmem:$0x1FC60];
	_ =	sdelay $0x7  }
0x27c: {  	[tilespmem:v2+s24+$0x0] =	vst.idx.msk $0xffff, v11  }
0x27d: {  	v6 =	vld [tilespmem:$0x1FE50];
	_ =	sdelay $0x4  }
0x27e: {  	v11 =	vadd.s32 v6, v12;
	v6 =	vld [tilespmem:$0x1FF40];
	_ =	sdelay $0x4  }
0x27f: {  	v56 =	vadd.s32 v6, v45;
	v6 =	vld [tilespmem:$0x1FC70]  }
0x280: {  	v0 =	vld [tilespmem:s5+$0x60];
	_ =	sdelay $0x3  }
0x281: {  	v57 =	vld [tilespmem:s26+$0xC0]  }
0x282: {  	v15 =	vld [tilespmem:s26+$0x10];
	v0 =	vadd.f32 v0, v34  }
0x283: {  	v17 =	vld [tilespmem:s26+$0xFFFFFF50]  }
0x284: {  	v10 =	vld [tilespmem:s5+$0x30];
	[tilespmem:v6+s24+$0x0] =	vst.idx.msk $0xffff, v0  }
0x285: {  	v0 =	vld [tilespmem:$0x1FE40];
	_ =	sdelay $0x1  }
0x286: {  	v7 =	vld [tilespmem:s26+$0xFFFFFF90]  }
0x287: {  	v13 =	vshll.u32 v13, v1;
	v49 =	vadd.f32 v57, v36;
	v4 =	vadd.f32 v17, v35;
	v17 =	vld [tilespmem:s5+$0xFFFFFF20]  }
0x288: {  	v57 =	vadd.s32 v50, v51;
	v50 =	vadd.s32 v28, v40;
	v44 =	vbroadcast v13, $0x0;
	v5 =	vld [tilespmem:s26+$0xFFFFFFD0]  }
0x289: {  	v13 =	vadd.f32 v15, v35;
	v15 =	vadd.f32 v10, v33;
	v10 =	vadd.s32 v0, v52;
	v0 =	vld [tilespmem:$0x1FE60]  }
0x28a: {  	v2 =	vld [tilespmem:s5+$0xF0];
	_ =	sdelay $0x2  }
0x28b: {  	v58 =	vld [tilespmem:s26+$0x80];
	v14 =	vadd.f32 v7, v35;
	[tilespmem:v16+s24+$0x0] =	vst.idx.msk $0xffff, v15  }
0x28c: {  	v6 =	vadd.f32 v5, v35;
	v5 =	vadd.s32 v0, v54;
	v0 =	vld [tilespmem:$0x1FF80];
	[tilespmem:v50+s24+$0x0] =	vst.idx.msk $0xffff, v13  }
0x28d: {  	v7 =	vadd.f32 v17, v34;
	v17 =	vadd.f32 v2, v33;
	v2 =	vld [tilespmem:$0x1FC80];
	_ =	sdelay $0x2  }
0x28e: {  	v26 =	vmov v32  }
0x28f: {  	v38 =	vadd.s32 v23, v51;
	v53 =	vadd.s32 v26, v45;
	v59 =	vadd.s32 v27, v41;
	v27 =	vld [tilespmem:$0x1FF50]  }
0x290: {  	v46 =	vadd.s32 v46, v43;
	v47 =	vadd.s32 v19, v42;
	v8 =	vadd.f32 v58, v36  }
0x291: {  	v58 =	vadd.s32 v31, v41;
	v3 =	vadd.s32 v3, v39;
	v55 =	vadd.s32 v25, v44;
	v12 =	vld [tilespmem:s5+$0xB0]  }
0x292: {  	v15 =	vld [tilespmem:s5+$0xFFFFFFF0];
	v16 =	vadd.s32 v18, v42;
	v50 =	vadd.s32 v30, v42;
	[tilespmem:v57+s24+$0x0] =	vst.idx.msk $0xffff, v4  }
0x293: {  	v4 =	vadd.s32 v22, v39;
	v54 =	vadd.s32 v0, v44;
	[tilespmem:v2+s24+$0x0] =	vst.idx.msk $0xffff, v7;
	v2 =	vld [tilespmem:s5+$0x70]  }
0x294: {  	s8 =	simm.s32 $0x10;
	s13 =	simm.s32 $0x6900;
	v32 =	vmovc v20;
	v0 =	vadd.s32 v20, v51;
	v51 =	vadd.s32 v29, v41;
	v52 =	vadd.s32 v27, v45;
	v13 =	vld [tilespmem:s5+$0xFFFFFF30]  }
.LBB2_11:
0x295: {  	_ = 	snop  }
0x296: {  	s0 =	smov.u32 s8;
	[tilespmem:v59+s24+$0x0] =	vst.idx.msk $0xffff, v8  }
0x297: {  	v7 =	vld [tilespmem:$0x1FF90];
	[tilespmem:v3+s24+$0x0] =	vst.idx.msk $0xffff, v14;
	s22 =	sadd.s32 $0x2, s0  }
0x298: {  	v31 =	vmovc v21;
	v21 =	vadd.s32 v21, v37;
	[tilespmem:v11+s24+$0x0] =	vst.idx.msk $0xffff, v17;
	v8 =	vld [tilespmem:s13+$0x80];
	v17 =	vmov s22;
	v3 =	vadd.f32 v15, v33  }
0x299: {  	[tilespmem:v16+s24+$0x0] =	vst.idx.msk $0xffff, v62;
	v20 =	vld [tilespmem:s26+$0xFFFFFFA0];
	v16 =	vshrl.u32 v17, $0x3;
	v12 =	vadd.f32 v12, v33  }
0x29a: {  	[tilespmem:v9+s24+$0x0] =	vst.idx.msk $0xffff, v3;
	v9 =	vshll.u32 v16, v1;
	v16 =	vld [tilespmem:s26+$0x90]  }
0x29b: {  	[tilespmem:v10+s24+$0x0] =	vst.idx.msk $0xffff, v12;
	v12 =	vld [tilespmem:s26+$0xFFFFFF60]  }
0x29c: {  	v18 =	vld [tilespmem:s13+$0xFFFFFF40];
	s9 =	sadd.s32 $0x4, s0;
	v3 =	vadd.f32 v2, v33  }
0x29d: {  	v37 =	vmovc v39;
	v30 =	vmov v22;
	v14 =	vmov s9;
	v22 =	vld [tilespmem:s13+$0xFFFFFF80];
	[tilespmem:v21+s24+$0x0] =	vst.idx.msk $0xffff, v61;
	v39 =	vbroadcast v9, $0x0  }
0x29e: {  	v17 =	vld [tilespmem:s26+$0x50];
	v10 =	vshrl.u32 v14, $0x3;
	[tilespmem:v60+s24+$0x0] =	vst.idx.msk $0xffff, v3  }
0x29f: {  	s14 =	sadd.s32 $0x7, s8;
	v26 =	vld [tilespmem:$0x1FF30];
	v3 =	vshll.u32 v10, v1;
	v10 =	vadd.f32 v20, v34;
	v21 =	vadd.s32 v24, v39  }
0x2a0: {  	v19 =	vmov s14;
	s14 =	sadd.s32 $0x1, s0;
	v57 =	vadd.s32 v7, v44;
	v7 =	vld [tilespmem:$0x1FFA0];
	[tilespmem:v63+s24+$0x0] =	vst.idx.msk $0xffff, v6;
	v12 =	vadd.f32 v12, v34  }
0x2a1: {  	v11 =	vmov s14;
	v13 =	vadd.f32 v13, v33;
	v14 =	vld [tilespmem:$0x1FF60];
	[tilespmem:v4+s24+$0x0] =	vst.idx.msk $0xffff, v10  }
0x2a2: {  	v11 =	vshrl.u32 v11, $0x3;
	v6 =	vld [tilespmem:$0x1FEB0];
	[tilespmem:v0+s24+$0x0] =	vst.idx.msk $0xffff, v12;
	v12 =	vadd.f32 v22, v36  }
0x2a3: {  	v59 =	vmov s0;
	s5 =	sadd.s32 $0x6, s0;
	v2 =	vshll.u32 v11, v1;
	[tilespmem:v5+s24+$0x0] =	vst.idx.msk $0xffff, v13;
	v0 =	vld [tilespmem:s26+$0xFFFFFFB0]  }
0x2a4: {  	s20 =	sadd.s32 $0x5, s0;
	s0 =	sadd.s32 $0x3, s0;
	v13 =	vshrl.u32 v59, $0x3;
	v4 =	vadd.f32 v18, v36;
	v18 =	vmov s5;
	[tilespmem:v21+s24+$0x0] =	vst.idx.msk $0xffff, v12;
	v21 =	vld [tilespmem:$0x1FF00]  }
0x2a5: {  	v61 =	vld [tilespmem:s13+$0xC0];
	v59 =	vmov s0;
	v2 =	vbroadcast v2, $0x0;
	v18 =	vshrl.u32 v18, $0x3  }
0x2a6: {  	v11 =	vshrl.u32 v19, $0x3;
	v5 =	vld [tilespmem:s13+$0xFFFFFF00];
	v59 =	vshrl.u32 v59, $0x3;
	v18 =	vshll.u32 v18, v1  }
0x2a7: {  	v20 =	vld [tilespmem:s13+$0x0];
	v3 =	vbroadcast v3, $0x0;
	v14 =	vadd.s32 v14, v2;
	v18 =	vbroadcast v18, $0x0  }
0x2a8: {  	v11 =	vshll.u32 v11, v1;
	v60 =	vld [tilespmem:s26+$0x20];
	v63 =	vshll.u32 v59, v1  }
0x2a9: {  	v6 =	vadd.s32 v6, v3;
	v59 =	vadd.s32 v21, v18;
	v21 =	vbroadcast v11, $0x0;
	v11 =	vld [tilespmem:$0x1FEC0]  }
0x2aa: {  	v9 =	vld [tilespmem:s13+$0x40]  }
0x2ab: {  	[tilespmem:v53+s24+$0x0] =	vst.idx.msk $0xffff, v49;
	v7 =	vadd.s32 v7, v40;
	v16 =	vadd.f32 v16, v35;
	v22 =	vld [tilespmem:s26+$0xFFFFFF70]  }
0x2ac: {  	v17 =	vadd.f32 v17, v35;
	v20 =	vadd.f32 v20, v36;
	[tilespmem:v14+s24+$0x0] =	vst.idx.msk $0xffff, v4;
	v14 =	vld [tilespmem:$0x1FE20]  }
0x2ad: {  	v19 =	vadd.s32 v23, v2;
	[tilespmem:v58+s24+$0x0] =	vst.idx.msk $0xffff, v16;
	v53 =	vadd.s32 v26, v21;
	v26 =	vld [tilespmem:$0x1FE30]  }
0x2ae: {  	v29 =	vmovc v23;
	v15 =	vmov s20;
	v58 =	vadd.f32 v60, v34;
	[tilespmem:v6+s24+$0x0] =	vst.idx.msk $0xffff, v20;
	v23 =	vadd.s32 v11, v3;
	v11 =	vld [tilespmem:$0x1FEE0]  }
0x2af: {  	v15 =	vshrl.u32 v15, $0x3;
	[tilespmem:v47+s24+$0x0] =	vst.idx.msk $0xffff, v17;
	v12 =	vld [tilespmem:s13+$0x10]  }
0x2b0: {  	v15 =	vshll.u32 v15, v1;
	[tilespmem:v7+s24+$0x0] =	vst.idx.msk $0xffff, v58;
	v7 =	vld [tilespmem:s26+$0x60]  }
0x2b1: {  	[tilespmem:v55+s24+$0x0] =	vst.idx.msk $0xffff, v48;
	v6 =	vbroadcast v15, $0x0;
	v15 =	vld [tilespmem:s26+$0xA0]  }
0x2b2: {  	v55 =	vld [tilespmem:s26+$0xFFFFFF10]  }
0x2b3: {  	v16 =	vld [tilespmem:s26+$0xD0];
	v60 =	vadd.s32 v26, v42;
	v42 =	vmovc v6;
	v11 =	vadd.s32 v11, v6;
	v6 =	vadd.f32 v22, v33  }
0x2b4: {  	v28 =	vmov v24;
	v24 =	vadd.s32 v14, v40;
	v14 =	vld [tilespmem:s13+$0xFFFFFF50]  }
0x2b5: {  	v49 =	vadd.f32 v61, v36;
	[tilespmem:v38+s24+$0x0] =	vst.idx.msk $0xffff, v6;
	v6 =	vadd.f32 v7, v34;
	v7 =	vld [tilespmem:$0x1FF10]  }
0x2b6: {  	v10 =	vld [tilespmem:s13+$0xFFFFFFC0];
	v61 =	vadd.f32 v0, v33;
	v0 =	vadd.f32 v15, v34  }
0x2b7: {  	v40 =	vmov v3;
	v3 =	vld [tilespmem:$0x1FE80]  }
0x2b8: {  	v5 =	vadd.f32 v5, v36;
	[tilespmem:v51+s24+$0x0] =	vst.idx.msk $0xffff, v0;
	v0 =	vld [tilespmem:$0x1FE50]  }
0x2b9: {  	v47 =	vmov v11;
	v11 =	vld [tilespmem:s26+$0x30]  }
0x2ba: {  	v48 =	vmovc v5;
	v5 =	vbroadcast v63, $0x0;
	v16 =	vadd.f32 v16, v35;
	v58 =	vadd.s32 v7, v18;
	v7 =	vld [tilespmem:$0x1FFB0]  }
0x2bb: {  	v62 =	vadd.f32 v9, v36  }
0x2bc: {  	v9 =	vadd.f32 v55, v35;
	[tilespmem:v56+s24+$0x0] =	vst.idx.msk $0xffff, v16;
	v16 =	vadd.s32 v3, v5  }
0x2bd: {  	v4 =	vadd.f32 v10, v36;
	v10 =	vld [tilespmem:s26+$0xFFFFFFE0]  }
0x2be: {  	[tilespmem:v54+s24+$0x0] =	vst.idx.msk $0xffff, v9;
	v3 =	vld [tilespmem:$0x1FEA0]  }
0x2bf: {  	v9 =	vadd.s32 v7, v43;
	v7 =	vadd.f32 v11, v33;
	v11 =	vadd.s32 v0, v45;
	v0 =	vld [tilespmem:$0x1FF40];
	_ =	sdelay $0x1  }
0x2c0: {  	[tilespmem:v16+s24+$0x0] =	vst.idx.msk $0xffff, v4  }
0x2c1: {  	v10 =	vadd.f32 v10, v34;
	v16 =	vld [tilespmem:s13+$0xFFFFFFD0]  }
0x2c2: {  	v56 =	vadd.s32 v3, v5;
	v43 =	vmov v5;
	v5 =	vld [tilespmem:$0x1FE90];
	v45 =	vmov v21  }
0x2c3: {  	[tilespmem:v46+s24+$0x0] =	vst.idx.msk $0xffff, v10;
	v46 =	vmov v56;
	v56 =	vadd.s32 v0, v45;
	v0 =	vld [tilespmem:$0x1FE60]  }
0x2c4: {  	v17 =	vld [tilespmem:s26+$0xE0];
	_ =	sdelay $0x3  }
0x2c5: {  	v13 =	vshll.u32 v13, v1;
	v63 =	vadd.s32 v5, v43;
	v5 =	vadd.s32 v0, v44;
	v0 =	vld [tilespmem:$0x1FF80]  }
0x2c6: {  	v13 =	vbroadcast v13, $0x0;
	v15 =	vadd.f32 v17, v34  }
0x2c7: {  	v20 =	vld [tilespmem:$0x1FF70]  }
0x2c8: {  	v55 =	vadd.s32 v25, v13;
	v26 =	vmov v25;
	v25 =	vadd.f32 v12, v35;
	v12 =	vld [tilespmem:s13+$0xFFFFFF90];
	[tilespmem:v52+s24+$0x0] =	vst.idx.msk $0xffff, v15  }
0x2c9: {  	v17 =	vld [tilespmem:s26+$0xF0];
	v44 =	vmov v13  }
0x2ca: {  	v54 =	vadd.s32 v0, v44;
	v0 =	vld [tilespmem:$0x1FED0]  }
0x2cb: {  	v4 =	vld [tilespmem:s26+$0xFFFFFF20]  }
0x2cc: {  	v20 =	vadd.s32 v20, v2;
	v38 =	vmov v19;
	v19 =	vld [tilespmem:$0x1FE40]  }
0x2cd: {  	v22 =	vadd.f32 v14, v35;
	[tilespmem:v50+s24+$0x0] =	vst.idx.msk $0xffff, v6;
	v3 =	vld [tilespmem:$0x1FE70]  }
0x2ce: {  	[tilespmem:v24+s24+$0x0] =	vst.idx.msk $0xffff, v7;
	v7 =	vld [tilespmem:$0x1FF20]  }
0x2cf: {  	p0 =	slt.u32 s8, $0xF8;
	v6 =	vadd.f32 v16, v35;
	v16 =	vadd.s32 v0, v42;
	v0 =	vadd.s32 v32, v2;
	v2 =	vld [tilespmem:$0x1FEF0]  }
.Ltmp4:
0x2d0: {  	v8 =	vadd.f32 v8, v36;
	v4 =	vadd.f32 v4, v34;
	(pc) =	sbr.rel @p0 .LBB2_11-.Ltmp4, $4  }
0x2d1: {  	v14 =	vadd.f32 v12, v35;
	v12 =	vld [tilespmem:s26+$0xB0];
	[tilespmem:v20+s24+$0x0] =	vst.idx.msk $0xffff, v22;
	v17 =	vadd.f32 v17, v33;
	v22 =	vmov v30  }
0x2d2: {  	v15 =	vld [tilespmem:s26+$0xFFFFFFF0];
	v10 =	vadd.s32 v19, v41;
	v41 =	vmov v18;
	v3 =	vadd.s32 v3, v39;
	[tilespmem:v57+s24+$0x0] =	vst.idx.msk $0xffff, v4  }
0x2d3: {  	v21 =	vmov v31;
	v4 =	vadd.s32 v30, v39;
	v52 =	vadd.s32 v27, v45;
	[tilespmem:v23+s24+$0x0] =	vst.idx.msk $0xffff, v25;
	v13 =	vld [tilespmem:s26+$0xFFFFFF30]  }
0x2d4: {  	s8 =	sadd.s32 $0x8, s8;
	v24 =	vmovc v28;
	v23 =	vmovc v29;
	v25 =	vmov v26;
	v51 =	vadd.s32 v7, v41;
	v50 =	vadd.s32 v2, v42;
	v2 =	vld [tilespmem:s26+$0x70];
	s26 =	smov.u32 s13;
	s13 =	sadd.s32 $0x200, s13  }
0x2d5: {  	_ =	sdelay $0x1  }
0x2d6: {  	v27 =	vld [tilespmem:$0x1FF80]  }
0x2d7: {  	v32 =	vld [tilespmem:$0x1FF70]  }
0x2d8: {  	v18 =	vld [tilespmem:$0x1FF60];
	[tilespmem:v59+s24+$0x0] =	vst.idx.msk $0xffff, v8  }
0x2d9: {  	[tilespmem:v3+s24+$0x0] =	vst.idx.msk $0xffff, v14  }
0x2da: {  	[tilespmem:v53+s24+$0x0] =	vst.idx.msk $0xffff, v49  }
0x2db: {  	[tilespmem:v11+s24+$0x0] =	vst.idx.msk $0xffff, v17  }
0x2dc: {  	v37 =	vadd.s32 v21, v37;
	[tilespmem:v16+s24+$0x0] =	vst.idx.msk $0xffff, v62;
	v7 =	vld [tilespmem:s26+$0xD0]  }
0x2dd: {  	[tilespmem:v55+s24+$0x0] =	vst.idx.msk $0xffff, v48;
	v49 =	vadd.f32 v12, v33  }
0x2de: {  	[tilespmem:v63+s24+$0x0] =	vst.idx.msk $0xffff, v6;
	v3 =	vadd.f32 v15, v33  }
0x2df: {  	[tilespmem:v10+s24+$0x0] =	vst.idx.msk $0xffff, v49  }
0x2e0: {  	[tilespmem:v9+s24+$0x0] =	vst.idx.msk $0xffff, v3;
	v2 =	vadd.f32 v2, v33  }
0x2e1: {  	[tilespmem:v37+s24+$0x0] =	vst.idx.msk $0xffff, v61;
	v7 =	vadd.f32 v7, v35  }
0x2e2: {  	v53 =	vld [tilespmem:s26+$0x50];
	[tilespmem:v60+s24+$0x0] =	vst.idx.msk $0xffff, v2  }
0x2e3: {  	v57 =	vld [tilespmem:s26+$0xFFFFFF60];
	[tilespmem:v56+s24+$0x0] =	vst.idx.msk $0xffff, v7  }
0x2e4: {  	v61 =	vld [tilespmem:$0x1FFA0]  }
0x2e5: {  	v3 =	vld [tilespmem:s26+$0x90]  }
0x2e6: {  	v2 =	vld [tilespmem:s26+$0xFFFFFF10]  }
0x2e7: {  	v59 =	vld [tilespmem:s26+$0x20];
	v60 =	vadd.f32 v53, v35  }
0x2e8: {  	v62 =	vadd.f32 v13, v33  }
0x2e9: {  	v15 =	vadd.f32 v57, v34;
	[tilespmem:v47+s24+$0x0] =	vst.idx.msk $0xffff, v60;
	v9 =	vadd.s32 v61, v40  }
0x2ea: {  	v3 =	vadd.f32 v3, v35;
	v7 =	vld [tilespmem:s26+$0xE0];
	[tilespmem:v5+s24+$0x0] =	vst.idx.msk $0xffff, v62  }
0x2eb: {  	[tilespmem:v0+s24+$0x0] =	vst.idx.msk $0xffff, v15;
	v6 =	vld [tilespmem:s26+$0x60];
	v2 =	vadd.f32 v2, v35  }
0x2ec: {  	v8 =	vadd.f32 v59, v34;
	[tilespmem:v58+s24+$0x0] =	vst.idx.msk $0xffff, v3;
	v3 =	vld [tilespmem:s26+$0xFFFFFFE0]  }
0x2ed: {  	v5 =	vld [tilespmem:s26+$0xFFFFFF70];
	[tilespmem:v54+s24+$0x0] =	vst.idx.msk $0xffff, v2  }
0x2ee: {  	v63 =	vld [tilespmem:s26+$0xA0];
	[tilespmem:v9+s24+$0x0] =	vst.idx.msk $0xffff, v8  }
0x2ef: {  	v36 =	vld [tilespmem:$0x1FF90]  }
0x2f0: {  	v35 =	vld [tilespmem:s26+$0xFFFFFFA0];
	v2 =	vadd.f32 v7, v34  }
0x2f1: {  	v0 =	vld [tilespmem:s26+$0xFFFFFF20];
	v3 =	vadd.f32 v3, v34  }
0x2f2: {  	v14 =	vld [tilespmem:$0x1FE60];
	[tilespmem:v52+s24+$0x0] =	vst.idx.msk $0xffff, v2  }
0x2f3: {  	v37 =	vadd.f32 v63, v34;
	v8 =	vld [tilespmem:s26+$0x30];
	[tilespmem:v46+s24+$0x0] =	vst.idx.msk $0xffff, v3  }
0x2f4: {  	v2 =	vadd.f32 v6, v34;
	v52 =	vld [tilespmem:$0x1FE20];
	v7 =	vadd.s32 v36, v44  }
0x2f5: {  	v49 =	vadd.f32 v35, v34;
	v3 =	vld [tilespmem:s26+$0xF0];
	[tilespmem:v51+s24+$0x0] =	vst.idx.msk $0xffff, v37  }
0x2f6: {  	v9 =	vld [tilespmem:$0x1FE50];
	[tilespmem:v50+s24+$0x0] =	vst.idx.msk $0xffff, v2  }
0x2f7: {  	v0 =	vadd.f32 v0, v34;
	v2 =	vld [tilespmem:s26+$0xB0];
	[tilespmem:v4+s24+$0x0] =	vst.idx.msk $0xffff, v49  }
0x2f8: {  	v55 =	vld [tilespmem:$0x1FFB0]  }
0x2f9: {  	v57 =	vld [tilespmem:s26+$0xFFFFFFB0];
	v10 =	vadd.s32 v52, v40;
	[tilespmem:v7+s24+$0x0] =	vst.idx.msk $0xffff, v0  }
0x2fa: {  	v58 =	vadd.s32 v19, v41;
	v0 =	vld [tilespmem:$0x1FE30]  }
0x2fb: {  	v48 =	vmov v61;
	v61 =	vadd.s32 v21, v39;
	v54 =	vadd.f32 v5, v33;
	v53 =	vld [tilespmem:s26+$0xFFFFFFF0]  }
0x2fc: {  	v8 =	vadd.f32 v8, v33;
	v9 =	vadd.s32 v9, v45;
	v59 =	vld [tilespmem:s26+$0xFFFFFF30]  }
0x2fd: {  	v56 =	vld [tilespmem:s26+$0x70];
	v2 =	vadd.f32 v2, v33;
	v5 =	vadd.s32 v55, v43;
	[tilespmem:v38+s24+$0x0] =	vst.idx.msk $0xffff, v54  }
0x2fe: {  	v62 =	vadd.s32 v14, v44;
	v63 =	vadd.f32 v57, v33;
	[tilespmem:v10+s24+$0x0] =	vst.idx.msk $0xffff, v8  }
0x2ff: {  	s0 =	sshll.u32 s21, $0x8;
	v3 =	vadd.f32 v3, v33;
	[tilespmem:v58+s24+$0x0] =	vst.idx.msk $0xffff, v2;
	v0 =	vadd.s32 v0, v42  }
0x300: {  	s25 =	sshll.u32 s25, $0x12;
	s0 =	sand.u32 $0xE00, s0;
	v60 =	vadd.f32 v53, v33;
	[tilespmem:v61+s24+$0x0] =	vst.idx.msk $0xffff, v63  }
0x301: {  	s0 =	sor.u32 s0, s25;
	[tilespmem:v9+s24+$0x0] =	vst.idx.msk $0xffff, v3;
	v2 =	vadd.f32 v59, v33  }
0x302: {  	s0 =	sshrl.u32 s0, $0x3;
	v3 =	vadd.f32 v56, v33;
	[tilespmem:v5+s24+$0x0] =	vst.idx.msk $0xffff, v60  }
0x303: {  	s8 =	simm.s32 $0xE400;
	s5 =	sadd.s32 s6, s0;
	[tilespmem:v62+s24+$0x0] =	vst.idx.msk $0xffff, v2  }
0x304: {  	s13 =	simm.s32 $0x200;
	s14 =	sadd.s32 $0x0, s5;
	v47 =	vmov v36;
	s26 =	simm.s32 $0xE508;
	[tilespmem:v0+s24+$0x0] =	vst.idx.msk $0xffff, v3  }
.LBB2_13:
0x305: {  	[hbm4b:s14+s2] =	stream.linear.scatter [tilespmem:s8], [sflag:$0x3], $0x100, $0x38;
	[tilespmem:$0x19A00] =	vst v63  }
0x306: {  	s0 =	smov.u32 s13;
	s8 =	smov.u32 s26;
	p0 =	sne.s32 s13, $0x7E00  }
.Ltmp5:
0x307: {  	s13 =	sadd.s32 $0x200, s13;
	(pc) =	sbr.rel @p0 .LBB2_13-.Ltmp5, $2  }
0x308: {  	_ =	sdelay $0x2  }
0x309: {  	s26 =	sadd.s32 $0x108, s26;
	s14 =	sadd.s32 s0, s5  }
0x30a: {  	[hbm4b:s14+s2] =	stream.linear.scatter [tilespmem:s8], [sflag:$0x3], $0x100, $0x38;
	[tilespmem:$0x19A00] =	vst v63  }
0x30b: {  	s0 =	sadd.s32 $0x2, s21  }
0x30c: {  	s0 =	smin.u32 s0, s7  }
0x30d: {  	s0 =	ssub.s32 s0, s4  }
0x30e: {  	s0 =	sshll.u32 s0, $0xA  }
0x30f: {  	s0 =	sshra.s32 s0, $0x2  }
0x310: {  	[tilespmem:s17], [sflag:$0x1] =	stream.indirect.gather [hbm4b:s3+s16], $0x40, s0, s16, $0xb8;
	[tilespmem:$0x19A00] =	vst v63  }
0x311: {  	s0 =	sor.u32 $0x80, s0  }
0x312: {  	[tilespmem:s18], [sflag:$0x1] =	stream.indirect.gather [hbm4b:s3+s16], $0x40, s0, s16, $0xb8;
	[tilespmem:$0x19A00] =	vst v63  }
0x313: {  	_ =	swait.ge [sflag:s28], $0x2000  }
0x314: {  	[sflag:s28] =	ssyncset.done $0x0  }
0x315: {  	[sflag:s28] =	ssyncadd.s32 $0xFFFFE000  }
0x316: {  	_ =	swait.ge [sflag:s28], $0x2000  }
0x317: {  	[sflag:s28] =	ssyncset.done $0x0  }
0x318: {  	s21 =	simm.s32 $0x1;
	[sflag:s28] =	ssyncadd.s32 $0xFFFFE000  }
0x319: {  	s14 =	simm.s32 $0x4;
	v5 =	vmov s21;
	_ =	swait.ge [sflag:s31], $0x4000  }
0x31a: {  	s5 =	simm.s32 $0x7;
	v3 =	vmov s14;
	v5 =	vshrl.u32 v5, $0x3;
	[sflag:s31] =	ssyncset.done $0x0;
	v49 =	vld [tilespmem:$0x1FEB0]  }
0x31b: {  	s9 =	simm.s32 $0x2;
	v2 =	vmov s5;
	v3 =	vshrl.u32 v3, $0x3;
	v5 =	vshll.u32 v5, v1;
	v63 =	vld [tilespmem:$0x1FE80];
	[sflag:s31] =	ssyncadd.s32 $0xFFFFC000  }
0x31c: {  	s22 =	simm.s32 $0x3;
	v6 =	vmov s9;
	s5 =	simm.s32 $0xA5F0;
	v3 =	vshll.u32 v3, v1;
	v5 =	vbroadcast v5, $0x0;
	v36 =	vld [tilespmem:s19+$0x16800]  }
0x31d: {  	v6 =	vshrl.u32 v6, $0x3;
	v44 =	vbroadcast v3, $0x0;
	v3 =	vmov s22;
	v8 =	vld [tilespmem:s5+$0xFFFFFE50]  }
0x31e: {  	v6 =	vshll.u32 v6, v1;
	v3 =	vshrl.u32 v3, $0x3;
	v11 =	vadd.s32 v23, v5;
	v7 =	vld [tilespmem:s5+$0xFFFFFF10]  }
0x31f: {  	s13 =	simm.s32 $0x0;
	v37 =	vbroadcast v6, $0x0;
	v3 =	vshll.u32 v3, v1;
	v10 =	vadd.s32 v18, v5;
	v9 =	vld [tilespmem:s5+$0xFFFFFE90];
	[tilespmem:$0x1FBB0] =	vst v11  }
0x320: {  	v0 =	vmov s13;
	v21 =	vbroadcast v3, $0x0;
	v11 =	vld [tilespmem:s5+$0xFFFFFED0];
	v6 =	vadd.s32 v49, v44  }
0x321: {  	v0 =	vshrl.u32 v0, $0x3;
	v12 =	vadd.s32 v24, v37  }
0x322: {  	v17 =	vshll.u32 v0, v1;
	v35 =	vld [tilespmem:s19+$0x16810];
	v15 =	vadd.s32 v63, v21;
	v0 =	vadd.f32 v8, v36  }
0x323: {  	v34 =	vld [tilespmem:s19+$0x16820];
	v7 =	vadd.f32 v7, v36  }
0x324: {  	v33 =	vld [tilespmem:s19+$0x16830];
	v9 =	vadd.f32 v9, v36;
	[tilespmem:v10+s29+$0x0] =	vst.idx.msk $0xffff, v0  }
0x325: {  	[tilespmem:v6+s29+$0x0] =	vst.idx.msk $0xffff, v7;
	v7 =	vadd.f32 v11, v36  }
0x326: {  	[tilespmem:v12+s29+$0x0] =	vst.idx.msk $0xffff, v9  }
0x327: {  	[tilespmem:v15+s29+$0x0] =	vst.idx.msk $0xffff, v7  }
0x328: {  	v58 =	vmov v24;
	v24 =	vld [tilespmem:$0x1FE10]  }
0x329: {  	v3 =	vld [tilespmem:s5+$0xFFFFFE10]  }
0x32a: {  	v13 =	vld [tilespmem:s5+$0xFFFFFFD0]  }
0x32b: {  	v16 =	vld [tilespmem:s5+$0xFFFFFF90]  }
0x32c: {  	s20 =	simm.s32 $0x5;
	v0 =	vld [tilespmem:$0x1FEE0]  }
0x32d: {  	s26 =	simm.s32 $0x6;
	v4 =	vmov s20;
	v9 =	vadd.s32 v32, v5;
	v24 =	vadd.s32 v24, v5;
	v5 =	vld [tilespmem:$0x1FEF0]  }
0x32e: {  	v14 =	vmov s26;
	v4 =	vshrl.u32 v4, $0x3;
	v22 =	vld [tilespmem:$0x1FEA0]  }
0x32f: {  	v4 =	vshll.u32 v4, v1;
	v8 =	vshrl.u32 v14, $0x3;
	v14 =	vld [tilespmem:s5+$0xFFFFFF50]  }
0x330: {  	v2 =	vshrl.u32 v2, $0x3;
	v55 =	vbroadcast v4, $0x0;
	v4 =	vld [tilespmem:s5+$0xFFFFFE60]  }
0x331: {  	v2 =	vshll.u32 v2, v1;
	v10 =	vld [tilespmem:s5+$0xFFFFFEA0]  }
0x332: {  	v50 =	vbroadcast v2, $0x0;
	v12 =	vmovc v32;
	v32 =	vld [tilespmem:$0x1FE70];
	v2 =	vadd.s32 v0, v55;
	v5 =	vadd.s32 v5, v55  }
0x333: {  	v61 =	vmovc v18;
	v54 =	vbroadcast v17, $0x0;
	v8 =	vshll.u32 v8, v1;
	v6 =	vld [tilespmem:s5+$0xFFFFFF20];
	v18 =	vadd.s32 v22, v21;
	[tilespmem:$0x1FBA0] =	vst v2  }
0x334: {  	v52 =	vbroadcast v8, $0x0;
	v8 =	vadd.f32 v13, v36;
	v13 =	vld [tilespmem:s5+$0xFFFFFEE0];
	[tilespmem:$0x1FBD0] =	vst v18  }
0x335: {  	v18 =	vadd.s32 v25, v54;
	[tilespmem:$0x1FC00] =	vst v5;
	v5 =	vmov v25;
	v25 =	vld [tilespmem:$0x1FF50]  }
0x336: {  	v59 =	vld [tilespmem:$0x1FF00]  }
0x337: {  	v60 =	vld [tilespmem:$0x1FEC0];
	v17 =	vadd.s32 v32, v37  }
0x338: {  	v51 =	vld [tilespmem:$0x1FF10]  }
0x339: {  	v62 =	vadd.s32 v27, v54;
	v56 =	vld [tilespmem:$0x1FE90]  }
0x33a: {  	v57 =	vld [tilespmem:$0x1FF40];
	v19 =	vadd.f32 v4, v35;
	v4 =	vadd.f32 v10, v35;
	[tilespmem:$0x1FBE0] =	vst v21;
	v27 =	vadd.s32 v25, v50  }
0x33b: {  	v46 =	vld [tilespmem:$0x1FED0];
	[tilespmem:$0x1FBC0] =	vst v27  }
0x33c: {  	v2 =	vld [tilespmem:$0x1FF30];
	[tilespmem:v17+s29+$0x0] =	vst.idx.msk $0xffff, v4  }
0x33d: {  	v4 =	vld [tilespmem:$0x1FF20];
	_ =	sdelay $0x2  }
0x33e: {  	v7 =	vadd.s32 v59, v52;
	_ =	sdelay $0x1  }
0x33f: {  	s19 =	simm.s32 $0xA7F0;
	v4 =	vadd.s32 v4, v52  }
0x340: {  	s13 =	simm.s32 $0x9;
	v16 =	vadd.f32 v16, v36;
	v42 =	vld [tilespmem:s19+$0xFFFFFE50];
	[tilespmem:$0x1FBF0] =	vst v4;
	v4 =	vadd.s32 v47, v54  }
0x341: {  	v53 =	vmovc v23;
	v39 =	vmov s13;
	v41 =	vadd.s32 v30, v37;
	v23 =	vadd.s32 v46, v55;
	[tilespmem:$0x1FC10] =	vst v4  }
0x342: {  	v39 =	vshrl.u32 v39, $0x3;
	v3 =	vadd.f32 v3, v36;
	v11 =	vadd.s32 v60, v44;
	[tilespmem:v7+s29+$0x0] =	vst.idx.msk $0xffff, v16  }
0x343: {  	v14 =	vadd.f32 v14, v36;
	v6 =	vadd.f32 v6, v35;
	v15 =	vadd.s32 v2, v50;
	v46 =	vld [tilespmem:s5+$0xFFFFFFA0]  }
0x344: {  	s14 =	simm.s32 $0xC;
	s20 =	simm.s32 $0xA;
	v20 =	vadd.s32 v51, v52;
	v21 =	vadd.s32 v56, v21;
	v13 =	vadd.f32 v13, v35  }
0x345: {  	v38 =	vld [tilespmem:s5+$0xFFFFFEB0];
	v7 =	vmov s14;
	v16 =	vmov s20;
	[tilespmem:v9+s29+$0x0] =	vst.idx.msk $0xffff, v19;
	v19 =	vshll.u32 v39, v1  }
0x346: {  	s9 =	simm.s32 $0xF;
	[tilespmem:v23+s29+$0x0] =	vst.idx.msk $0xffff, v14;
	v16 =	vshrl.u32 v16, $0x3;
	v19 =	vbroadcast v19, $0x0;
	v7 =	vshrl.u32 v7, $0x3  }
0x347: {  	v40 =	vmov s9;
	[tilespmem:v11+s29+$0x0] =	vst.idx.msk $0xffff, v6;
	v14 =	vshll.u32 v16, v1;
	v16 =	vld [tilespmem:s5+$0xFFFFFE70];
	v7 =	vshll.u32 v7, v1  }
0x348: {  	v45 =	vld [tilespmem:s19+$0xFFFFFE90];
	[tilespmem:v15+s29+$0x0] =	vst.idx.msk $0xffff, v8;
	v39 =	vbroadcast v14, $0x0;
	v23 =	vadd.s32 v61, v19;
	v15 =	vadd.f32 v46, v35  }
0x349: {  	v17 =	vadd.s32 v48, v44;
	v48 =	vld [tilespmem:s19+$0xFFFFFF10];
	[tilespmem:v21+s29+$0x0] =	vst.idx.msk $0xffff, v13;
	v14 =	vshrl.u32 v40, $0x3;
	v40 =	vbroadcast v7, $0x0  }
0x34a: {  	v11 =	vadd.f32 v38, v34;
	v21 =	vadd.s32 v58, v39;
	[tilespmem:v20+s29+$0x0] =	vst.idx.msk $0xffff, v15;
	v20 =	vld [tilespmem:s5+$0xFFFFFFE0]  }
0x34b: {  	[tilespmem:v18+s29+$0x0] =	vst.idx.msk $0xffff, v3;
	v8 =	vadd.s32 v49, v40;
	v46 =	vadd.f32 v42, v36  }
0x34c: {  	s21 =	simm.s32 $0xD;
	v10 =	vadd.s32 v57, v50;
	[tilespmem:v41+s29+$0x0] =	vst.idx.msk $0xffff, v11;
	v16 =	vadd.f32 v16, v34  }
0x34d: {  	v9 =	vmov s21;
	v3 =	vadd.f32 v45, v36;
	[tilespmem:v23+s29+$0x0] =	vst.idx.msk $0xffff, v46  }
0x34e: {  	s8 =	simm.s32 $0x8;
	v9 =	vshrl.u32 v9, $0x3;
	[tilespmem:v24+s29+$0x0] =	vst.idx.msk $0xffff, v16;
	v24 =	vadd.f32 v48, v36  }
0x34f: {  	v43 =	vmov s8;
	v9 =	vshll.u32 v9, v1;
	[tilespmem:v21+s29+$0x0] =	vst.idx.msk $0xffff, v3;
	v3 =	vadd.f32 v20, v35  }
0x350: {  	v13 =	vshrl.u32 v43, $0x3;
	v43 =	vld [tilespmem:s19+$0xFFFFFFD0];
	v42 =	vbroadcast v9, $0x0;
	[tilespmem:v8+s29+$0x0] =	vst.idx.msk $0xffff, v24  }
0x351: {  	v7 =	vld [tilespmem:s19+$0xFFFFFE10];
	[tilespmem:v10+s29+$0x0] =	vst.idx.msk $0xffff, v3  }
0x352: {  	v47 =	vadd.s32 v0, v42;
	v0 =	vld [tilespmem:$0x1FBA0]  }
0x353: {  	v6 =	vld [tilespmem:s5+$0xFFFFFF60]  }
0x354: {  	s26 =	simm.s32 $0xE;
	s22 =	simm.s32 $0xB  }
0x355: {  	v58 =	vmov s22;
	v15 =	vmov s26  }
0x356: {  	v41 =	vshrl.u32 v58, $0x3;
	v16 =	vld [tilespmem:s5+$0xFFFFFF30];
	v15 =	vshrl.u32 v15, $0x3  }
0x357: {  	v18 =	vld [tilespmem:s5+$0xFFFFFE20];
	v48 =	vadd.f32 v7, v36;
	v7 =	vshll.u32 v15, v1;
	v15 =	vshll.u32 v41, v1  }
0x358: {  	v61 =	vld [tilespmem:s19+$0xFFFFFED0];
	v49 =	vadd.f32 v43, v36;
	v6 =	vadd.f32 v6, v35;
	v43 =	vbroadcast v15, $0x0;
	_ =	sdelay $0x1  }
0x359: {  	v8 =	vadd.s32 v63, v43;
	[tilespmem:v0+s29+$0x0] =	vst.idx.msk $0xffff, v6  }
0x35a: {  	v3 =	vadd.f32 v16, v34;
	v0 =	vld [tilespmem:$0x1FE20]  }
0x35b: {  	v10 =	vadd.f32 v18, v35  }
0x35c: {  	v24 =	vadd.s32 v12, v19;
	v12 =	vadd.f32 v61, v36;
	[tilespmem:v17+s29+$0x0] =	vst.idx.msk $0xffff, v3  }
0x35d: {  	[tilespmem:v62+s29+$0x0] =	vst.idx.msk $0xffff, v10  }
0x35e: {  	[tilespmem:v8+s29+$0x0] =	vst.idx.msk $0xffff, v12  }
0x35f: {  	v16 =	vadd.s32 v0, v44;
	v0 =	vld [tilespmem:$0x1FE30];
	_ =	sdelay $0x4  }
0x360: {  	v20 =	vadd.s32 v60, v40;
	v60 =	vadd.s32 v0, v55;
	v0 =	vld [tilespmem:$0x1FBB0]  }
0x361: {  	v41 =	vbroadcast v7, $0x0;
	v7 =	vld [tilespmem:s5+$0xFFFFFE80];
	_ =	sdelay $0x4  }
0x362: {  	v7 =	vadd.f32 v7, v33;
	_ =	sdelay $0x1  }
0x363: {  	[tilespmem:v0+s29+$0x0] =	vst.idx.msk $0xffff, v7  }
0x364: {  	v0 =	vld [tilespmem:$0x1FBC0]  }
0x365: {  	v6 =	vld [tilespmem:s5+$0xFFFFFFF0];
	_ =	sdelay $0x4  }
0x366: {  	v6 =	vadd.f32 v6, v34;
	_ =	sdelay $0x1  }
0x367: {  	[tilespmem:v0+s29+$0x0] =	vst.idx.msk $0xffff, v6  }
0x368: {  	v14 =	vshll.u32 v14, v1;
	v0 =	vld [tilespmem:$0x1FBD0]  }
0x369: {  	v45 =	vbroadcast v14, $0x0;
	v14 =	vld [tilespmem:s5+$0xFFFFFEF0];
	_ =	sdelay $0x2  }
0x36a: {  	v4 =	vld [tilespmem:s19+$0xFFFFFF90];
	_ =	sdelay $0x1  }
0x36b: {  	v12 =	vadd.f32 v14, v34;
	_ =	sdelay $0x1  }
0x36c: {  	v9 =	vld [tilespmem:s5+$0xFFFFFFB0];
	[tilespmem:v0+s29+$0x0] =	vst.idx.msk $0xffff, v12  }
0x36d: {  	v8 =	vadd.f32 v4, v36;
	v4 =	vld [tilespmem:$0x1FFB0]  }
0x36e: {  	v0 =	vld [tilespmem:$0x1FBE0];
	_ =	sdelay $0x4  }
0x36f: {  	v14 =	vadd.f32 v9, v34;
	v9 =	vadd.s32 v4, v0;
	v0 =	vld [tilespmem:$0x1FBF0];
	_ =	sdelay $0x2  }
0x370: {  	v11 =	vld [tilespmem:s19+$0xFFFFFF50];
	_ =	sdelay $0x4  }
0x371: {  	v62 =	vadd.f32 v11, v36;
	v11 =	vld [tilespmem:s5+$0xFFFFFF40];
	[tilespmem:v0+s29+$0x0] =	vst.idx.msk $0xffff, v14  }
0x372: {  	v0 =	vld [tilespmem:$0x1FE50];
	_ =	sdelay $0x4  }
0x373: {  	v12 =	vadd.f32 v11, v33;
	v11 =	vadd.s32 v0, v50;
	v0 =	vld [tilespmem:$0x1FC00]  }
0x374: {  	v10 =	vld [tilespmem:s5+$0xFFFFFF70];
	_ =	sdelay $0x4  }
0x375: {  	v10 =	vadd.f32 v10, v34;
	_ =	sdelay $0x1  }
0x376: {  	[tilespmem:v0+s29+$0x0] =	vst.idx.msk $0xffff, v10  }
0x377: {  	v0 =	vld [tilespmem:$0x1FE40];
	_ =	sdelay $0x1  }
0x378: {  	v17 =	vld [tilespmem:s19+$0xFFFFFE60];
	_ =	sdelay $0x2  }
0x379: {  	v10 =	vadd.s32 v0, v52;
	v0 =	vld [tilespmem:$0x1FE60]  }
0x37a: {  	v15 =	vld [tilespmem:s19+$0xFFFFFF20]  }
0x37b: {  	v13 =	vshll.u32 v13, v1;
	v18 =	vadd.f32 v17, v35;
	v17 =	vld [tilespmem:s5+$0xFFFFFE30]  }
0x37c: {  	v44 =	vbroadcast v13, $0x0;
	v7 =	vld [tilespmem:s19+$0xFFFFFEA0]  }
0x37d: {  	v4 =	vld [tilespmem:$0x1FE10];
	[tilespmem:v16+s29+$0x0] =	vst.idx.msk $0xffff, v12  }
0x37e: {  	v55 =	vadd.s32 v5, v44;
	v5 =	vadd.s32 v0, v54;
	v0 =	vld [tilespmem:$0x1FF80]  }
0x37f: {  	v38 =	vadd.s32 v53, v19;
	v53 =	vadd.s32 v2, v45;
	v2 =	vld [tilespmem:s5+$0x0];
	_ =	sdelay $0x1  }
0x380: {  	v13 =	vadd.f32 v15, v35;
	_ =	sdelay $0x1  }
0x381: {  	v14 =	vadd.f32 v7, v35;
	v54 =	vadd.s32 v0, v44;
	v0 =	vld [tilespmem:$0x1FED0];
	[tilespmem:v20+s29+$0x0] =	vst.idx.msk $0xffff, v13  }
0x382: {  	v7 =	vadd.f32 v17, v34;
	v17 =	vadd.f32 v2, v33;
	v2 =	vld [tilespmem:$0x1FEF0];
	_ =	sdelay $0x4  }
0x383: {  	v50 =	vadd.s32 v2, v42;
	v2 =	vld [tilespmem:$0x1FC10];
	_ =	sdelay $0x5  }
0x384: {  	v58 =	vld [tilespmem:s5+$0xFFFFFEC0]  }
0x385: {  	[tilespmem:v24+s29+$0x0] =	vst.idx.msk $0xffff, v18  }
0x386: {  	v6 =	vld [tilespmem:s19+$0xFFFFFEE0];
	[tilespmem:v2+s29+$0x0] =	vst.idx.msk $0xffff, v7  }
0x387: {  	v7 =	vld [tilespmem:$0x1FF20]  }
0x388: {  	v59 =	vadd.s32 v59, v41  }
0x389: {  	v46 =	vadd.s32 v22, v43;
	v61 =	vadd.f32 v58, v33;
	v58 =	vadd.s32 v51, v41;
	v15 =	vld [tilespmem:s5+$0xFFFFFF00]  }
0x38a: {  	v63 =	vadd.s32 v56, v43;
	v56 =	vadd.s32 v57, v45;
	v3 =	vadd.s32 v32, v39;
	v12 =	vld [tilespmem:s5+$0xFFFFFFC0]  }
0x38b: {  	v27 =	vmovc v25;
	v6 =	vadd.f32 v6, v35;
	v52 =	vadd.s32 v25, v45;
	v16 =	vadd.s32 v0, v42;
	v2 =	vld [tilespmem:s5+$0xFFFFFF80]  }
0x38c: {  	s8 =	simm.s32 $0x10;
	s13 =	simm.s32 $0xA9F0;
	v0 =	vadd.s32 v4, v19;
	v4 =	vadd.s32 v30, v39;
	v13 =	vld [tilespmem:s5+$0xFFFFFE40];
	v32 =	vmovc v7;
	v51 =	vadd.s32 v7, v41  }
.LBB2_15:
0x38d: {  	_ = 	snop  }
0x38e: {  	v7 =	vld [tilespmem:$0x1FF90];
	s9 =	smov.u32 s8;
	[tilespmem:v59+s29+$0x0] =	vst.idx.msk $0xffff, v8  }
0x38f: {  	v22 =	vld [tilespmem:$0x1FFF0];
	[tilespmem:v3+s29+$0x0] =	vst.idx.msk $0xffff, v14;
	s21 =	sadd.s32 $0x2, s9  }
0x390: {  	[tilespmem:v11+s29+$0x0] =	vst.idx.msk $0xffff, v17;
	v8 =	vld [tilespmem:s13+$0xFFFFFF90];
	v17 =	vmov s21;
	v3 =	vadd.f32 v15, v33  }
0x391: {  	[tilespmem:v16+s29+$0x0] =	vst.idx.msk $0xffff, v62;
	v21 =	vld [tilespmem:s19+$0xFFFFFEB0];
	v16 =	vshrl.u32 v17, $0x3;
	v13 =	vadd.f32 v13, v33  }
0x392: {  	v19 =	vmov s9;
	v12 =	vadd.f32 v12, v33;
	[tilespmem:v9+s29+$0x0] =	vst.idx.msk $0xffff, v3;
	v9 =	vshll.u32 v16, v1;
	v16 =	vld [tilespmem:s19+$0xFFFFFFA0]  }
0x393: {  	[tilespmem:v5+s29+$0x0] =	vst.idx.msk $0xffff, v13;
	v13 =	vshrl.u32 v19, $0x3;
	v19 =	vld [tilespmem:$0x1FFD0]  }
0x394: {  	v22 =	vadd.s32 v22, v37;
	[tilespmem:v10+s29+$0x0] =	vst.idx.msk $0xffff, v12;
	v12 =	vld [tilespmem:s19+$0xFFFFFE70]  }
0x395: {  	v18 =	vld [tilespmem:s13+$0xFFFFFE50];
	s14 =	sadd.s32 $0x4, s9;
	v3 =	vadd.f32 v2, v33  }
0x396: {  	v14 =	vmov s14;
	v23 =	vld [tilespmem:s13+$0xFFFFFE90];
	v37 =	vmov v39;
	v39 =	vbroadcast v9, $0x0;
	[tilespmem:v63+s29+$0x0] =	vst.idx.msk $0xffff, v6  }
0x397: {  	v17 =	vld [tilespmem:s19+$0xFFFFFF60];
	v10 =	vshrl.u32 v14, $0x3;
	[tilespmem:v60+s29+$0x0] =	vst.idx.msk $0xffff, v3  }
0x398: {  	v59 =	vld [tilespmem:$0x1FFC0];
	v3 =	vshll.u32 v10, v1;
	v10 =	vadd.f32 v21, v34;
	v19 =	vadd.s32 v19, v39  }
0x399: {  	v57 =	vadd.s32 v7, v44;
	v7 =	vld [tilespmem:$0x1FFA0];
	[tilespmem:v22+s29+$0x0] =	vst.idx.msk $0xffff, v61;
	v12 =	vadd.f32 v12, v34  }
0x39a: {  	s26 =	sadd.s32 $0x1, s9;
	v6 =	vld [tilespmem:$0x1FEB0];
	[tilespmem:v4+s29+$0x0] =	vst.idx.msk $0xffff, v10  }
0x39b: {  	v11 =	vmov s26;
	v60 =	vld [tilespmem:s13+$0xFFFFFF10];
	[tilespmem:v0+s29+$0x0] =	vst.idx.msk $0xffff, v12;
	v12 =	vadd.f32 v23, v36  }
0x39c: {  	s5 =	sadd.s32 $0x6, s9;
	v11 =	vshrl.u32 v11, $0x3;
	v0 =	vld [tilespmem:s19+$0xFFFFFEC0]  }
0x39d: {  	s0 =	sadd.s32 $0x7, s8;
	v3 =	vbroadcast v3, $0x0;
	v4 =	vadd.f32 v18, v36;
	v18 =	vmov s5;
	[tilespmem:v19+s29+$0x0] =	vst.idx.msk $0xffff, v12;
	v19 =	vld [tilespmem:$0x1FF00]  }
0x39e: {  	v20 =	vmov s0;
	v2 =	vshll.u32 v11, v1;
	v18 =	vshrl.u32 v18, $0x3  }
0x39f: {  	v24 =	vld [tilespmem:s19+$0xFFFFFF30];
	v2 =	vbroadcast v2, $0x0;
	v6 =	vadd.s32 v6, v3;
	v18 =	vshll.u32 v18, v1  }
0x3a0: {  	v25 =	vld [tilespmem:s13+$0xFFFFFFD0];
	v11 =	vshrl.u32 v20, $0x3;
	v18 =	vbroadcast v18, $0x0  }
0x3a1: {  	v14 =	vld [tilespmem:$0x1FF60];
	v11 =	vshll.u32 v11, v1;
	v20 =	vadd.s32 v59, v2;
	v7 =	vadd.s32 v7, v40  }
0x3a2: {  	v21 =	vadd.f32 v60, v36;
	v59 =	vadd.s32 v19, v18;
	v19 =	vbroadcast v11, $0x0;
	v11 =	vld [tilespmem:$0x1FEC0]  }
0x3a3: {  	v62 =	vld [tilespmem:$0x1FF70]  }
0x3a4: {  	v24 =	vadd.f32 v24, v34;
	v5 =	vld [tilespmem:s13+$0xFFFFFE10];
	[tilespmem:v6+s29+$0x0] =	vst.idx.msk $0xffff, v21  }
0x3a5: {  	[tilespmem:v53+s29+$0x0] =	vst.idx.msk $0xffff, v49;
	v12 =	vld [tilespmem:s13+$0xFFFFFF20]  }
0x3a6: {  	s20 =	sadd.s32 $0x5, s9;
	v14 =	vadd.s32 v14, v2;
	[tilespmem:v7+s29+$0x0] =	vst.idx.msk $0xffff, v24;
	v24 =	vld [tilespmem:$0x1FE30]  }
0x3a7: {  	v15 =	vmov s20;
	[tilespmem:v55+s29+$0x0] =	vst.idx.msk $0xffff, v48;
	v49 =	vadd.f32 v25, v36;
	v25 =	vadd.s32 v11, v3;
	v11 =	vld [tilespmem:$0x1FEE0]  }
0x3a8: {  	v15 =	vshrl.u32 v15, $0x3;
	v55 =	vld [tilespmem:s19+$0xFFFFFE20]  }
0x3a9: {  	v15 =	vshll.u32 v15, v1;
	v9 =	vld [tilespmem:s13+$0xFFFFFF50]  }
0x3aa: {  	v16 =	vadd.f32 v16, v35;
	v23 =	vld [tilespmem:s19+$0xFFFFFE80];
	v6 =	vbroadcast v15, $0x0  }
0x3ab: {  	v17 =	vadd.f32 v17, v35;
	[tilespmem:v14+s29+$0x0] =	vst.idx.msk $0xffff, v4;
	v14 =	vld [tilespmem:$0x1FE20]  }
0x3ac: {  	[tilespmem:v58+s29+$0x0] =	vst.idx.msk $0xffff, v16;
	v60 =	vadd.s32 v24, v42;
	v42 =	vmov v6;
	v11 =	vadd.s32 v11, v6;
	v6 =	vld [tilespmem:$0x1FFE0]  }
0x3ad: {  	s9 =	sadd.s32 $0x3, s9;
	[tilespmem:v47+s29+$0x0] =	vst.idx.msk $0xffff, v17;
	v15 =	vld [tilespmem:s19+$0xFFFFFFB0]  }
0x3ae: {  	v13 =	vshll.u32 v13, v1;
	v61 =	vmov s9;
	v7 =	vld [tilespmem:s19+$0xFFFFFF70]  }
0x3af: {  	v13 =	vbroadcast v13, $0x0;
	v22 =	vshrl.u32 v61, $0x3;
	v5 =	vadd.f32 v5, v36  }
0x3b0: {  	v22 =	vshll.u32 v22, v1;
	v21 =	vadd.s32 v62, v2;
	v62 =	vadd.f32 v9, v36  }
0x3b1: {  	v10 =	vld [tilespmem:s13+$0xFFFFFED0];
	v9 =	vadd.f32 v55, v35;
	v55 =	vadd.s32 v6, v13;
	v6 =	vadd.f32 v23, v33  }
0x3b2: {  	v48 =	vmovc v5;
	v5 =	vbroadcast v22, $0x0;
	v61 =	vadd.f32 v0, v33;
	v22 =	vadd.s32 v14, v40;
	v14 =	vld [tilespmem:s13+$0xFFFFFE60]  }
0x3b3: {  	v0 =	vadd.f32 v15, v34;
	[tilespmem:v38+s29+$0x0] =	vst.idx.msk $0xffff, v6;
	v6 =	vadd.f32 v7, v34;
	v7 =	vld [tilespmem:$0x1FF10]  }
0x3b4: {  	v16 =	vld [tilespmem:s19+$0xFFFFFFE0]  }
0x3b5: {  	[tilespmem:v51+s29+$0x0] =	vst.idx.msk $0xffff, v0;
	v0 =	vld [tilespmem:$0x1FE50]  }
0x3b6: {  	v40 =	vmov v3;
	v3 =	vld [tilespmem:$0x1FE80]  }
0x3b7: {  	v47 =	vmov v11;
	v11 =	vld [tilespmem:s19+$0xFFFFFF40]  }
0x3b8: {  	v58 =	vadd.s32 v7, v18;
	v7 =	vld [tilespmem:$0x1FFB0]  }
0x3b9: {  	v16 =	vadd.f32 v16, v35;
	_ =	sdelay $0x1  }
0x3ba: {  	v4 =	vadd.f32 v10, v36;
	v10 =	vld [tilespmem:s19+$0xFFFFFEF0];
	[tilespmem:v56+s29+$0x0] =	vst.idx.msk $0xffff, v16;
	v16 =	vadd.s32 v3, v5  }
0x3bb: {  	[tilespmem:v54+s29+$0x0] =	vst.idx.msk $0xffff, v9;
	v3 =	vld [tilespmem:$0x1FEA0]  }
0x3bc: {  	v9 =	vadd.s32 v7, v43;
	v7 =	vadd.f32 v11, v33;
	v11 =	vadd.s32 v0, v45;
	v0 =	vld [tilespmem:$0x1FF40];
	_ =	sdelay $0x2  }
0x3bd: {  	v10 =	vadd.f32 v10, v34;
	[tilespmem:v16+s29+$0x0] =	vst.idx.msk $0xffff, v4  }
0x3be: {  	v56 =	vadd.s32 v3, v5;
	v16 =	vld [tilespmem:s13+$0xFFFFFEE0];
	v45 =	vmov v19  }
0x3bf: {  	[tilespmem:v46+s29+$0x0] =	vst.idx.msk $0xffff, v10;
	v46 =	vmov v56;
	v56 =	vadd.s32 v0, v45;
	v0 =	vld [tilespmem:$0x1FE40];
	_ =	sdelay $0x2  }
0x3c0: {  	v63 =	vld [tilespmem:$0x1FF30]  }
0x3c1: {  	v43 =	vmov v5;
	v5 =	vld [tilespmem:$0x1FE90]  }
0x3c2: {  	v10 =	vadd.s32 v0, v41;
	v0 =	vld [tilespmem:$0x1FE60];
	_ =	sdelay $0x4  }
0x3c3: {  	v53 =	vadd.s32 v63, v19;
	v63 =	vadd.s32 v5, v43;
	v5 =	vadd.s32 v0, v44;
	v0 =	vld [tilespmem:$0x1FF80];
	_ =	sdelay $0x3  }
0x3c4: {  	v17 =	vld [tilespmem:s19+$0xFFFFFFF0];
	v44 =	vmov v13  }
0x3c5: {  	v54 =	vadd.s32 v0, v44;
	v0 =	vld [tilespmem:$0x1FED0];
	_ =	sdelay $0x3  }
0x3c6: {  	v24 =	vadd.f32 v12, v35;
	v12 =	vld [tilespmem:s13+$0xFFFFFEA0];
	v15 =	vadd.f32 v17, v34  }
0x3c7: {  	[tilespmem:v50+s29+$0x0] =	vst.idx.msk $0xffff, v6;
	v6 =	vadd.f32 v16, v35;
	v16 =	vadd.s32 v0, v42;
	v0 =	vld [tilespmem:$0x1FE10]  }
0x3c8: {  	[tilespmem:v52+s29+$0x0] =	vst.idx.msk $0xffff, v15;
	v4 =	vld [tilespmem:s19+$0xFFFFFE30]  }
0x3c9: {  	v17 =	vld [tilespmem:s19+$0x0]  }
0x3ca: {  	v3 =	vld [tilespmem:$0x1FE70];
	_ =	sdelay $0x1  }
0x3cb: {  	p0 =	slt.u32 s8, $0xF8;
	v23 =	vadd.f32 v14, v35;
	v0 =	vadd.s32 v0, v2;
	v2 =	vld [tilespmem:$0x1FEF0]  }
.Ltmp6:
0x3cc: {  	v4 =	vadd.f32 v4, v34;
	(pc) =	sbr.rel @p0 .LBB2_15-.Ltmp6, $4  }
0x3cd: {  	v8 =	vadd.f32 v8, v36;
	v14 =	vadd.f32 v12, v35;
	v12 =	vld [tilespmem:s19+$0xFFFFFFC0];
	[tilespmem:v21+s29+$0x0] =	vst.idx.msk $0xffff, v23  }
0x3ce: {  	v17 =	vadd.f32 v17, v33;
	v15 =	vld [tilespmem:s19+$0xFFFFFF00];
	v3 =	vadd.s32 v3, v39;
	[tilespmem:v57+s29+$0x0] =	vst.idx.msk $0xffff, v4  }
0x3cf: {  	v4 =	vadd.s32 v30, v39;
	v52 =	vadd.s32 v27, v45;
	[tilespmem:v22+s29+$0x0] =	vst.idx.msk $0xffff, v7;
	v41 =	vmov v18;
	v13 =	vld [tilespmem:s19+$0xFFFFFE40]  }
0x3d0: {  	s8 =	sadd.s32 $0x8, s8;
	v38 =	vmov v20;
	[tilespmem:v25+s29+$0x0] =	vst.idx.msk $0xffff, v24;
	v51 =	vadd.s32 v32, v41;
	v50 =	vadd.s32 v2, v42;
	v2 =	vld [tilespmem:s19+$0xFFFFFF80];
	s19 =	smov.u32 s13;
	s13 =	sadd.s32 $0x200, s13  }
0x3d1: {  	_ = 	snop  }
0x3d2: {  	v20 =	vld [tilespmem:$0x1FE10]  }
0x3d3: {  	v21 =	vld [tilespmem:$0x1FF70]  }
0x3d4: {  	v18 =	vld [tilespmem:$0x1FF60]  }
0x3d5: {  	v19 =	vld [tilespmem:$0x1FF80];
	[tilespmem:v59+s29+$0x0] =	vst.idx.msk $0xffff, v8  }
0x3d6: {  	[tilespmem:v3+s29+$0x0] =	vst.idx.msk $0xffff, v14  }
0x3d7: {  	[tilespmem:v53+s29+$0x0] =	vst.idx.msk $0xffff, v49  }
0x3d8: {  	[tilespmem:v11+s29+$0x0] =	vst.idx.msk $0xffff, v17  }
0x3d9: {  	v17 =	vld [tilespmem:$0x1FFF0];
	_ =	sdelay $0x1  }
0x3da: {  	v7 =	vld [tilespmem:s19+$0xFFFFFFE0]  }
0x3db: {  	[tilespmem:v16+s29+$0x0] =	vst.idx.msk $0xffff, v62  }
0x3dc: {  	v57 =	vadd.f32 v12, v33;
	[tilespmem:v55+s29+$0x0] =	vst.idx.msk $0xffff, v48  }
0x3dd: {  	[tilespmem:v63+s29+$0x0] =	vst.idx.msk $0xffff, v6;
	v3 =	vadd.f32 v15, v33;
	v53 =	vadd.s32 v17, v37  }
0x3de: {  	[tilespmem:v10+s29+$0x0] =	vst.idx.msk $0xffff, v57;
	v2 =	vadd.f32 v2, v33  }
0x3df: {  	[tilespmem:v9+s29+$0x0] =	vst.idx.msk $0xffff, v3;
	v7 =	vadd.f32 v7, v35  }
0x3e0: {  	[tilespmem:v60+s29+$0x0] =	vst.idx.msk $0xffff, v2  }
0x3e1: {  	v3 =	vld [tilespmem:s19+$0xFFFFFFA0];
	[tilespmem:v56+s29+$0x0] =	vst.idx.msk $0xffff, v7  }
0x3e2: {  	v59 =	vld [tilespmem:s19+$0xFFFFFF60];
	[tilespmem:v53+s29+$0x0] =	vst.idx.msk $0xffff, v61  }
0x3e3: {  	v15 =	vld [tilespmem:$0x1FFA0]  }
0x3e4: {  	v2 =	vld [tilespmem:s19+$0xFFFFFE20]  }
0x3e5: {  	v60 =	vld [tilespmem:s19+$0xFFFFFE70]  }
0x3e6: {  	v3 =	vadd.f32 v3, v35;
	v61 =	vld [tilespmem:s19+$0xFFFFFF30]  }
0x3e7: {  	v62 =	vadd.f32 v59, v35;
	v7 =	vld [tilespmem:s19+$0xFFFFFFF0]  }
0x3e8: {  	v32 =	vadd.f32 v13, v33;
	[tilespmem:v58+s29+$0x0] =	vst.idx.msk $0xffff, v3;
	v3 =	vld [tilespmem:s19+$0xFFFFFEF0];
	v63 =	vadd.s32 v15, v40  }
0x3e9: {  	v2 =	vadd.f32 v2, v35;
	[tilespmem:v47+s29+$0x0] =	vst.idx.msk $0xffff, v62  }
0x3ea: {  	v37 =	vadd.f32 v60, v34;
	[tilespmem:v5+s29+$0x0] =	vst.idx.msk $0xffff, v32  }
0x3eb: {  	[tilespmem:v54+s29+$0x0] =	vst.idx.msk $0xffff, v2;
	v8 =	vadd.f32 v61, v34  }
0x3ec: {  	v36 =	vld [tilespmem:s19+$0xFFFFFFB0];
	[tilespmem:v0+s29+$0x0] =	vst.idx.msk $0xffff, v37;
	v2 =	vadd.f32 v7, v34  }
0x3ed: {  	v6 =	vld [tilespmem:s19+$0xFFFFFF70];
	v3 =	vadd.f32 v3, v34;
	[tilespmem:v63+s29+$0x0] =	vst.idx.msk $0xffff, v8  }
0x3ee: {  	v14 =	vld [tilespmem:$0x1FF90];
	[tilespmem:v52+s29+$0x0] =	vst.idx.msk $0xffff, v2  }
0x3ef: {  	v47 =	vld [tilespmem:s19+$0xFFFFFEB0];
	[tilespmem:v46+s29+$0x0] =	vst.idx.msk $0xffff, v3  }
0x3f0: {  	v16 =	vld [tilespmem:$0x1FE20]  }
0x3f1: {  	v0 =	vld [tilespmem:s19+$0xFFFFFE30]  }
0x3f2: {  	v5 =	vld [tilespmem:s19+$0xFFFFFE80];
	v49 =	vadd.f32 v36, v34  }
0x3f3: {  	v8 =	vld [tilespmem:s19+$0xFFFFFF40];
	v2 =	vadd.f32 v6, v34;
	v48 =	vadd.s32 v14, v44  }
0x3f4: {  	v52 =	vadd.f32 v47, v34;
	v3 =	vld [tilespmem:s19+$0x0];
	[tilespmem:v51+s29+$0x0] =	vst.idx.msk $0xffff, v49  }
0x3f5: {  	v9 =	vld [tilespmem:$0x1FE50];
	[tilespmem:v50+s29+$0x0] =	vst.idx.msk $0xffff, v2;
	v53 =	vadd.s32 v16, v40  }
0x3f6: {  	v0 =	vadd.f32 v0, v34;
	v54 =	vld [tilespmem:s19+$0xFFFFFF00];
	[tilespmem:v4+s29+$0x0] =	vst.idx.msk $0xffff, v52  }
0x3f7: {  	v55 =	vadd.f32 v5, v33;
	v24 =	vld [tilespmem:$0x1FFB0]  }
0x3f8: {  	v59 =	vld [tilespmem:$0x1FE40];
	v8 =	vadd.f32 v8, v33;
	[tilespmem:v48+s29+$0x0] =	vst.idx.msk $0xffff, v0  }
0x3f9: {  	v0 =	vld [tilespmem:$0x1FE30];
	[tilespmem:v38+s29+$0x0] =	vst.idx.msk $0xffff, v55  }
0x3fa: {  	v58 =	vld [tilespmem:s19+$0xFFFFFEC0];
	[tilespmem:v53+s29+$0x0] =	vst.idx.msk $0xffff, v8  }
0x3fb: {  	v9 =	vadd.s32 v9, v45;
	v10 =	vld [tilespmem:$0x1FE60]  }
0x3fc: {  	v62 =	vadd.s32 v17, v39;
	v2 =	vld [tilespmem:s19+$0xFFFFFFC0]  }
0x3fd: {  	v57 =	vld [tilespmem:s19+$0xFFFFFF80];
	v56 =	vadd.s32 v24, v43  }
0x3fe: {  	v3 =	vadd.f32 v3, v33;
	v13 =	vadd.s32 v59, v41;
	v60 =	vld [tilespmem:s19+$0xFFFFFE40]  }
0x3ff: {  	v63 =	vadd.f32 v58, v33;
	v0 =	vadd.s32 v0, v42  }
0x400: {  	s0 =	sshll.u32 s15, $0x8;
	v61 =	vadd.f32 v54, v33;
	[tilespmem:v9+s29+$0x0] =	vst.idx.msk $0xffff, v3;
	v10 =	vadd.s32 v10, v44  }
0x401: {  	s0 =	sand.u32 $0xF00, s0;
	v2 =	vadd.f32 v2, v33;
	[tilespmem:v62+s29+$0x0] =	vst.idx.msk $0xffff, v63  }
0x402: {  	s0 =	sor.u32 s25, s0;
	v3 =	vadd.f32 v57, v33;
	[tilespmem:v56+s29+$0x0] =	vst.idx.msk $0xffff, v61  }
0x403: {  	s0 =	sshrl.u32 s0, $0x3;
	[tilespmem:v13+s29+$0x0] =	vst.idx.msk $0xffff, v2;
	v2 =	vadd.f32 v60, v33  }
0x404: {  	s8 =	simm.s32 $0x12600;
	s5 =	sadd.s32 s6, s0;
	[tilespmem:v0+s29+$0x0] =	vst.idx.msk $0xffff, v3  }
0x405: {  	v22 =	vmovc v30;
	s13 =	simm.s32 $0x200;
	s15 =	simm.s32 $0x12708;
	s14 =	sadd.s32 $0x0, s5;
	v40 =	vmov v14;
	v58 =	vmov v15;
	v0 =	vmov v24;
	[tilespmem:v10+s29+$0x0] =	vst.idx.msk $0xffff, v2  }
.LBB2_17:
0x406: {  	[hbm4b:s14+s2] =	stream.linear.scatter [tilespmem:s8], [sflag:$0x4], $0x100, $0x38;
	[tilespmem:$0x19A00] =	vst v63  }
0x407: {  	s0 =	smov.u32 s13;
	s8 =	smov.u32 s15;
	p0 =	sne.s32 s13, $0x7E00  }
.Ltmp7:
0x408: {  	s13 =	sadd.s32 $0x200, s13;
	(pc) =	sbr.rel @p0 .LBB2_17-.Ltmp7, $2  }
0x409: {  	_ =	sdelay $0x2  }
0x40a: {  	s15 =	sadd.s32 $0x108, s15;
	s14 =	sadd.s32 s0, s5  }
0x40b: {  	v41 =	vld [tilespmem:$0x1FE70]  }
0x40c: {  	v25 =	vmov v26;
	v26 =	vld [tilespmem:$0x1FE80]  }
0x40d: {  	v39 =	vld [tilespmem:$0x1FE90]  }
0x40e: {  	v51 =	vld [tilespmem:$0x1FEA0]  }
0x40f: {  	v57 =	vld [tilespmem:$0x1FEB0]  }
0x410: {  	s1 =	sadd.s32 $0x1, s1;
	v24 =	vmov v28;
	v28 =	vld [tilespmem:$0x1FEC0]  }
0x411: {  	v53 =	vld [tilespmem:$0x1FED0];
	p0 =	sne.s32 s1, $0x31  }
.Ltmp8:
0x412: {  	v27 =	vld [tilespmem:$0x1FF00];
	(pc) =	sbr.rel @p0 .LBB2_10-.Ltmp8, $4  }
0x413: {  	v50 =	vmov v21;
	v21 =	vmov v31;
	v31 =	vld [tilespmem:$0x1FF10]  }
0x414: {  	v32 =	vld [tilespmem:$0x1FF30]  }
0x415: {  	v45 =	vld [tilespmem:$0x1FF40]  }
0x416: {  	[hbm4b:s14+s2] =	stream.linear.scatter [tilespmem:s8], [sflag:$0x4], $0x100, $0x38;
	v47 =	vmov v19;
	v23 =	vmov v29;
	v48 =	vld [tilespmem:$0x1FF50]  }
0x417: {  	_ =	swait.ge [sflag:s23], $0x2000  }
0x418: {  	[sflag:s23] =	ssyncset.done $0x0  }
0x419: {  	[sflag:s23] =	ssyncadd.s32 $0xFFFFE000  }
0x41a: {  	_ =	swait.ge [sflag:s23], $0x2000  }
0x41b: {  	[sflag:s23] =	ssyncset.done $0x0  }
0x41c: {  	[sflag:s23] =	ssyncadd.s32 $0xFFFFE000  }
0x41d: {  	_ =	swait.ge [sflag:s30], $0x4000  }
0x41e: {  	[sflag:s30] =	ssyncset.done $0x0  }
0x41f: {  	[sflag:s30] =	ssyncadd.s32 $0xFFFFC000  }
0x420: {  	_ =	swait.ge [sflag:s31], $0x4000  }
0x421: {  	s1 =	rddreg [dreg:$0x7]  }
0x422: {  	s0 =	rddreg [dreg:$0x6];
	s1 =	sadd.s32 $0x1, s1  }
0x423: {  	p0 =	sne.s32 s1, s0  }
.Ltmp9:
0x424: {  	_ = 	snop;
	(pc) =	sbr.rel @p0 .LBB2_1-.Ltmp9, $4  }
0x425: {  	_ = 	snop  }
0x426: {  	v30 =	vld [tilespmem:$0x1FEE0]  }
0x427: {  	[sflag:s31] =	ssyncset.done $0x0;
	v20 =	vld [tilespmem:$0x1FEF0]  }
0x428: {  	v29 =	vmov v0;
	s9 =	rddreg [dreg:$0x5];
	v37 =	vld [tilespmem:$0x1FF20];
	[sflag:s31] =	ssyncadd.s32 $0xFFFFC000  }
0x429: {  	_ =	sfence.sel $0x180000  }
0x42a: {  	[bflag:$0x0] =	sbarrier.arrive $0xFFFF  }
0x42b: {  	_ =	strace $0x90000047  }
0x42c: {  	s0 =	stileid.u32;
	[bflag:$0x2] =	sbarrier.arrive $0xFFFF  }
0x42d: {  	p0 =	sne.s32 s0, $0x0;
	s0 =	rddreg [dreg:$0x2]  }
0x42e: {  	s0 =	sadd.s32 @!p0 $0x100000, s0  }
0x42f: {  	[sflag:s0] =	ssyncadd.tile.s32 @!p0 $0x1;
	_ =	shalt  }
.Lfunc_end2:
_tile_overlayer_lowered:
.L_overlay_start_2:
0x430: {  	(tag) =	ssettag $0x2  }
0x431: {  	s0 =	rddreg [dreg:$0x0];
	s2 =	stileid.u32  }
0x432: {  	s1 =	rddreg [dreg:$0x1];
	p0 =	sne.s32 s2, $0x0  }
0x433: {  	s3 =	rddreg [dreg:$0x2];
	[bflag:$0x3] =	sbarrier.arrive $0xFFFF;
	s2 =	simm.s32 @!p0 $0x1C05  }
0x434: {  	[timem:s3], [sflag:s2] =	dma.local @!p0 [hbm:s0], s1  }
0x435: {  	s0 =	simm.s32 @!p0 $0x5  }
0x436: {  	_ =	swait.ge @!p0 [sflag:s0], s1  }
0x437: {  	s1 =	ssub.s32 @!p0 $0x0, s1;
	[sflag:s0] =	ssyncset.done @!p0 $0x0  }
0x438: {  	[sflag:s0] =	ssyncadd.s32 @!p0 s1  }
0x439: {  	[bflag:$0x3] =	sbarrier.arrive $0xFFFF  }
0x43a: {  	_ =	shalt  }

</sc_bundles>
